<compile_context>
chip_gen: v7x
topology: tpu7x:2x2x1
jax: 0.10.2.dev20260603
libtpu: 0.0.44.dev20260713+nightly
codegen_flags: <defaults>
</compile_context>

<pallas_src>
import functools

import jax
import jax.numpy as jnp
from jax import lax
from jax.experimental import pallas as pl
from jax.experimental.pallas import tpu as pltpu
from jax.experimental.pallas import tpu_sc as plsc

EMBED_DIM = 32
_NC = 2
_NS = 16
_NW = _NC * _NS
_CHUNK = 512
_NBUF = 4

_LANE = 128
_SUB = 8


@functools.lru_cache(maxsize=None)
def _make_detile(n_vocab: int, dim: int):
    n_full = (n_vocab // _LANE // _NW) * _NW
    n_cols = n_vocab // _LANE
    tail_cols = n_cols - n_full
    rem = n_vocab - n_cols * _LANE
    assert dim == 32 and rem % 16 == 0
    n_outer = n_full // _NW // 2
    assert n_outer * 2 * _NW == n_full
    mesh = plsc.VectorSubcoreMesh(core_axis_name="c", subcore_axis_name="s")

    @functools.partial(
        pl.kernel,
        mesh=mesh,
        out_type=jax.ShapeDtypeStruct((n_vocab * dim,), jnp.float32),
        scratch_types=(
            [pltpu.VMEM((dim, _LANE), jnp.float32) for _ in range(2)]
            + [pltpu.VMEM((_LANE * (dim + 1),), jnp.float32)]
            + [pltpu.VMEM((_LANE * dim,), jnp.float32) for _ in range(2)]
            + [pltpu.SemaphoreType.DMA for _ in range(4)]
        ),
        compiler_params=pltpu.CompilerParams(needs_layout_passes=False),
    )
    def detile(tt_hbm, tail_hbm, out_hbm, in0, in1, skew, o0, o1,
               si0, si1, so0, so1):
        wid = lax.axis_index("s") * _NC + lax.axis_index("c")
        pitch = dim + 1
        iota33 = lax.iota(jnp.int32, 16) * pitch

        def load_col(buf, sem, c):
            for r in range(dim // _SUB):
                pltpu.async_copy(
                    tt_hbm.at[pl.ds(_SUB * r, _SUB), pl.ds(c * _LANE, _LANE)],
                    buf.at[pl.ds(_SUB * r, _SUB), :], sem)

        def wait_col(buf, sem):
            pltpu.make_async_copy(
                tt_hbm.at[pl.ds(0, dim), pl.ds(0, _LANE)], buf, sem).wait()

        def transpose_col(in_buf, out_buf, width):
            def body(vb, carry):
                vv0 = vb * 16
                for d in range(dim):
                    v = in_buf[d, pl.ds(vv0, 16)]
                    plsc.store_scatter(skew, [iota33 + (vv0 * pitch + d)], v)
                return carry
            lax.fori_loop(0, width // 16, body, 0)

            def body2(v2, carry):
                for r in range(2):
                    vv = v2 * 2 + r
                    for h in range(2):
                        out_buf[pl.ds(vv * dim + h * 16, 16)] = (
                            skew[pl.ds(vv * pitch + h * 16, 16)])
                return carry
            lax.fori_loop(0, width // 2, body2, 0)

        bufs = ((in0, si0, o0, so0), (in1, si1, o1, so1))

        load_col(in0, si0, wid)

        def outer(g, carry):
            for ph in range(2):
                t = g * 2 + ph
                in_c, si_c, o_c, so_c = bufs[ph]
                in_n, si_n = bufs[1 - ph][:2]
                c = t * _NW + wid
                wait_col(in_c, si_c)

                @pl.when(t + 1 < n_full // _NW)
                def _():
                    load_col(in_n, si_n, (t + 1) * _NW + wid)

                @pl.when(t >= 2)
                def _():
                    pltpu.make_async_copy(
                        o_c, out_hbm.at[pl.ds(0, _LANE * dim)], so_c).wait()

                transpose_col(in_c, o_c, _LANE)
                pltpu.async_copy(
                    o_c, out_hbm.at[pl.ds(c * _LANE * dim, _LANE * dim)], so_c)
            return carry

        lax.fori_loop(0, n_outer, outer, 0)
        for o_c, so_c in ((o0, so0), (o1, so1)):
            pltpu.make_async_copy(
                o_c, out_hbm.at[pl.ds(0, _LANE * dim)], so_c).wait()

        @pl.when(wid < tail_cols)
        def _():
            c = n_full + wid
            load_col(in0, si0, c)
            wait_col(in0, si0)
            transpose_col(in0, o0, _LANE)
            pltpu.sync_copy(o0, out_hbm.at[pl.ds(c * _LANE * dim, _LANE * dim)])

        if rem:
            @pl.when(wid == tail_cols)
            def _():
                pltpu.sync_copy(tail_hbm, o0.at[pl.ds(0, rem * dim)])
                pltpu.sync_copy(o0.at[pl.ds(0, rem * dim)],
                                out_hbm.at[pl.ds(n_cols * _LANE * dim, rem * dim)])

    return detile


@functools.lru_cache(maxsize=None)
def _make_gather(n_rows: int):
    per_w = n_rows // _NW
    assert per_w * _NW == n_rows
    n_outer = per_w // (_NBUF * _CHUNK)
    assert n_outer * _NBUF * _CHUNK == per_w
    mesh = plsc.VectorSubcoreMesh(core_axis_name="c", subcore_axis_name="s")

    @functools.partial(
        pl.kernel,
        mesh=mesh,
        out_type=jax.ShapeDtypeStruct((n_rows, EMBED_DIM), jnp.float32),
        scratch_types=(
            [pltpu.VMEM((_CHUNK,), jnp.int32) for _ in range(_NBUF)]
            + [pltpu.VMEM((_CHUNK, EMBED_DIM), jnp.float32) for _ in range(_NBUF)]
            + [pltpu.SemaphoreType.DMA for _ in range(2 * _NBUF)]
        ),
        compiler_params=pltpu.CompilerParams(use_tc_tiling_on_sc=False),
    )
    def gather(idx_hbm, table_hbm, out_hbm, *scratch):
        idxs = scratch[:_NBUF]
        rows = scratch[_NBUF:2 * _NBUF]
        sem_g = scratch[2 * _NBUF:3 * _NBUF]
        sem_w = scratch[3 * _NBUF:]
        wid = lax.axis_index("s") * _NC + lax.axis_index("c")
        base = wid * per_w

        def start_gather(b, chunk_id):
            off = base + chunk_id * _CHUNK
            pltpu.sync_copy(idx_hbm.at[pl.ds(off, _CHUNK)], idxs[b])
            pltpu.async_copy(table_hbm.at[idxs[b]], rows[b], sem_g[b])

        for b in range(_NBUF):
            start_gather(b, b)

        def outer(g, carry):
            for b in range(_NBUF):
                off = base + (g * _NBUF + b) * _CHUNK
                pltpu.make_async_copy(
                    table_hbm.at[idxs[b]], rows[b], sem_g[b]).wait()
                pltpu.async_copy(rows[b], out_hbm.at[pl.ds(off, _CHUNK)],
                                 sem_w[b])
            for b in range(_NBUF):
                @pl.when(g < n_outer - 1)
                def _():
                    pltpu.make_async_copy(
                        rows[b], out_hbm.at[pl.ds(0, _CHUNK)], sem_w[b]).wait()
                    start_gather(b, (g + 1) * _NBUF + b)
            return carry

        lax.fori_loop(0, n_outer, outer, 0)
        for b in range(_NBUF):
            pltpu.make_async_copy(
                rows[b], out_hbm.at[pl.ds(0, _CHUNK)], sem_w[b]).wait()

    return gather


def kernel(X, table):
    n_vocab, dim = table.shape
    n_cols = n_vocab // _LANE
    tail = table[n_cols * _LANE:, :].reshape(-1)
    t_lin = _make_detile(n_vocab, dim)(table.T, tail)
    t2d = t_lin.reshape(n_vocab, dim)
    xt = X.T.reshape(-1).astype(jnp.int32)
    out = _make_gather(xt.shape[0])(xt, t2d)
    n_i, n_j = X.shape
    return out.reshape(n_j, n_i, dim).transpose(1, 0, 2)

# --- scband reference (transcript-rebuilt; emitter-appended) ---
"""Pipeline reference for scband-embed-model-43954695307981 (READ-ONLY COPY).

The authoritative reference and input builder live on the scoring server;
editing this copy changes nothing except your own understanding.
"""

import jax, jax.numpy as jnp
import numpy as np

NUM_EMBEDDINGS = 1000000
EMBEDDING_DIM = 32

def setup_inputs(seed: int = 0) -> dict:
    key = jax.random.key(seed)
    k_idx, k_tab = jax.random.split(key)
    X = jax.random.randint(k_idx, (16384, 200), 0, NUM_EMBEDDINGS, dtype=jnp.int64) if jax.config.jax_enable_x64 else jax.random.randint(k_idx, (16384, 200), 0, NUM_EMBEDDINGS, dtype=jnp.int32)
    table = jax.random.normal(k_tab, (NUM_EMBEDDINGS, EMBEDDING_DIM), dtype=jnp.float32)
    return {"X": X, "table": table}

def reference(X, table):
    # torch.nn.Embedding forward: row gather from the embedding table
    return jnp.take(table, X, axis=0)

if __name__ == "__main__":
    import jax
    _d = setup_inputs()
    print(jax.jit(kernel)(*tuple(_d.values())))

</pallas_src>

<mosaic_0001>
#map = affine_map<(d0, d1) -> (0, 0)>
#map1 = affine_map<(d0, d1) -> (0)>
module attributes {stable_mosaic.version = 14 : i64} {
  func.func @detile(%arg0: i32, %arg1: i32, %arg2: memref<32x1000000xf32, #tpu.memory_space<hbm>>, %arg3: memref<2048xf32, #tpu.memory_space<hbm>>, %arg4: memref<32000000xf32, #tpu.memory_space<hbm>>, %arg5: memref<32x128xf32, #tpu.memory_space<vmem>>, %arg6: memref<32x128xf32, #tpu.memory_space<vmem>>, %arg7: memref<4224xf32, #tpu.memory_space<vmem>>, %arg8: memref<4096xf32, #tpu.memory_space<vmem>>, %arg9: memref<4096xf32, #tpu.memory_space<vmem>>, %arg10: memref<!tpu.dma_semaphore, #tpu.memory_space<semaphore_mem>>, %arg11: memref<!tpu.dma_semaphore, #tpu.memory_space<semaphore_mem>>, %arg12: memref<!tpu.dma_semaphore, #tpu.memory_space<semaphore_mem>>, %arg13: memref<!tpu.dma_semaphore, #tpu.memory_space<semaphore_mem>>) attributes {dimension_semantics = [#tpu.dimension_semantics<core_parallel>, #tpu.dimension_semantics<subcore_parallel>], iteration_bounds = array<i64: 2, 16>, scalar_prefetch = 0 : i64, scratch_operands = 9 : i64, tpu.core_type = #tpu.core_type<sc_vector_subcore>, window_params = [{transform_indices = #map}, {transform_indices = #map1}, {transform_indices = #map1}]} {
    %mul3A = arith.constant 2 : i32
    %mul3A_0 = arith.muli %arg1, %mul3A : i32
    %add3A = arith.addi %mul3A_0, %arg0 : i32
    %iota3A = tpu.iota {dimensions = array<i32: 0>} : vector<16xi32>
    %mul3A_1 = arith.constant 33 : i32
    %mul3A_2 = vector.broadcast %mul3A_1 : i32 to vector<16xi32>
    %mul3A_3 = arith.muli %iota3A, %mul3A_2 : vector<16xi32>
    %mul3A_4 = arith.constant 128 : i32
    %mul3A_5 = arith.muli %add3A, %mul3A_4 : i32
    %dma_start3A = arith.constant 0 : i32
    %dma_start3A_6 = arith.constant 0 : i32
    %dma_start3A_7 = tpu.memref_slice %arg5[%dma_start3A, %dma_start3A_6] : memref<32x128xf32, #tpu.memory_space<vmem>> -> memref<8x128xf32, #tpu.memory_space<vmem>>
    %dma_start3A_8 = arith.constant 0 : i32
    %dma_start3A_9 = tpu.memref_slice %arg2[%dma_start3A_8, %mul3A_5] : memref<32x1000000xf32, #tpu.memory_space<hbm>> -> memref<8x128xf32, #tpu.memory_space<hbm>>
    %dma_start3A_10 = arith.constant 0 : i32
    %dma_start3A_11 = arith.constant 0 : i32
    %dma_start3A_12 = tpu.memref_slice %arg5[%dma_start3A_10, %dma_start3A_11] : memref<32x128xf32, #tpu.memory_space<vmem>> -> memref<8x128xf32, #tpu.memory_space<vmem>>
    %dma_start3A_13 = arith.constant 0 : i32
    %dma_start3A_14 = tpu.memref_slice %arg2[%dma_start3A_13, %mul3A_5] : memref<32x1000000xf32, #tpu.memory_space<hbm>> -> memref<8x128xf32, #tpu.memory_space<hbm>>
    tpu.enqueue_dma source(%dma_start3A_14 : memref<8x128xf32, #tpu.memory_space<hbm>>) target(%dma_start3A_12 : memref<8x128xf32, #tpu.memory_space<vmem>>) target_semaphore(%arg10 : memref<!tpu.dma_semaphore, #tpu.memory_space<semaphore_mem>>)
    %mul3A_15 = arith.constant 128 : i32
    %mul3A_16 = arith.muli %add3A, %mul3A_15 : i32
    %dma_start3A_17 = arith.constant 8 : i32
    %dma_start3A_18 = arith.constant 0 : i32
    %dma_start3A_19 = tpu.memref_slice %arg5[%dma_start3A_17, %dma_start3A_18] : memref<32x128xf32, #tpu.memory_space<vmem>> -> memref<8x128xf32, #tpu.memory_space<vmem>>
    %dma_start3A_20 = arith.constant 8 : i32
    %dma_start3A_21 = tpu.memref_slice %arg2[%dma_start3A_20, %mul3A_16] : memref<32x1000000xf32, #tpu.memory_space<hbm>> -> memref<8x128xf32, #tpu.memory_space<hbm>>
    %dma_start3A_22 = arith.constant 8 : i32
    %dma_start3A_23 = arith.constant 0 : i32
    %dma_start3A_24 = tpu.memref_slice %arg5[%dma_start3A_22, %dma_start3A_23] : memref<32x128xf32, #tpu.memory_space<vmem>> -> memref<8x128xf32, #tpu.memory_space<vmem>>
    %dma_start3A_25 = arith.constant 8 : i32
    %dma_start3A_26 = tpu.memref_slice %arg2[%dma_start3A_25, %mul3A_16] : memref<32x1000000xf32, #tpu.memory_space<hbm>> -> memref<8x128xf32, #tpu.memory_space<hbm>>
    tpu.enqueue_dma source(%dma_start3A_26 : memref<8x128xf32, #tpu.memory_space<hbm>>) target(%dma_start3A_24 : memref<8x128xf32, #tpu.memory_space<vmem>>) target_semaphore(%arg10 : memref<!tpu.dma_semaphore, #tpu.memory_space<semaphore_mem>>)
    %mul3A_27 = arith.constant 128 : i32
    %mul3A_28 = arith.muli %add3A, %mul3A_27 : i32
    %dma_start3A_29 = arith.constant 16 : i32
    %dma_start3A_30 = arith.constant 0 : i32
    %dma_start3A_31 = tpu.memref_slice %arg5[%dma_start3A_29, %dma_start3A_30] : memref<32x128xf32, #tpu.memory_space<vmem>> -> memref<8x128xf32, #tpu.memory_space<vmem>>
    %dma_start3A_32 = arith.constant 16 : i32
    %dma_start3A_33 = tpu.memref_slice %arg2[%dma_start3A_32, %mul3A_28] : memref<32x1000000xf32, #tpu.memory_space<hbm>> -> memref<8x128xf32, #tpu.memory_space<hbm>>
    %dma_start3A_34 = arith.constant 16 : i32
    %dma_start3A_35 = arith.constant 0 : i32
    %dma_start3A_36 = tpu.memref_slice %arg5[%dma_start3A_34, %dma_start3A_35] : memref<32x128xf32, #tpu.memory_space<vmem>> -> memref<8x128xf32, #tpu.memory_space<vmem>>
    %dma_start3A_37 = arith.constant 16 : i32
    %dma_start3A_38 = tpu.memref_slice %arg2[%dma_start3A_37, %mul3A_28] : memref<32x1000000xf32, #tpu.memory_space<hbm>> -> memref<8x128xf32, #tpu.memory_space<hbm>>
    tpu.enqueue_dma source(%dma_start3A_38 : memref<8x128xf32, #tpu.memory_space<hbm>>) target(%dma_start3A_36 : memref<8x128xf32, #tpu.memory_space<vmem>>) target_semaphore(%arg10 : memref<!tpu.dma_semaphore, #tpu.memory_space<semaphore_mem>>)
    %mul3A_39 = arith.constant 128 : i32
    %mul3A_40 = arith.muli %add3A, %mul3A_39 : i32
    %dma_start3A_41 = arith.constant 24 : i32
    %dma_start3A_42 = arith.constant 0 : i32
    %dma_start3A_43 = tpu.memref_slice %arg5[%dma_start3A_41, %dma_start3A_42] : memref<32x128xf32, #tpu.memory_space<vmem>> -> memref<8x128xf32, #tpu.memory_space<vmem>>
    %dma_start3A_44 = arith.constant 24 : i32
    %dma_start3A_45 = tpu.memref_slice %arg2[%dma_start3A_44, %mul3A_40] : memref<32x1000000xf32, #tpu.memory_space<hbm>> -> memref<8x128xf32, #tpu.memory_space<hbm>>
    %dma_start3A_46 = arith.constant 24 : i32
    %dma_start3A_47 = arith.constant 0 : i32
    %dma_start3A_48 = tpu.memref_slice %arg5[%dma_start3A_46, %dma_start3A_47] : memref<32x128xf32, #tpu.memory_space<vmem>> -> memref<8x128xf32, #tpu.memory_space<vmem>>
    %dma_start3A_49 = arith.constant 24 : i32
    %dma_start3A_50 = tpu.memref_slice %arg2[%dma_start3A_49, %mul3A_40] : memref<32x1000000xf32, #tpu.memory_space<hbm>> -> memref<8x128xf32, #tpu.memory_space<hbm>>
    tpu.enqueue_dma source(%dma_start3A_50 : memref<8x128xf32, #tpu.memory_space<hbm>>) target(%dma_start3A_48 : memref<8x128xf32, #tpu.memory_space<vmem>>) target_semaphore(%arg10 : memref<!tpu.dma_semaphore, #tpu.memory_space<semaphore_mem>>)
    %scan3A = arith.constant 0 : i32
    %scan3A_51 = arith.constant 0 : i32
    %scan3A_52 = arith.constant 122 : i32
    %scan3A_53 = arith.addi %scan3A_51, %scan3A_52 : i32
    %scan3A_54 = arith.constant 1 : i32
    scf.for %scan3A_69 = %scan3A_51 to %scan3A_53 step %scan3A_54  : i32 {
      %mul3A_70 = arith.constant 2 : i32
      %mul3A_71 = arith.muli %scan3A_69, %mul3A_70 : i32
      %add3A_72 = arith.constant 0 : i32
      %add3A_73 = arith.addi %mul3A_71, %add3A_72 : i32
      %mul3A_74 = arith.constant 32 : i32
      %mul3A_75 = arith.muli %add3A_73, %mul3A_74 : i32
      %add3A_76 = arith.addi %mul3A_75, %add3A : i32
      %dma_wait3A_77 = arith.constant 0 : i32
      %dma_wait3A_78 = arith.constant 0 : i32
      %dma_wait3A_79 = tpu.memref_slice %arg2[%dma_wait3A_77, %dma_wait3A_78] : memref<32x1000000xf32, #tpu.memory_space<hbm>> -> memref<32x128xf32, #tpu.memory_space<hbm>>
      %dma_wait3A_80 = arith.constant 0 : i32
      %dma_wait3A_81 = arith.constant 0 : i32
      %dma_wait3A_82 = tpu.memref_slice %arg2[%dma_wait3A_80, %dma_wait3A_81] : memref<32x1000000xf32, #tpu.memory_space<hbm>> -> memref<32x128xf32, #tpu.memory_space<hbm>>
      tpu.wait_dma2 semaphore(%arg10 : memref<!tpu.dma_semaphore, #tpu.memory_space<semaphore_mem>>) src(%dma_wait3A_82 : memref<32x128xf32, #tpu.memory_space<hbm>>) dst(%arg5 : memref<32x128xf32, #tpu.memory_space<vmem>>)
      %add3A_83 = arith.constant 1 : i32
      %add3A_84 = arith.addi %add3A_73, %add3A_83 : i32
      %lt3A_85 = arith.constant 244 : i32
      %lt3A_86 = arith.cmpi slt, %add3A_84, %lt3A_85 : i32
      %convert_element_type3A_87 = arith.extui %lt3A_86 : i1 to i32
      %cond3A_88 = arith.constant 0 : i32
      %cond3A_89 = arith.cmpi ne, %convert_element_type3A_87, %cond3A_88 : i32
      scf.if %cond3A_89 {
        %add3A_155 = arith.constant 1 : i32
        %add3A_156 = arith.addi %add3A_73, %add3A_155 : i32
        %mul3A_157 = arith.constant 32 : i32
        %mul3A_158 = arith.muli %add3A_156, %mul3A_157 : i32
        %add3A_159 = arith.addi %mul3A_158, %add3A : i32
        %mul3A_160 = arith.constant 128 : i32
        %mul3A_161 = arith.muli %add3A_159, %mul3A_160 : i32
        %dma_start3A_162 = arith.constant 0 : i32
        %dma_start3A_163 = arith.constant 0 : i32
        %dma_start3A_164 = tpu.memref_slice %arg6[%dma_start3A_162, %dma_start3A_163] : memref<32x128xf32, #tpu.memory_space<vmem>> -> memref<8x128xf32, #tpu.memory_space<vmem>>
        %dma_start3A_165 = arith.constant 0 : i32
        %dma_start3A_166 = tpu.memref_slice %arg2[%dma_start3A_165, %mul3A_161] : memref<32x1000000xf32, #tpu.memory_space<hbm>> -> memref<8x128xf32, #tpu.memory_space<hbm>>
        %dma_start3A_167 = arith.constant 0 : i32
        %dma_start3A_168 = arith.constant 0 : i32
        %dma_start3A_169 = tpu.memref_slice %arg6[%dma_start3A_167, %dma_start3A_168] : memref<32x128xf32, #tpu.memory_space<vmem>> -> memref<8x128xf32, #tpu.memory_space<vmem>>
        %dma_start3A_170 = arith.constant 0 : i32
        %dma_start3A_171 = tpu.memref_slice %arg2[%dma_start3A_170, %mul3A_161] : memref<32x1000000xf32, #tpu.memory_space<hbm>> -> memref<8x128xf32, #tpu.memory_space<hbm>>
        tpu.enqueue_dma source(%dma_start3A_171 : memref<8x128xf32, #tpu.memory_space<hbm>>) target(%dma_start3A_169 : memref<8x128xf32, #tpu.memory_space<vmem>>) target_semaphore(%arg11 : memref<!tpu.dma_semaphore, #tpu.memory_space<semaphore_mem>>)
        %mul3A_172 = arith.constant 128 : i32
        %mul3A_173 = arith.muli %add3A_159, %mul3A_172 : i32
        %dma_start3A_174 = arith.constant 8 : i32
        %dma_start3A_175 = arith.constant 0 : i32
        %dma_start3A_176 = tpu.memref_slice %arg6[%dma_start3A_174, %dma_start3A_175] : memref<32x128xf32, #tpu.memory_space<vmem>> -> memref<8x128xf32, #tpu.memory_space<vmem>>
        %dma_start3A_177 = arith.constant 8 : i32
        %dma_start3A_178 = tpu.memref_slice %arg2[%dma_start3A_177, %mul3A_173] : memref<32x1000000xf32, #tpu.memory_space<hbm>> -> memref<8x128xf32, #tpu.memory_space<hbm>>
        %dma_start3A_179 = arith.constant 8 : i32
        %dma_start3A_180 = arith.constant 0 : i32
        %dma_start3A_181 = tpu.memref_slice %arg6[%dma_start3A_179, %dma_start3A_180] : memref<32x128xf32, #tpu.memory_space<vmem>> -> memref<8x128xf32, #tpu.memory_space<vmem>>
        %dma_start3A_182 = arith.constant 8 : i32
        %dma_start3A_183 = tpu.memref_slice %arg2[%dma_start3A_182, %mul3A_173] : memref<32x1000000xf32, #tpu.memory_space<hbm>> -> memref<8x128xf32, #tpu.memory_space<hbm>>
        tpu.enqueue_dma source(%dma_start3A_183 : memref<8x128xf32, #tpu.memory_space<hbm>>) target(%dma_start3A_181 : memref<8x128xf32, #tpu.memory_space<vmem>>) target_semaphore(%arg11 : memref<!tpu.dma_semaphore, #tpu.memory_space<semaphore_mem>>)
        %mul3A_184 = arith.constant 128 : i32
        %mul3A_185 = arith.muli %add3A_159, %mul3A_184 : i32
        %dma_start3A_186 = arith.constant 16 : i32
        %dma_start3A_187 = arith.constant 0 : i32
        %dma_start3A_188 = tpu.memref_slice %arg6[%dma_start3A_186, %dma_start3A_187] : memref<32x128xf32, #tpu.memory_space<vmem>> -> memref<8x128xf32, #tpu.memory_space<vmem>>
        %dma_start3A_189 = arith.constant 16 : i32
        %dma_start3A_190 = tpu.memref_slice %arg2[%dma_start3A_189, %mul3A_185] : memref<32x1000000xf32, #tpu.memory_space<hbm>> -> memref<8x128xf32, #tpu.memory_space<hbm>>
        %dma_start3A_191 = arith.constant 16 : i32
        %dma_start3A_192 = arith.constant 0 : i32
        %dma_start3A_193 = tpu.memref_slice %arg6[%dma_start3A_191, %dma_start3A_192] : memref<32x128xf32, #tpu.memory_space<vmem>> -> memref<8x128xf32, #tpu.memory_space<vmem>>
        %dma_start3A_194 = arith.constant 16 : i32
        %dma_start3A_195 = tpu.memref_slice %arg2[%dma_start3A_194, %mul3A_185] : memref<32x1000000xf32, #tpu.memory_space<hbm>> -> memref<8x128xf32, #tpu.memory_space<hbm>>
        tpu.enqueue_dma source(%dma_start3A_195 : memref<8x128xf32, #tpu.memory_space<hbm>>) target(%dma_start3A_193 : memref<8x128xf32, #tpu.memory_space<vmem>>) target_semaphore(%arg11 : memref<!tpu.dma_semaphore, #tpu.memory_space<semaphore_mem>>)
        %mul3A_196 = arith.constant 128 : i32
        %mul3A_197 = arith.muli %add3A_159, %mul3A_196 : i32
        %dma_start3A_198 = arith.constant 24 : i32
        %dma_start3A_199 = arith.constant 0 : i32
        %dma_start3A_200 = tpu.memref_slice %arg6[%dma_start3A_198, %dma_start3A_199] : memref<32x128xf32, #tpu.memory_space<vmem>> -> memref<8x128xf32, #tpu.memory_space<vmem>>
        %dma_start3A_201 = arith.constant 24 : i32
        %dma_start3A_202 = tpu.memref_slice %arg2[%dma_start3A_201, %mul3A_197] : memref<32x1000000xf32, #tpu.memory_space<hbm>> -> memref<8x128xf32, #tpu.memory_space<hbm>>
        %dma_start3A_203 = arith.constant 24 : i32
        %dma_start3A_204 = arith.constant 0 : i32
        %dma_start3A_205 = tpu.memref_slice %arg6[%dma_start3A_203, %dma_start3A_204] : memref<32x128xf32, #tpu.memory_space<vmem>> -> memref<8x128xf32, #tpu.memory_space<vmem>>
        %dma_start3A_206 = arith.constant 24 : i32
        %dma_start3A_207 = tpu.memref_slice %arg2[%dma_start3A_206, %mul3A_197] : memref<32x1000000xf32, #tpu.memory_space<hbm>> -> memref<8x128xf32, #tpu.memory_space<hbm>>
        tpu.enqueue_dma source(%dma_start3A_207 : memref<8x128xf32, #tpu.memory_space<hbm>>) target(%dma_start3A_205 : memref<8x128xf32, #tpu.memory_space<vmem>>) target_semaphore(%arg11 : memref<!tpu.dma_semaphore, #tpu.memory_space<semaphore_mem>>)
      } else {
      }
      %ge3A = arith.constant 2 : i32
      %ge3A_90 = arith.cmpi sge, %add3A_73, %ge3A : i32
      %convert_element_type3A_91 = arith.extui %ge3A_90 : i1 to i32
      %cond3A_92 = arith.constant 0 : i32
      %cond3A_93 = arith.cmpi ne, %convert_element_type3A_91, %cond3A_92 : i32
      scf.if %cond3A_93 {
        %dma_wait3A_155 = arith.constant 0 : i32
        %dma_wait3A_156 = tpu.memref_slice %arg4[%dma_wait3A_155] : memref<32000000xf32, #tpu.memory_space<hbm>> -> memref<4096xf32, #tpu.memory_space<hbm>>
        %dma_wait3A_157 = arith.constant 0 : i32
        %dma_wait3A_158 = tpu.memref_slice %arg4[%dma_wait3A_157] : memref<32000000xf32, #tpu.memory_space<hbm>> -> memref<4096xf32, #tpu.memory_space<hbm>>
        tpu.wait_dma2 semaphore(%arg12 : memref<!tpu.dma_semaphore, #tpu.memory_space<semaphore_mem>>) src(%arg8 : memref<4096xf32, #tpu.memory_space<vmem>>) dst(%dma_wait3A_158 : memref<4096xf32, #tpu.memory_space<hbm>>)
      } else {
      }
      %scan3A_94 = arith.constant 0 : i32
      %scan3A_95 = arith.constant 0 : i32
      %scan3A_96 = arith.constant 8 : i32
      %scan3A_97 = arith.addi %scan3A_95, %scan3A_96 : i32
      %scan3A_98 = arith.constant 1 : i32
      scf.for %scan3A_155 = %scan3A_95 to %scan3A_97 step %scan3A_98  : i32 {
        %mul3A_156 = arith.constant 16 : i32
        %mul3A_157 = arith.muli %scan3A_155, %mul3A_156 : i32
        %get3A = arith.constant 0 : i32
        %get3A_158 = arith.index_cast %get3A : i32 to index
        %get3A_159 = arith.index_cast %mul3A_157 : i32 to index
        %get3A_160 = tpu.vector_load %arg5[%get3A_158, %get3A_159] {strides = array<i32>} : memref<32x128xf32, #tpu.memory_space<vmem>>, vector<16xf32>,
        %mul3A_161 = arith.constant 33 : i32
        %mul3A_162 = arith.muli %mul3A_157, %mul3A_161 : i32
        %add3A_163 = arith.constant 0 : i32
        %add3A_164 = arith.addi %mul3A_162, %add3A_163 : i32
        %add3A_165 = vector.broadcast %add3A_164 : i32 to vector<16xi32>
        %add3A_166 = arith.addi %mul3A_3, %add3A_165 : vector<16xi32>
        tpu.vector_store_idx %arg7[%add3A_166], %get3A_160 : memref<4224xf32, #tpu.memory_space<vmem>>[vector<16xi32>], vector<16xf32>,
        %get3A_167 = arith.constant 1 : i32
        %get3A_168 = arith.index_cast %get3A_167 : i32 to index
        %get3A_169 = arith.index_cast %mul3A_157 : i32 to index
        %get3A_170 = tpu.vector_load %arg5[%get3A_168, %get3A_169] {strides = array<i32>} : memref<32x128xf32, #tpu.memory_space<vmem>>, vector<16xf32>,
        %mul3A_171 = arith.constant 33 : i32
        %mul3A_172 = arith.muli %mul3A_157, %mul3A_171 : i32
        %add3A_173 = arith.constant 1 : i32
        %add3A_174 = arith.addi %mul3A_172, %add3A_173 : i32
        %add3A_175 = vector.broadcast %add3A_174 : i32 to vector<16xi32>
        %add3A_176 = arith.addi %mul3A_3, %add3A_175 : vector<16xi32>
        tpu.vector_store_idx %arg7[%add3A_176], %get3A_170 : memref<4224xf32, #tpu.memory_space<vmem>>[vector<16xi32>], vector<16xf32>,
        %get3A_177 = arith.constant 2 : i32
        %get3A_178 = arith.index_cast %get3A_177 : i32 to index
        %get3A_179 = arith.index_cast %mul3A_157 : i32 to index
        %get3A_180 = tpu.vector_load %arg5[%get3A_178, %get3A_179] {strides = array<i32>} : memref<32x128xf32, #tpu.memory_space<vmem>>, vector<16xf32>,
        %mul3A_181 = arith.constant 33 : i32
        %mul3A_182 = arith.muli %mul3A_157, %mul3A_181 : i32
        %add3A_183 = arith.constant 2 : i32
        %add3A_184 = arith.addi %mul3A_182, %add3A_183 : i32
        %add3A_185 = vector.broadcast %add3A_184 : i32 to vector<16xi32>
        %add3A_186 = arith.addi %mul3A_3, %add3A_185 : vector<16xi32>
        tpu.vector_store_idx %arg7[%add3A_186], %get3A_180 : memref<4224xf32, #tpu.memory_space<vmem>>[vector<16xi32>], vector<16xf32>,
        %get3A_187 = arith.constant 3 : i32
        %get3A_188 = arith.index_cast %get3A_187 : i32 to index
        %get3A_189 = arith.index_cast %mul3A_157 : i32 to index
        %get3A_190 = tpu.vector_load %arg5[%get3A_188, %get3A_189] {strides = array<i32>} : memref<32x128xf32, #tpu.memory_space<vmem>>, vector<16xf32>,
        %mul3A_191 = arith.constant 33 : i32
        %mul3A_192 = arith.muli %mul3A_157, %mul3A_191 : i32
        %add3A_193 = arith.constant 3 : i32
        %add3A_194 = arith.addi %mul3A_192, %add3A_193 : i32
        %add3A_195 = vector.broadcast %add3A_194 : i32 to vector<16xi32>
        %add3A_196 = arith.addi %mul3A_3, %add3A_195 : vector<16xi32>
        tpu.vector_store_idx %arg7[%add3A_196], %get3A_190 : memref<4224xf32, #tpu.memory_space<vmem>>[vector<16xi32>], vector<16xf32>,
        %get3A_197 = arith.constant 4 : i32
        %get3A_198 = arith.index_cast %get3A_197 : i32 to index
        %get3A_199 = arith.index_cast %mul3A_157 : i32 to index
        %get3A_200 = tpu.vector_load %arg5[%get3A_198, %get3A_199] {strides = array<i32>} : memref<32x128xf32, #tpu.memory_space<vmem>>, vector<16xf32>,
        %mul3A_201 = arith.constant 33 : i32
        %mul3A_202 = arith.muli %mul3A_157, %mul3A_201 : i32
        %add3A_203 = arith.constant 4 : i32
        %add3A_204 = arith.addi %mul3A_202, %add3A_203 : i32
        %add3A_205 = vector.broadcast %add3A_204 : i32 to vector<16xi32>
        %add3A_206 = arith.addi %mul3A_3, %add3A_205 : vector<16xi32>
        tpu.vector_store_idx %arg7[%add3A_206], %get3A_200 : memref<4224xf32, #tpu.memory_space<vmem>>[vector<16xi32>], vector<16xf32>,
        %get3A_207 = arith.constant 5 : i32
        %get3A_208 = arith.index_cast %get3A_207 : i32 to index
        %get3A_209 = arith.index_cast %mul3A_157 : i32 to index
        %get3A_210 = tpu.vector_load %arg5[%get3A_208, %get3A_209] {strides = array<i32>} : memref<32x128xf32, #tpu.memory_space<vmem>>, vector<16xf32>,
        %mul3A_211 = arith.constant 33 : i32
        %mul3A_212 = arith.muli %mul3A_157, %mul3A_211 : i32
        %add3A_213 = arith.constant 5 : i32
        %add3A_214 = arith.addi %mul3A_212, %add3A_213 : i32
        %add3A_215 = vector.broadcast %add3A_214 : i32 to vector<16xi32>
        %add3A_216 = arith.addi %mul3A_3, %add3A_215 : vector<16xi32>
        tpu.vector_store_idx %arg7[%add3A_216], %get3A_210 : memref<4224xf32, #tpu.memory_space<vmem>>[vector<16xi32>], vector<16xf32>,
        %get3A_217 = arith.constant 6 : i32
        %get3A_218 = arith.index_cast %get3A_217 : i32 to index
        %get3A_219 = arith.index_cast %mul3A_157 : i32 to index
        %get3A_220 = tpu.vector_load %arg5[%get3A_218, %get3A_219] {strides = array<i32>} : memref<32x128xf32, #tpu.memory_space<vmem>>, vector<16xf32>,
        %mul3A_221 = arith.constant 33 : i32
        %mul3A_222 = arith.muli %mul3A_157, %mul3A_221 : i32
        %add3A_223 = arith.constant 6 : i32
        %add3A_224 = arith.addi %mul3A_222, %add3A_223 : i32
        %add3A_225 = vector.broadcast %add3A_224 : i32 to vector<16xi32>
        %add3A_226 = arith.addi %mul3A_3, %add3A_225 : vector<16xi32>
        tpu.vector_store_idx %arg7[%add3A_226], %get3A_220 : memref<4224xf32, #tpu.memory_space<vmem>>[vector<16xi32>], vector<16xf32>,
        %get3A_227 = arith.constant 7 : i32
        %get3A_228 = arith.index_cast %get3A_227 : i32 to index
        %get3A_229 = arith.index_cast %mul3A_157 : i32 to index
        %get3A_230 = tpu.vector_load %arg5[%get3A_228, %get3A_229] {strides = array<i32>} : memref<32x128xf32, #tpu.memory_space<vmem>>, vector<16xf32>,
        %mul3A_231 = arith.constant 33 : i32
        %mul3A_232 = arith.muli %mul3A_157, %mul3A_231 : i32
        %add3A_233 = arith.constant 7 : i32
        %add3A_234 = arith.addi %mul3A_232, %add3A_233 : i32
        %add3A_235 = vector.broadcast %add3A_234 : i32 to vector<16xi32>
        %add3A_236 = arith.addi %mul3A_3, %add3A_235 : vector<16xi32>
        tpu.vector_store_idx %arg7[%add3A_236], %get3A_230 : memref<4224xf32, #tpu.memory_space<vmem>>[vector<16xi32>], vector<16xf32>,
        %get3A_237 = arith.constant 8 : i32
        %get3A_238 = arith.index_cast %get3A_237 : i32 to index
        %get3A_239 = arith.index_cast %mul3A_157 : i32 to index
        %get3A_240 = tpu.vector_load %arg5[%get3A_238, %get3A_239] {strides = array<i32>} : memref<32x128xf32, #tpu.memory_space<vmem>>, vector<16xf32>,
        %mul3A_241 = arith.constant 33 : i32
        %mul3A_242 = arith.muli %mul3A_157, %mul3A_241 : i32
        %add3A_243 = arith.constant 8 : i32
        %add3A_244 = arith.addi %mul3A_242, %add3A_243 : i32
        %add3A_245 = vector.broadcast %add3A_244 : i32 to vector<16xi32>
        %add3A_246 = arith.addi %mul3A_3, %add3A_245 : vector<16xi32>
        tpu.vector_store_idx %arg7[%add3A_246], %get3A_240 : memref<4224xf32, #tpu.memory_space<vmem>>[vector<16xi32>], vector<16xf32>,
        %get3A_247 = arith.constant 9 : i32
        %get3A_248 = arith.index_cast %get3A_247 : i32 to index
        %get3A_249 = arith.index_cast %mul3A_157 : i32 to index
        %get3A_250 = tpu.vector_load %arg5[%get3A_248, %get3A_249] {strides = array<i32>} : memref<32x128xf32, #tpu.memory_space<vmem>>, vector<16xf32>,
        %mul3A_251 = arith.constant 33 : i32
        %mul3A_252 = arith.muli %mul3A_157, %mul3A_251 : i32
        %add3A_253 = arith.constant 9 : i32
        %add3A_254 = arith.addi %mul3A_252, %add3A_253 : i32
        %add3A_255 = vector.broadcast %add3A_254 : i32 to vector<16xi32>
        %add3A_256 = arith.addi %mul3A_3, %add3A_255 : vector<16xi32>
        tpu.vector_store_idx %arg7[%add3A_256], %get3A_250 : memref<4224xf32, #tpu.memory_space<vmem>>[vector<16xi32>], vector<16xf32>,
        %get3A_257 = arith.constant 10 : i32
        %get3A_258 = arith.index_cast %get3A_257 : i32 to index
        %get3A_259 = arith.index_cast %mul3A_157 : i32 to index
        %get3A_260 = tpu.vector_load %arg5[%get3A_258, %get3A_259] {strides = array<i32>} : memref<32x128xf32, #tpu.memory_space<vmem>>, vector<16xf32>,
        %mul3A_261 = arith.constant 33 : i32
        %mul3A_262 = arith.muli %mul3A_157, %mul3A_261 : i32
        %add3A_263 = arith.constant 10 : i32
        %add3A_264 = arith.addi %mul3A_262, %add3A_263 : i32
        %add3A_265 = vector.broadcast %add3A_264 : i32 to vector<16xi32>
        %add3A_266 = arith.addi %mul3A_3, %add3A_265 : vector<16xi32>
        tpu.vector_store_idx %arg7[%add3A_266], %get3A_260 : memref<4224xf32, #tpu.memory_space<vmem>>[vector<16xi32>], vector<16xf32>,
        %get3A_267 = arith.constant 11 : i32
        %get3A_268 = arith.index_cast %get3A_267 : i32 to index
        %get3A_269 = arith.index_cast %mul3A_157 : i32 to index
        %get3A_270 = tpu.vector_load %arg5[%get3A_268, %get3A_269] {strides = array<i32>} : memref<32x128xf32, #tpu.memory_space<vmem>>, vector<16xf32>,
        %mul3A_271 = arith.constant 33 : i32
        %mul3A_272 = arith.muli %mul3A_157, %mul3A_271 : i32
        %add3A_273 = arith.constant 11 : i32
        %add3A_274 = arith.addi %mul3A_272, %add3A_273 : i32
        %add3A_275 = vector.broadcast %add3A_274 : i32 to vector<16xi32>
        %add3A_276 = arith.addi %mul3A_3, %add3A_275 : vector<16xi32>
        tpu.vector_store_idx %arg7[%add3A_276], %get3A_270 : memref<4224xf32, #tpu.memory_space<vmem>>[vector<16xi32>], vector<16xf32>,
        %get3A_277 = arith.constant 12 : i32
        %get3A_278 = arith.index_cast %get3A_277 : i32 to index
        %get3A_279 = arith.index_cast %mul3A_157 : i32 to index
        %get3A_280 = tpu.vector_load %arg5[%get3A_278, %get3A_279] {strides = array<i32>} : memref<32x128xf32, #tpu.memory_space<vmem>>, vector<16xf32>,
        %mul3A_281 = arith.constant 33 : i32
        %mul3A_282 = arith.muli %mul3A_157, %mul3A_281 : i32
        %add3A_283 = arith.constant 12 : i32
        %add3A_284 = arith.addi %mul3A_282, %add3A_283 : i32
        %add3A_285 = vector.broadcast %add3A_284 : i32 to vector<16xi32>
        %add3A_286 = arith.addi %mul3A_3, %add3A_285 : vector<16xi32>
        tpu.vector_store_idx %arg7[%add3A_286], %get3A_280 : memref<4224xf32, #tpu.memory_space<vmem>>[vector<16xi32>], vector<16xf32>,
        %get3A_287 = arith.constant 13 : i32
        %get3A_288 = arith.index_cast %get3A_287 : i32 to index
        %get3A_289 = arith.index_cast %mul3A_157 : i32 to index
        %get3A_290 = tpu.vector_load %arg5[%get3A_288, %get3A_289] {strides = array<i32>} : memref<32x128xf32, #tpu.memory_space<vmem>>, vector<16xf32>,
        %mul3A_291 = arith.constant 33 : i32
        %mul3A_292 = arith.muli %mul3A_157, %mul3A_291 : i32
        %add3A_293 = arith.constant 13 : i32
        %add3A_294 = arith.addi %mul3A_292, %add3A_293 : i32
        %add3A_295 = vector.broadcast %add3A_294 : i32 to vector<16xi32>
        %add3A_296 = arith.addi %mul3A_3, %add3A_295 : vector<16xi32>
        tpu.vector_store_idx %arg7[%add3A_296], %get3A_290 : memref<4224xf32, #tpu.memory_space<vmem>>[vector<16xi32>], vector<16xf32>,
        %get3A_297 = arith.constant 14 : i32
        %get3A_298 = arith.index_cast %get3A_297 : i32 to index
        %get3A_299 = arith.index_cast %mul3A_157 : i32 to index
        %get3A_300 = tpu.vector_load %arg5[%get3A_298, %get3A_299] {strides = array<i32>} : memref<32x128xf32, #tpu.memory_space<vmem>>, vector<16xf32>,
        %mul3A_301 = arith.constant 33 : i32
        %mul3A_302 = arith.muli %mul3A_157, %mul3A_301 : i32
        %add3A_303 = arith.constant 14 : i32
        %add3A_304 = arith.addi %mul3A_302, %add3A_303 : i32
        %add3A_305 = vector.broadcast %add3A_304 : i32 to vector<16xi32>
        %add3A_306 = arith.addi %mul3A_3, %add3A_305 : vector<16xi32>
        tpu.vector_store_idx %arg7[%add3A_306], %get3A_300 : memref<4224xf32, #tpu.memory_space<vmem>>[vector<16xi32>], vector<16xf32>,
        %get3A_307 = arith.constant 15 : i32
        %get3A_308 = arith.index_cast %get3A_307 : i32 to index
        %get3A_309 = arith.index_cast %mul3A_157 : i32 to index
        %get3A_310 = tpu.vector_load %arg5[%get3A_308, %get3A_309] {strides = array<i32>} : memref<32x128xf32, #tpu.memory_space<vmem>>, vector<16xf32>,
        %mul3A_311 = arith.constant 33 : i32
        %mul3A_312 = arith.muli %mul3A_157, %mul3A_311 : i32
        %add3A_313 = arith.constant 15 : i32
        %add3A_314 = arith.addi %mul3A_312, %add3A_313 : i32
        %add3A_315 = vector.broadcast %add3A_314 : i32 to vector<16xi32>
        %add3A_316 = arith.addi %mul3A_3, %add3A_315 : vector<16xi32>
        tpu.vector_store_idx %arg7[%add3A_316], %get3A_310 : memref<4224xf32, #tpu.memory_space<vmem>>[vector<16xi32>], vector<16xf32>,
        %get3A_317 = arith.constant 16 : i32
        %get3A_318 = arith.index_cast %get3A_317 : i32 to index
        %get3A_319 = arith.index_cast %mul3A_157 : i32 to index
        %get3A_320 = tpu.vector_load %arg5[%get3A_318, %get3A_319] {strides = array<i32>} : memref<32x128xf32, #tpu.memory_space<vmem>>, vector<16xf32>,
        %mul3A_321 = arith.constant 33 : i32
        %mul3A_322 = arith.muli %mul3A_157, %mul3A_321 : i32
        %add3A_323 = arith.constant 16 : i32
        %add3A_324 = arith.addi %mul3A_322, %add3A_323 : i32
        %add3A_325 = vector.broadcast %add3A_324 : i32 to vector<16xi32>
        %add3A_326 = arith.addi %mul3A_3, %add3A_325 : vector<16xi32>
        tpu.vector_store_idx %arg7[%add3A_326], %get3A_320 : memref<4224xf32, #tpu.memory_space<vmem>>[vector<16xi32>], vector<16xf32>,
        %get3A_327 = arith.constant 17 : i32
        %get3A_328 = arith.index_cast %get3A_327 : i32 to index
        %get3A_329 = arith.index_cast %mul3A_157 : i32 to index
        %get3A_330 = tpu.vector_load %arg5[%get3A_328, %get3A_329] {strides = array<i32>} : memref<32x128xf32, #tpu.memory_space<vmem>>, vector<16xf32>,
        %mul3A_331 = arith.constant 33 : i32
        %mul3A_332 = arith.muli %mul3A_157, %mul3A_331 : i32
        %add3A_333 = arith.constant 17 : i32
        %add3A_334 = arith.addi %mul3A_332, %add3A_333 : i32
        %add3A_335 = vector.broadcast %add3A_334 : i32 to vector<16xi32>
        %add3A_336 = arith.addi %mul3A_3, %add3A_335 : vector<16xi32>
        tpu.vector_store_idx %arg7[%add3A_336], %get3A_330 : memref<4224xf32, #tpu.memory_space<vmem>>[vector<16xi32>], vector<16xf32>,
        %get3A_337 = arith.constant 18 : i32
        %get3A_338 = arith.index_cast %get3A_337 : i32 to index
        %get3A_339 = arith.index_cast %mul3A_157 : i32 to index
        %get3A_340 = tpu.vector_load %arg5[%get3A_338, %get3A_339] {strides = array<i32>} : memref<32x128xf32, #tpu.memory_space<vmem>>, vector<16xf32>,
        %mul3A_341 = arith.constant 33 : i32
        %mul3A_342 = arith.muli %mul3A_157, %mul3A_341 : i32
        %add3A_343 = arith.constant 18 : i32
        %add3A_344 = arith.addi %mul3A_342, %add3A_343 : i32
        %add3A_345 = vector.broadcast %add3A_344 : i32 to vector<16xi32>
        %add3A_346 = arith.addi %mul3A_3, %add3A_345 : vector<16xi32>
        tpu.vector_store_idx %arg7[%add3A_346], %get3A_340 : memref<4224xf32, #tpu.memory_space<vmem>>[vector<16xi32>], vector<16xf32>,
        %get3A_347 = arith.constant 19 : i32
        %get3A_348 = arith.index_cast %get3A_347 : i32 to index
        %get3A_349 = arith.index_cast %mul3A_157 : i32 to index
        %get3A_350 = tpu.vector_load %arg5[%get3A_348, %get3A_349] {strides = array<i32>} : memref<32x128xf32, #tpu.memory_space<vmem>>, vector<16xf32>,
        %mul3A_351 = arith.constant 33 : i32
        %mul3A_352 = arith.muli %mul3A_157, %mul3A_351 : i32
        %add3A_353 = arith.constant 19 : i32
        %add3A_354 = arith.addi %mul3A_352, %add3A_353 : i32
        %add3A_355 = vector.broadcast %add3A_354 : i32 to vector<16xi32>
        %add3A_356 = arith.addi %mul3A_3, %add3A_355 : vector<16xi32>
        tpu.vector_store_idx %arg7[%add3A_356], %get3A_350 : memref<4224xf32, #tpu.memory_space<vmem>>[vector<16xi32>], vector<16xf32>,
        %get3A_357 = arith.constant 20 : i32
        %get3A_358 = arith.index_cast %get3A_357 : i32 to index
        %get3A_359 = arith.index_cast %mul3A_157 : i32 to index
        %get3A_360 = tpu.vector_load %arg5[%get3A_358, %get3A_359] {strides = array<i32>} : memref<32x128xf32, #tpu.memory_space<vmem>>, vector<16xf32>,
        %mul3A_361 = arith.constant 33 : i32
        %mul3A_362 = arith.muli %mul3A_157, %mul3A_361 : i32
        %add3A_363 = arith.constant 20 : i32
        %add3A_364 = arith.addi %mul3A_362, %add3A_363 : i32
        %add3A_365 = vector.broadcast %add3A_364 : i32 to vector<16xi32>
        %add3A_366 = arith.addi %mul3A_3, %add3A_365 : vector<16xi32>
        tpu.vector_store_idx %arg7[%add3A_366], %get3A_360 : memref<4224xf32, #tpu.memory_space<vmem>>[vector<16xi32>], vector<16xf32>,
        %get3A_367 = arith.constant 21 : i32
        %get3A_368 = arith.index_cast %get3A_367 : i32 to index
        %get3A_369 = arith.index_cast %mul3A_157 : i32 to index
        %get3A_370 = tpu.vector_load %arg5[%get3A_368, %get3A_369] {strides = array<i32>} : memref<32x128xf32, #tpu.memory_space<vmem>>, vector<16xf32>,
        %mul3A_371 = arith.constant 33 : i32
        %mul3A_372 = arith.muli %mul3A_157, %mul3A_371 : i32
        %add3A_373 = arith.constant 21 : i32
        %add3A_374 = arith.addi %mul3A_372, %add3A_373 : i32
        %add3A_375 = vector.broadcast %add3A_374 : i32 to vector<16xi32>
        %add3A_376 = arith.addi %mul3A_3, %add3A_375 : vector<16xi32>
        tpu.vector_store_idx %arg7[%add3A_376], %get3A_370 : memref<4224xf32, #tpu.memory_space<vmem>>[vector<16xi32>], vector<16xf32>,
        %get3A_377 = arith.constant 22 : i32
        %get3A_378 = arith.index_cast %get3A_377 : i32 to index
        %get3A_379 = arith.index_cast %mul3A_157 : i32 to index
        %get3A_380 = tpu.vector_load %arg5[%get3A_378, %get3A_379] {strides = array<i32>} : memref<32x128xf32, #tpu.memory_space<vmem>>, vector<16xf32>,
        %mul3A_381 = arith.constant 33 : i32
        %mul3A_382 = arith.muli %mul3A_157, %mul3A_381 : i32
        %add3A_383 = arith.constant 22 : i32
        %add3A_384 = arith.addi %mul3A_382, %add3A_383 : i32
        %add3A_385 = vector.broadcast %add3A_384 : i32 to vector<16xi32>
        %add3A_386 = arith.addi %mul3A_3, %add3A_385 : vector<16xi32>
        tpu.vector_store_idx %arg7[%add3A_386], %get3A_380 : memref<4224xf32, #tpu.memory_space<vmem>>[vector<16xi32>], vector<16xf32>,
        %get3A_387 = arith.constant 23 : i32
        %get3A_388 = arith.index_cast %get3A_387 : i32 to index
        %get3A_389 = arith.index_cast %mul3A_157 : i32 to index
        %get3A_390 = tpu.vector_load %arg5[%get3A_388, %get3A_389] {strides = array<i32>} : memref<32x128xf32, #tpu.memory_space<vmem>>, vector<16xf32>,
        %mul3A_391 = arith.constant 33 : i32
        %mul3A_392 = arith.muli %mul3A_157, %mul3A_391 : i32
        %add3A_393 = arith.constant 23 : i32
        %add3A_394 = arith.addi %mul3A_392, %add3A_393 : i32
        %add3A_395 = vector.broadcast %add3A_394 : i32 to vector<16xi32>
        %add3A_396 = arith.addi %mul3A_3, %add3A_395 : vector<16xi32>
        tpu.vector_store_idx %arg7[%add3A_396], %get3A_390 : memref<4224xf32, #tpu.memory_space<vmem>>[vector<16xi32>], vector<16xf32>,
        %get3A_397 = arith.constant 24 : i32
        %get3A_398 = arith.index_cast %get3A_397 : i32 to index
        %get3A_399 = arith.index_cast %mul3A_157 : i32 to index
        %get3A_400 = tpu.vector_load %arg5[%get3A_398, %get3A_399] {strides = array<i32>} : memref<32x128xf32, #tpu.memory_space<vmem>>, vector<16xf32>,
        %mul3A_401 = arith.constant 33 : i32
        %mul3A_402 = arith.muli %mul3A_157, %mul3A_401 : i32
        %add3A_403 = arith.constant 24 : i32
        %add3A_404 = arith.addi %mul3A_402, %add3A_403 : i32
        %add3A_405 = vector.broadcast %add3A_404 : i32 to vector<16xi32>
        %add3A_406 = arith.addi %mul3A_3, %add3A_405 : vector<16xi32>
        tpu.vector_store_idx %arg7[%add3A_406], %get3A_400 : memref<4224xf32, #tpu.memory_space<vmem>>[vector<16xi32>], vector<16xf32>,
        %get3A_407 = arith.constant 25 : i32
        %get3A_408 = arith.index_cast %get3A_407 : i32 to index
        %get3A_409 = arith.index_cast %mul3A_157 : i32 to index
        %get3A_410 = tpu.vector_load %arg5[%get3A_408, %get3A_409] {strides = array<i32>} : memref<32x128xf32, #tpu.memory_space<vmem>>, vector<16xf32>,
        %mul3A_411 = arith.constant 33 : i32
        %mul3A_412 = arith.muli %mul3A_157, %mul3A_411 : i32
        %add3A_413 = arith.constant 25 : i32
        %add3A_414 = arith.addi %mul3A_412, %add3A_413 : i32
        %add3A_415 = vector.broadcast %add3A_414 : i32 to vector<16xi32>
        %add3A_416 = arith.addi %mul3A_3, %add3A_415 : vector<16xi32>
        tpu.vector_store_idx %arg7[%add3A_416], %get3A_410 : memref<4224xf32, #tpu.memory_space<vmem>>[vector<16xi32>], vector<16xf32>,
        %get3A_417 = arith.constant 26 : i32
        %get3A_418 = arith.index_cast %get3A_417 : i32 to index
        %get3A_419 = arith.index_cast %mul3A_157 : i32 to index
        %get3A_420 = tpu.vector_load %arg5[%get3A_418, %get3A_419] {strides = array<i32>} : memref<32x128xf32, #tpu.memory_space<vmem>>, vector<16xf32>,
        %mul3A_421 = arith.constant 33 : i32
        %mul3A_422 = arith.muli %mul3A_157, %mul3A_421 : i32
        %add3A_423 = arith.constant 26 : i32
        %add3A_424 = arith.addi %mul3A_422, %add3A_423 : i32
        %add3A_425 = vector.broadcast %add3A_424 : i32 to vector<16xi32>
        %add3A_426 = arith.addi %mul3A_3, %add3A_425 : vector<16xi32>
        tpu.vector_store_idx %arg7[%add3A_426], %get3A_420 : memref<4224xf32, #tpu.memory_space<vmem>>[vector<16xi32>], vector<16xf32>,
        %get3A_427 = arith.constant 27 : i32
        %get3A_428 = arith.index_cast %get3A_427 : i32 to index
        %get3A_429 = arith.index_cast %mul3A_157 : i32 to index
        %get3A_430 = tpu.vector_load %arg5[%get3A_428, %get3A_429] {strides = array<i32>} : memref<32x128xf32, #tpu.memory_space<vmem>>, vector<16xf32>,
        %mul3A_431 = arith.constant 33 : i32
        %mul3A_432 = arith.muli %mul3A_157, %mul3A_431 : i32
        %add3A_433 = arith.constant 27 : i32
        %add3A_434 = arith.addi %mul3A_432, %add3A_433 : i32
        %add3A_435 = vector.broadcast %add3A_434 : i32 to vector<16xi32>
        %add3A_436 = arith.addi %mul3A_3, %add3A_435 : vector<16xi32>
        tpu.vector_store_idx %arg7[%add3A_436], %get3A_430 : memref<4224xf32, #tpu.memory_space<vmem>>[vector<16xi32>], vector<16xf32>,
        %get3A_437 = arith.constant 28 : i32
        %get3A_438 = arith.index_cast %get3A_437 : i32 to index
        %get3A_439 = arith.index_cast %mul3A_157 : i32 to index
        %get3A_440 = tpu.vector_load %arg5[%get3A_438, %get3A_439] {strides = array<i32>} : memref<32x128xf32, #tpu.memory_space<vmem>>, vector<16xf32>,
        %mul3A_441 = arith.constant 33 : i32
        %mul3A_442 = arith.muli %mul3A_157, %mul3A_441 : i32
        %add3A_443 = arith.constant 28 : i32
        %add3A_444 = arith.addi %mul3A_442, %add3A_443 : i32
        %add3A_445 = vector.broadcast %add3A_444 : i32 to vector<16xi32>
        %add3A_446 = arith.addi %mul3A_3, %add3A_445 : vector<16xi32>
        tpu.vector_store_idx %arg7[%add3A_446], %get3A_440 : memref<4224xf32, #tpu.memory_space<vmem>>[vector<16xi32>], vector<16xf32>,
        %get3A_447 = arith.constant 29 : i32
        %get3A_448 = arith.index_cast %get3A_447 : i32 to index
        %get3A_449 = arith.index_cast %mul3A_157 : i32 to index
        %get3A_450 = tpu.vector_load %arg5[%get3A_448, %get3A_449] {strides = array<i32>} : memref<32x128xf32, #tpu.memory_space<vmem>>, vector<16xf32>,
        %mul3A_451 = arith.constant 33 : i32
        %mul3A_452 = arith.muli %mul3A_157, %mul3A_451 : i32
        %add3A_453 = arith.constant 29 : i32
        %add3A_454 = arith.addi %mul3A_452, %add3A_453 : i32
        %add3A_455 = vector.broadcast %add3A_454 : i32 to vector<16xi32>
        %add3A_456 = arith.addi %mul3A_3, %add3A_455 : vector<16xi32>
        tpu.vector_store_idx %arg7[%add3A_456], %get3A_450 : memref<4224xf32, #tpu.memory_space<vmem>>[vector<16xi32>], vector<16xf32>,
        %get3A_457 = arith.constant 30 : i32
        %get3A_458 = arith.index_cast %get3A_457 : i32 to index
        %get3A_459 = arith.index_cast %mul3A_157 : i32 to index
        %get3A_460 = tpu.vector_load %arg5[%get3A_458, %get3A_459] {strides = array<i32>} : memref<32x128xf32, #tpu.memory_space<vmem>>, vector<16xf32>,
        %mul3A_461 = arith.constant 33 : i32
        %mul3A_462 = arith.muli %mul3A_157, %mul3A_461 : i32
        %add3A_463 = arith.constant 30 : i32
        %add3A_464 = arith.addi %mul3A_462, %add3A_463 : i32
        %add3A_465 = vector.broadcast %add3A_464 : i32 to vector<16xi32>
        %add3A_466 = arith.addi %mul3A_3, %add3A_465 : vector<16xi32>
        tpu.vector_store_idx %arg7[%add3A_466], %get3A_460 : memref<4224xf32, #tpu.memory_space<vmem>>[vector<16xi32>], vector<16xf32>,
        %get3A_467 = arith.constant 31 : i32
        %get3A_468 = arith.index_cast %get3A_467 : i32 to index
        %get3A_469 = arith.index_cast %mul3A_157 : i32 to index
        %get3A_470 = tpu.vector_load %arg5[%get3A_468, %get3A_469] {strides = array<i32>} : memref<32x128xf32, #tpu.memory_space<vmem>>, vector<16xf32>,
        %mul3A_471 = arith.constant 33 : i32
        %mul3A_472 = arith.muli %mul3A_157, %mul3A_471 : i32
        %add3A_473 = arith.constant 31 : i32
        %add3A_474 = arith.addi %mul3A_472, %add3A_473 : i32
        %add3A_475 = vector.broadcast %add3A_474 : i32 to vector<16xi32>
        %add3A_476 = arith.addi %mul3A_3, %add3A_475 : vector<16xi32>
        tpu.vector_store_idx %arg7[%add3A_476], %get3A_470 : memref<4224xf32, #tpu.memory_space<vmem>>[vector<16xi32>], vector<16xf32>,
      }
      %scan3A_99 = arith.constant 8 : i32
      %scan3A_100 = arith.constant 0 : i32
      %scan3A_101 = arith.constant 0 : i32
      %scan3A_102 = arith.constant 64 : i32
      %scan3A_103 = arith.addi %scan3A_101, %scan3A_102 : i32
      %scan3A_104 = arith.constant 1 : i32
      scf.for %scan3A_155 = %scan3A_101 to %scan3A_103 step %scan3A_104  : i32 {
        %mul3A_156 = arith.constant 2 : i32
        %mul3A_157 = arith.muli %scan3A_155, %mul3A_156 : i32
        %add3A_158 = arith.constant 0 : i32
        %add3A_159 = arith.addi %mul3A_157, %add3A_158 : i32
        %mul3A_160 = arith.constant 33 : i32
        %mul3A_161 = arith.muli %add3A_159, %mul3A_160 : i32
        %add3A_162 = arith.constant 0 : i32
        %add3A_163 = arith.addi %mul3A_161, %add3A_162 : i32
        %get3A = arith.index_cast %add3A_163 : i32 to index
        %get3A_164 = tpu.vector_load %arg7[%get3A] {strides = array<i32>} : memref<4224xf32, #tpu.memory_space<vmem>>, vector<16xf32>,
        %mul3A_165 = arith.constant 32 : i32
        %mul3A_166 = arith.muli %add3A_159, %mul3A_165 : i32
        %add3A_167 = arith.constant 0 : i32
        %add3A_168 = arith.addi %mul3A_166, %add3A_167 : i32
        %swap3A = arith.index_cast %add3A_168 : i32 to index
        %swap3A_169 = tpu.vector_load %arg8[%swap3A] {strides = array<i32>} : memref<4096xf32, #tpu.memory_space<vmem>>, vector<16xf32>,
        tpu.vector_store %arg8[%swap3A], %get3A_164 {strides = array<i32>} : memref<4096xf32, #tpu.memory_space<vmem>>, vector<16xf32>,
        %mul3A_170 = arith.constant 33 : i32
        %mul3A_171 = arith.muli %add3A_159, %mul3A_170 : i32
        %add3A_172 = arith.constant 16 : i32
        %add3A_173 = arith.addi %mul3A_171, %add3A_172 : i32
        %get3A_174 = arith.index_cast %add3A_173 : i32 to index
        %get3A_175 = tpu.vector_load %arg7[%get3A_174] {strides = array<i32>} : memref<4224xf32, #tpu.memory_space<vmem>>, vector<16xf32>,
        %mul3A_176 = arith.constant 32 : i32
        %mul3A_177 = arith.muli %add3A_159, %mul3A_176 : i32
        %add3A_178 = arith.constant 16 : i32
        %add3A_179 = arith.addi %mul3A_177, %add3A_178 : i32
        %swap3A_180 = arith.index_cast %add3A_179 : i32 to index
        %swap3A_181 = tpu.vector_load %arg8[%swap3A_180] {strides = array<i32>} : memref<4096xf32, #tpu.memory_space<vmem>>, vector<16xf32>,
        tpu.vector_store %arg8[%swap3A_180], %get3A_175 {strides = array<i32>} : memref<4096xf32, #tpu.memory_space<vmem>>, vector<16xf32>,
        %mul3A_182 = arith.constant 2 : i32
        %mul3A_183 = arith.muli %scan3A_155, %mul3A_182 : i32
        %add3A_184 = arith.constant 1 : i32
        %add3A_185 = arith.addi %mul3A_183, %add3A_184 : i32
        %mul3A_186 = arith.constant 33 : i32
        %mul3A_187 = arith.muli %add3A_185, %mul3A_186 : i32
        %add3A_188 = arith.constant 0 : i32
        %add3A_189 = arith.addi %mul3A_187, %add3A_188 : i32
        %get3A_190 = arith.index_cast %add3A_189 : i32 to index
        %get3A_191 = tpu.vector_load %arg7[%get3A_190] {strides = array<i32>} : memref<4224xf32, #tpu.memory_space<vmem>>, vector<16xf32>,
        %mul3A_192 = arith.constant 32 : i32
        %mul3A_193 = arith.muli %add3A_185, %mul3A_192 : i32
        %add3A_194 = arith.constant 0 : i32
        %add3A_195 = arith.addi %mul3A_193, %add3A_194 : i32
        %swap3A_196 = arith.index_cast %add3A_195 : i32 to index
        %swap3A_197 = tpu.vector_load %arg8[%swap3A_196] {strides = array<i32>} : memref<4096xf32, #tpu.memory_space<vmem>>, vector<16xf32>,
        tpu.vector_store %arg8[%swap3A_196], %get3A_191 {strides = array<i32>} : memref<4096xf32, #tpu.memory_space<vmem>>, vector<16xf32>,
        %mul3A_198 = arith.constant 33 : i32
        %mul3A_199 = arith.muli %add3A_185, %mul3A_198 : i32
        %add3A_200 = arith.constant 16 : i32
        %add3A_201 = arith.addi %mul3A_199, %add3A_200 : i32
        %get3A_202 = arith.index_cast %add3A_201 : i32 to index
        %get3A_203 = tpu.vector_load %arg7[%get3A_202] {strides = array<i32>} : memref<4224xf32, #tpu.memory_space<vmem>>, vector<16xf32>,
        %mul3A_204 = arith.constant 32 : i32
        %mul3A_205 = arith.muli %add3A_185, %mul3A_204 : i32
        %add3A_206 = arith.constant 16 : i32
        %add3A_207 = arith.addi %mul3A_205, %add3A_206 : i32
        %swap3A_208 = arith.index_cast %add3A_207 : i32 to index
        %swap3A_209 = tpu.vector_load %arg8[%swap3A_208] {strides = array<i32>} : memref<4096xf32, #tpu.memory_space<vmem>>, vector<16xf32>,
        tpu.vector_store %arg8[%swap3A_208], %get3A_203 {strides = array<i32>} : memref<4096xf32, #tpu.memory_space<vmem>>, vector<16xf32>,
      }
      %scan3A_105 = arith.constant 64 : i32
      %mul3A_106 = arith.constant 128 : i32
      %mul3A_107 = arith.muli %add3A_76, %mul3A_106 : i32
      %mul3A_108 = arith.constant 32 : i32
      %mul3A_109 = arith.muli %mul3A_107, %mul3A_108 : i32
      %dma_start3A_110 = tpu.memref_slice %arg4[%mul3A_109] : memref<32000000xf32, #tpu.memory_space<hbm>> -> memref<4096xf32, #tpu.memory_space<hbm>>
      %dma_start3A_111 = tpu.memref_slice %arg4[%mul3A_109] : memref<32000000xf32, #tpu.memory_space<hbm>> -> memref<4096xf32, #tpu.memory_space<hbm>>
      tpu.enqueue_dma source(%arg8 : memref<4096xf32, #tpu.memory_space<vmem>>) target(%dma_start3A_111 : memref<4096xf32, #tpu.memory_space<hbm>>) target_semaphore(%arg12 : memref<!tpu.dma_semaphore, #tpu.memory_space<semaphore_mem>>)
      %mul3A_112 = arith.constant 2 : i32
      %mul3A_113 = arith.muli %scan3A_69, %mul3A_112 : i32
      %add3A_114 = arith.constant 1 : i32
      %add3A_115 = arith.addi %mul3A_113, %add3A_114 : i32
      %mul3A_116 = arith.constant 32 : i32
      %mul3A_117 = arith.muli %add3A_115, %mul3A_116 : i32
      %add3A_118 = arith.addi %mul3A_117, %add3A : i32
      %dma_wait3A_119 = arith.constant 0 : i32
      %dma_wait3A_120 = arith.constant 0 : i32
      %dma_wait3A_121 = tpu.memref_slice %arg2[%dma_wait3A_119, %dma_wait3A_120] : memref<32x1000000xf32, #tpu.memory_space<hbm>> -> memref<32x128xf32, #tpu.memory_space<hbm>>
      %dma_wait3A_122 = arith.constant 0 : i32
      %dma_wait3A_123 = arith.constant 0 : i32
      %dma_wait3A_124 = tpu.memref_slice %arg2[%dma_wait3A_122, %dma_wait3A_123] : memref<32x1000000xf32, #tpu.memory_space<hbm>> -> memref<32x128xf32, #tpu.memory_space<hbm>>
      tpu.wait_dma2 semaphore(%arg11 : memref<!tpu.dma_semaphore, #tpu.memory_space<semaphore_mem>>) src(%dma_wait3A_124 : memref<32x128xf32, #tpu.memory_space<hbm>>) dst(%arg6 : memref<32x128xf32, #tpu.memory_space<vmem>>)
      %add3A_125 = arith.constant 1 : i32
      %add3A_126 = arith.addi %add3A_115, %add3A_125 : i32
      %lt3A_127 = arith.constant 244 : i32
      %lt3A_128 = arith.cmpi slt, %add3A_126, %lt3A_127 : i32
      %convert_element_type3A_129 = arith.extui %lt3A_128 : i1 to i32
      %cond3A_130 = arith.constant 0 : i32
      %cond3A_131 = arith.cmpi ne, %convert_element_type3A_129, %cond3A_130 : i32
      scf.if %cond3A_131 {
        %add3A_155 = arith.constant 1 : i32
        %add3A_156 = arith.addi %add3A_115, %add3A_155 : i32
        %mul3A_157 = arith.constant 32 : i32
        %mul3A_158 = arith.muli %add3A_156, %mul3A_157 : i32
        %add3A_159 = arith.addi %mul3A_158, %add3A : i32
        %mul3A_160 = arith.constant 128 : i32
        %mul3A_161 = arith.muli %add3A_159, %mul3A_160 : i32
        %dma_start3A_162 = arith.constant 0 : i32
        %dma_start3A_163 = arith.constant 0 : i32
        %dma_start3A_164 = tpu.memref_slice %arg5[%dma_start3A_162, %dma_start3A_163] : memref<32x128xf32, #tpu.memory_space<vmem>> -> memref<8x128xf32, #tpu.memory_space<vmem>>
        %dma_start3A_165 = arith.constant 0 : i32
        %dma_start3A_166 = tpu.memref_slice %arg2[%dma_start3A_165, %mul3A_161] : memref<32x1000000xf32, #tpu.memory_space<hbm>> -> memref<8x128xf32, #tpu.memory_space<hbm>>
        %dma_start3A_167 = arith.constant 0 : i32
        %dma_start3A_168 = arith.constant 0 : i32
        %dma_start3A_169 = tpu.memref_slice %arg5[%dma_start3A_167, %dma_start3A_168] : memref<32x128xf32, #tpu.memory_space<vmem>> -> memref<8x128xf32, #tpu.memory_space<vmem>>
        %dma_start3A_170 = arith.constant 0 : i32
        %dma_start3A_171 = tpu.memref_slice %arg2[%dma_start3A_170, %mul3A_161] : memref<32x1000000xf32, #tpu.memory_space<hbm>> -> memref<8x128xf32, #tpu.memory_space<hbm>>
        tpu.enqueue_dma source(%dma_start3A_171 : memref<8x128xf32, #tpu.memory_space<hbm>>) target(%dma_start3A_169 : memref<8x128xf32, #tpu.memory_space<vmem>>) target_semaphore(%arg10 : memref<!tpu.dma_semaphore, #tpu.memory_space<semaphore_mem>>)
        %mul3A_172 = arith.constant 128 : i32
        %mul3A_173 = arith.muli %add3A_159, %mul3A_172 : i32
        %dma_start3A_174 = arith.constant 8 : i32
        %dma_start3A_175 = arith.constant 0 : i32
        %dma_start3A_176 = tpu.memref_slice %arg5[%dma_start3A_174, %dma_start3A_175] : memref<32x128xf32, #tpu.memory_space<vmem>> -> memref<8x128xf32, #tpu.memory_space<vmem>>
        %dma_start3A_177 = arith.constant 8 : i32
        %dma_start3A_178 = tpu.memref_slice %arg2[%dma_start3A_177, %mul3A_173] : memref<32x1000000xf32, #tpu.memory_space<hbm>> -> memref<8x128xf32, #tpu.memory_space<hbm>>
        %dma_start3A_179 = arith.constant 8 : i32
        %dma_start3A_180 = arith.constant 0 : i32
        %dma_start3A_181 = tpu.memref_slice %arg5[%dma_start3A_179, %dma_start3A_180] : memref<32x128xf32, #tpu.memory_space<vmem>> -> memref<8x128xf32, #tpu.memory_space<vmem>>
        %dma_start3A_182 = arith.constant 8 : i32
        %dma_start3A_183 = tpu.memref_slice %arg2[%dma_start3A_182, %mul3A_173] : memref<32x1000000xf32, #tpu.memory_space<hbm>> -> memref<8x128xf32, #tpu.memory_space<hbm>>
        tpu.enqueue_dma source(%dma_start3A_183 : memref<8x128xf32, #tpu.memory_space<hbm>>) target(%dma_start3A_181 : memref<8x128xf32, #tpu.memory_space<vmem>>) target_semaphore(%arg10 : memref<!tpu.dma_semaphore, #tpu.memory_space<semaphore_mem>>)
        %mul3A_184 = arith.constant 128 : i32
        %mul3A_185 = arith.muli %add3A_159, %mul3A_184 : i32
        %dma_start3A_186 = arith.constant 16 : i32
        %dma_start3A_187 = arith.constant 0 : i32
        %dma_start3A_188 = tpu.memref_slice %arg5[%dma_start3A_186, %dma_start3A_187] : memref<32x128xf32, #tpu.memory_space<vmem>> -> memref<8x128xf32, #tpu.memory_space<vmem>>
        %dma_start3A_189 = arith.constant 16 : i32
        %dma_start3A_190 = tpu.memref_slice %arg2[%dma_start3A_189, %mul3A_185] : memref<32x1000000xf32, #tpu.memory_space<hbm>> -> memref<8x128xf32, #tpu.memory_space<hbm>>
        %dma_start3A_191 = arith.constant 16 : i32
        %dma_start3A_192 = arith.constant 0 : i32
        %dma_start3A_193 = tpu.memref_slice %arg5[%dma_start3A_191, %dma_start3A_192] : memref<32x128xf32, #tpu.memory_space<vmem>> -> memref<8x128xf32, #tpu.memory_space<vmem>>
        %dma_start3A_194 = arith.constant 16 : i32
        %dma_start3A_195 = tpu.memref_slice %arg2[%dma_start3A_194, %mul3A_185] : memref<32x1000000xf32, #tpu.memory_space<hbm>> -> memref<8x128xf32, #tpu.memory_space<hbm>>
        tpu.enqueue_dma source(%dma_start3A_195 : memref<8x128xf32, #tpu.memory_space<hbm>>) target(%dma_start3A_193 : memref<8x128xf32, #tpu.memory_space<vmem>>) target_semaphore(%arg10 : memref<!tpu.dma_semaphore, #tpu.memory_space<semaphore_mem>>)
        %mul3A_196 = arith.constant 128 : i32
        %mul3A_197 = arith.muli %add3A_159, %mul3A_196 : i32
        %dma_start3A_198 = arith.constant 24 : i32
        %dma_start3A_199 = arith.constant 0 : i32
        %dma_start3A_200 = tpu.memref_slice %arg5[%dma_start3A_198, %dma_start3A_199] : memref<32x128xf32, #tpu.memory_space<vmem>> -> memref<8x128xf32, #tpu.memory_space<vmem>>
        %dma_start3A_201 = arith.constant 24 : i32
        %dma_start3A_202 = tpu.memref_slice %arg2[%dma_start3A_201, %mul3A_197] : memref<32x1000000xf32, #tpu.memory_space<hbm>> -> memref<8x128xf32, #tpu.memory_space<hbm>>
        %dma_start3A_203 = arith.constant 24 : i32
        %dma_start3A_204 = arith.constant 0 : i32
        %dma_start3A_205 = tpu.memref_slice %arg5[%dma_start3A_203, %dma_start3A_204] : memref<32x128xf32, #tpu.memory_space<vmem>> -> memref<8x128xf32, #tpu.memory_space<vmem>>
        %dma_start3A_206 = arith.constant 24 : i32
        %dma_start3A_207 = tpu.memref_slice %arg2[%dma_start3A_206, %mul3A_197] : memref<32x1000000xf32, #tpu.memory_space<hbm>> -> memref<8x128xf32, #tpu.memory_space<hbm>>
        tpu.enqueue_dma source(%dma_start3A_207 : memref<8x128xf32, #tpu.memory_space<hbm>>) target(%dma_start3A_205 : memref<8x128xf32, #tpu.memory_space<vmem>>) target_semaphore(%arg10 : memref<!tpu.dma_semaphore, #tpu.memory_space<semaphore_mem>>)
      } else {
      }
      %ge3A_132 = arith.constant 2 : i32
      %ge3A_133 = arith.cmpi sge, %add3A_115, %ge3A_132 : i32
      %convert_element_type3A_134 = arith.extui %ge3A_133 : i1 to i32
      %cond3A_135 = arith.constant 0 : i32
      %cond3A_136 = arith.cmpi ne, %convert_element_type3A_134, %cond3A_135 : i32
      scf.if %cond3A_136 {
        %dma_wait3A_155 = arith.constant 0 : i32
        %dma_wait3A_156 = tpu.memref_slice %arg4[%dma_wait3A_155] : memref<32000000xf32, #tpu.memory_space<hbm>> -> memref<4096xf32, #tpu.memory_space<hbm>>
        %dma_wait3A_157 = arith.constant 0 : i32
        %dma_wait3A_158 = tpu.memref_slice %arg4[%dma_wait3A_157] : memref<32000000xf32, #tpu.memory_space<hbm>> -> memref<4096xf32, #tpu.memory_space<hbm>>
        tpu.wait_dma2 semaphore(%arg13 : memref<!tpu.dma_semaphore, #tpu.memory_space<semaphore_mem>>) src(%arg9 : memref<4096xf32, #tpu.memory_space<vmem>>) dst(%dma_wait3A_158 : memref<4096xf32, #tpu.memory_space<hbm>>)
      } else {
      }
      %scan3A_137 = arith.constant 0 : i32
      %scan3A_138 = arith.constant 0 : i32
      %scan3A_139 = arith.constant 8 : i32
      %scan3A_140 = arith.addi %scan3A_138, %scan3A_139 : i32
      %scan3A_141 = arith.constant 1 : i32
      scf.for %scan3A_155 = %scan3A_138 to %scan3A_140 step %scan3A_141  : i32 {
        %mul3A_156 = arith.constant 16 : i32
        %mul3A_157 = arith.muli %scan3A_155, %mul3A_156 : i32
        %get3A = arith.constant 0 : i32
        %get3A_158 = arith.index_cast %get3A : i32 to index
        %get3A_159 = arith.index_cast %mul3A_157 : i32 to index
        %get3A_160 = tpu.vector_load %arg6[%get3A_158, %get3A_159] {strides = array<i32>} : memref<32x128xf32, #tpu.memory_space<vmem>>, vector<16xf32>,
        %mul3A_161 = arith.constant 33 : i32
        %mul3A_162 = arith.muli %mul3A_157, %mul3A_161 : i32
        %add3A_163 = arith.constant 0 : i32
        %add3A_164 = arith.addi %mul3A_162, %add3A_163 : i32
        %add3A_165 = vector.broadcast %add3A_164 : i32 to vector<16xi32>
        %add3A_166 = arith.addi %mul3A_3, %add3A_165 : vector<16xi32>
        tpu.vector_store_idx %arg7[%add3A_166], %get3A_160 : memref<4224xf32, #tpu.memory_space<vmem>>[vector<16xi32>], vector<16xf32>,
        %get3A_167 = arith.constant 1 : i32
        %get3A_168 = arith.index_cast %get3A_167 : i32 to index
        %get3A_169 = arith.index_cast %mul3A_157 : i32 to index
        %get3A_170 = tpu.vector_load %arg6[%get3A_168, %get3A_169] {strides = array<i32>} : memref<32x128xf32, #tpu.memory_space<vmem>>, vector<16xf32>,
        %mul3A_171 = arith.constant 33 : i32
        %mul3A_172 = arith.muli %mul3A_157, %mul3A_171 : i32
        %add3A_173 = arith.constant 1 : i32
        %add3A_174 = arith.addi %mul3A_172, %add3A_173 : i32
        %add3A_175 = vector.broadcast %add3A_174 : i32 to vector<16xi32>
        %add3A_176 = arith.addi %mul3A_3, %add3A_175 : vector<16xi32>
        tpu.vector_store_idx %arg7[%add3A_176], %get3A_170 : memref<4224xf32, #tpu.memory_space<vmem>>[vector<16xi32>], vector<16xf32>,
        %get3A_177 = arith.constant 2 : i32
        %get3A_178 = arith.index_cast %get3A_177 : i32 to index
        %get3A_179 = arith.index_cast %mul3A_157 : i32 to index
        %get3A_180 = tpu.vector_load %arg6[%get3A_178, %get3A_179] {strides = array<i32>} : memref<32x128xf32, #tpu.memory_space<vmem>>, vector<16xf32>,
        %mul3A_181 = arith.constant 33 : i32
        %mul3A_182 = arith.muli %mul3A_157, %mul3A_181 : i32
        %add3A_183 = arith.constant 2 : i32
        %add3A_184 = arith.addi %mul3A_182, %add3A_183 : i32
        %add3A_185 = vector.broadcast %add3A_184 : i32 to vector<16xi32>
        %add3A_186 = arith.addi %mul3A_3, %add3A_185 : vector<16xi32>
        tpu.vector_store_idx %arg7[%add3A_186], %get3A_180 : memref<4224xf32, #tpu.memory_space<vmem>>[vector<16xi32>], vector<16xf32>,
        %get3A_187 = arith.constant 3 : i32
        %get3A_188 = arith.index_cast %get3A_187 : i32 to index
        %get3A_189 = arith.index_cast %mul3A_157 : i32 to index
        %get3A_190 = tpu.vector_load %arg6[%get3A_188, %get3A_189] {strides = array<i32>} : memref<32x128xf32, #tpu.memory_space<vmem>>, vector<16xf32>,
        %mul3A_191 = arith.constant 33 : i32
        %mul3A_192 = arith.muli %mul3A_157, %mul3A_191 : i32
        %add3A_193 = arith.constant 3 : i32
        %add3A_194 = arith.addi %mul3A_192, %add3A_193 : i32
        %add3A_195 = vector.broadcast %add3A_194 : i32 to vector<16xi32>
        %add3A_196 = arith.addi %mul3A_3, %add3A_195 : vector<16xi32>
        tpu.vector_store_idx %arg7[%add3A_196], %get3A_190 : memref<4224xf32, #tpu.memory_space<vmem>>[vector<16xi32>], vector<16xf32>,
        %get3A_197 = arith.constant 4 : i32
        %get3A_198 = arith.index_cast %get3A_197 : i32 to index
        %get3A_199 = arith.index_cast %mul3A_157 : i32 to index
        %get3A_200 = tpu.vector_load %arg6[%get3A_198, %get3A_199] {strides = array<i32>} : memref<32x128xf32, #tpu.memory_space<vmem>>, vector<16xf32>,
        %mul3A_201 = arith.constant 33 : i32
        %mul3A_202 = arith.muli %mul3A_157, %mul3A_201 : i32
        %add3A_203 = arith.constant 4 : i32
        %add3A_204 = arith.addi %mul3A_202, %add3A_203 : i32
        %add3A_205 = vector.broadcast %add3A_204 : i32 to vector<16xi32>
        %add3A_206 = arith.addi %mul3A_3, %add3A_205 : vector<16xi32>
        tpu.vector_store_idx %arg7[%add3A_206], %get3A_200 : memref<4224xf32, #tpu.memory_space<vmem>>[vector<16xi32>], vector<16xf32>,
        %get3A_207 = arith.constant 5 : i32
        %get3A_208 = arith.index_cast %get3A_207 : i32 to index
        %get3A_209 = arith.index_cast %mul3A_157 : i32 to index
        %get3A_210 = tpu.vector_load %arg6[%get3A_208, %get3A_209] {strides = array<i32>} : memref<32x128xf32, #tpu.memory_space<vmem>>, vector<16xf32>,
        %mul3A_211 = arith.constant 33 : i32
        %mul3A_212 = arith.muli %mul3A_157, %mul3A_211 : i32
        %add3A_213 = arith.constant 5 : i32
        %add3A_214 = arith.addi %mul3A_212, %add3A_213 : i32
        %add3A_215 = vector.broadcast %add3A_214 : i32 to vector<16xi32>
        %add3A_216 = arith.addi %mul3A_3, %add3A_215 : vector<16xi32>
        tpu.vector_store_idx %arg7[%add3A_216], %get3A_210 : memref<4224xf32, #tpu.memory_space<vmem>>[vector<16xi32>], vector<16xf32>,
        %get3A_217 = arith.constant 6 : i32
        %get3A_218 = arith.index_cast %get3A_217 : i32 to index
        %get3A_219 = arith.index_cast %mul3A_157 : i32 to index
        %get3A_220 = tpu.vector_load %arg6[%get3A_218, %get3A_219] {strides = array<i32>} : memref<32x128xf32, #tpu.memory_space<vmem>>, vector<16xf32>,
        %mul3A_221 = arith.constant 33 : i32
        %mul3A_222 = arith.muli %mul3A_157, %mul3A_221 : i32
        %add3A_223 = arith.constant 6 : i32
        %add3A_224 = arith.addi %mul3A_222, %add3A_223 : i32
        %add3A_225 = vector.broadcast %add3A_224 : i32 to vector<16xi32>
        %add3A_226 = arith.addi %mul3A_3, %add3A_225 : vector<16xi32>
        tpu.vector_store_idx %arg7[%add3A_226], %get3A_220 : memref<4224xf32, #tpu.memory_space<vmem>>[vector<16xi32>], vector<16xf32>,
        %get3A_227 = arith.constant 7 : i32
        %get3A_228 = arith.index_cast %get3A_227 : i32 to index
        %get3A_229 = arith.index_cast %mul3A_157 : i32 to index
        %get3A_230 = tpu.vector_load %arg6[%get3A_228, %get3A_229] {strides = array<i32>} : memref<32x128xf32, #tpu.memory_space<vmem>>, vector<16xf32>,
        %mul3A_231 = arith.constant 33 : i32
        %mul3A_232 = arith.muli %mul3A_157, %mul3A_231 : i32
        %add3A_233 = arith.constant 7 : i32
        %add3A_234 = arith.addi %mul3A_232, %add3A_233 : i32
        %add3A_235 = vector.broadcast %add3A_234 : i32 to vector<16xi32>
        %add3A_236 = arith.addi %mul3A_3, %add3A_235 : vector<16xi32>
        tpu.vector_store_idx %arg7[%add3A_236], %get3A_230 : memref<4224xf32, #tpu.memory_space<vmem>>[vector<16xi32>], vector<16xf32>,
        %get3A_237 = arith.constant 8 : i32
        %get3A_238 = arith.index_cast %get3A_237 : i32 to index
        %get3A_239 = arith.index_cast %mul3A_157 : i32 to index
        %get3A_240 = tpu.vector_load %arg6[%get3A_238, %get3A_239] {strides = array<i32>} : memref<32x128xf32, #tpu.memory_space<vmem>>, vector<16xf32>,
        %mul3A_241 = arith.constant 33 : i32
        %mul3A_242 = arith.muli %mul3A_157, %mul3A_241 : i32
        %add3A_243 = arith.constant 8 : i32
        %add3A_244 = arith.addi %mul3A_242, %add3A_243 : i32
        %add3A_245 = vector.broadcast %add3A_244 : i32 to vector<16xi32>
        %add3A_246 = arith.addi %mul3A_3, %add3A_245 : vector<16xi32>
        tpu.vector_store_idx %arg7[%add3A_246], %get3A_240 : memref<4224xf32, #tpu.memory_space<vmem>>[vector<16xi32>], vector<16xf32>,
        %get3A_247 = arith.constant 9 : i32
        %get3A_248 = arith.index_cast %get3A_247 : i32 to index
        %get3A_249 = arith.index_cast %mul3A_157 : i32 to index
        %get3A_250 = tpu.vector_load %arg6[%get3A_248, %get3A_249] {strides = array<i32>} : memref<32x128xf32, #tpu.memory_space<vmem>>, vector<16xf32>,
        %mul3A_251 = arith.constant 33 : i32
        %mul3A_252 = arith.muli %mul3A_157, %mul3A_251 : i32
        %add3A_253 = arith.constant 9 : i32
        %add3A_254 = arith.addi %mul3A_252, %add3A_253 : i32
        %add3A_255 = vector.broadcast %add3A_254 : i32 to vector<16xi32>
        %add3A_256 = arith.addi %mul3A_3, %add3A_255 : vector<16xi32>
        tpu.vector_store_idx %arg7[%add3A_256], %get3A_250 : memref<4224xf32, #tpu.memory_space<vmem>>[vector<16xi32>], vector<16xf32>,
        %get3A_257 = arith.constant 10 : i32
        %get3A_258 = arith.index_cast %get3A_257 : i32 to index
        %get3A_259 = arith.index_cast %mul3A_157 : i32 to index
        %get3A_260 = tpu.vector_load %arg6[%get3A_258, %get3A_259] {strides = array<i32>} : memref<32x128xf32, #tpu.memory_space<vmem>>, vector<16xf32>,
        %mul3A_261 = arith.constant 33 : i32
        %mul3A_262 = arith.muli %mul3A_157, %mul3A_261 : i32
        %add3A_263 = arith.constant 10 : i32
        %add3A_264 = arith.addi %mul3A_262, %add3A_263 : i32
        %add3A_265 = vector.broadcast %add3A_264 : i32 to vector<16xi32>
        %add3A_266 = arith.addi %mul3A_3, %add3A_265 : vector<16xi32>
        tpu.vector_store_idx %arg7[%add3A_266], %get3A_260 : memref<4224xf32, #tpu.memory_space<vmem>>[vector<16xi32>], vector<16xf32>,
        %get3A_267 = arith.constant 11 : i32
        %get3A_268 = arith.index_cast %get3A_267 : i32 to index
        %get3A_269 = arith.index_cast %mul3A_157 : i32 to index
        %get3A_270 = tpu.vector_load %arg6[%get3A_268, %get3A_269] {strides = array<i32>} : memref<32x128xf32, #tpu.memory_space<vmem>>, vector<16xf32>,
        %mul3A_271 = arith.constant 33 : i32
        %mul3A_272 = arith.muli %mul3A_157, %mul3A_271 : i32
        %add3A_273 = arith.constant 11 : i32
        %add3A_274 = arith.addi %mul3A_272, %add3A_273 : i32
        %add3A_275 = vector.broadcast %add3A_274 : i32 to vector<16xi32>
        %add3A_276 = arith.addi %mul3A_3, %add3A_275 : vector<16xi32>
        tpu.vector_store_idx %arg7[%add3A_276], %get3A_270 : memref<4224xf32, #tpu.memory_space<vmem>>[vector<16xi32>], vector<16xf32>,
        %get3A_277 = arith.constant 12 : i32
        %get3A_278 = arith.index_cast %get3A_277 : i32 to index
        %get3A_279 = arith.index_cast %mul3A_157 : i32 to index
        %get3A_280 = tpu.vector_load %arg6[%get3A_278, %get3A_279] {strides = array<i32>} : memref<32x128xf32, #tpu.memory_space<vmem>>, vector<16xf32>,
        %mul3A_281 = arith.constant 33 : i32
        %mul3A_282 = arith.muli %mul3A_157, %mul3A_281 : i32
        %add3A_283 = arith.constant 12 : i32
        %add3A_284 = arith.addi %mul3A_282, %add3A_283 : i32
        %add3A_285 = vector.broadcast %add3A_284 : i32 to vector<16xi32>
        %add3A_286 = arith.addi %mul3A_3, %add3A_285 : vector<16xi32>
        tpu.vector_store_idx %arg7[%add3A_286], %get3A_280 : memref<4224xf32, #tpu.memory_space<vmem>>[vector<16xi32>], vector<16xf32>,
        %get3A_287 = arith.constant 13 : i32
        %get3A_288 = arith.index_cast %get3A_287 : i32 to index
        %get3A_289 = arith.index_cast %mul3A_157 : i32 to index
        %get3A_290 = tpu.vector_load %arg6[%get3A_288, %get3A_289] {strides = array<i32>} : memref<32x128xf32, #tpu.memory_space<vmem>>, vector<16xf32>,
        %mul3A_291 = arith.constant 33 : i32
        %mul3A_292 = arith.muli %mul3A_157, %mul3A_291 : i32
        %add3A_293 = arith.constant 13 : i32
        %add3A_294 = arith.addi %mul3A_292, %add3A_293 : i32
        %add3A_295 = vector.broadcast %add3A_294 : i32 to vector<16xi32>
        %add3A_296 = arith.addi %mul3A_3, %add3A_295 : vector<16xi32>
        tpu.vector_store_idx %arg7[%add3A_296], %get3A_290 : memref<4224xf32, #tpu.memory_space<vmem>>[vector<16xi32>], vector<16xf32>,
        %get3A_297 = arith.constant 14 : i32
        %get3A_298 = arith.index_cast %get3A_297 : i32 to index
        %get3A_299 = arith.index_cast %mul3A_157 : i32 to index
        %get3A_300 = tpu.vector_load %arg6[%get3A_298, %get3A_299] {strides = array<i32>} : memref<32x128xf32, #tpu.memory_space<vmem>>, vector<16xf32>,
        %mul3A_301 = arith.constant 33 : i32
        %mul3A_302 = arith.muli %mul3A_157, %mul3A_301 : i32
        %add3A_303 = arith.constant 14 : i32
        %add3A_304 = arith.addi %mul3A_302, %add3A_303 : i32
        %add3A_305 = vector.broadcast %add3A_304 : i32 to vector<16xi32>
        %add3A_306 = arith.addi %mul3A_3, %add3A_305 : vector<16xi32>
        tpu.vector_store_idx %arg7[%add3A_306], %get3A_300 : memref<4224xf32, #tpu.memory_space<vmem>>[vector<16xi32>], vector<16xf32>,
        %get3A_307 = arith.constant 15 : i32
        %get3A_308 = arith.index_cast %get3A_307 : i32 to index
        %get3A_309 = arith.index_cast %mul3A_157 : i32 to index
        %get3A_310 = tpu.vector_load %arg6[%get3A_308, %get3A_309] {strides = array<i32>} : memref<32x128xf32, #tpu.memory_space<vmem>>, vector<16xf32>,
        %mul3A_311 = arith.constant 33 : i32
        %mul3A_312 = arith.muli %mul3A_157, %mul3A_311 : i32
        %add3A_313 = arith.constant 15 : i32
        %add3A_314 = arith.addi %mul3A_312, %add3A_313 : i32
        %add3A_315 = vector.broadcast %add3A_314 : i32 to vector<16xi32>
        %add3A_316 = arith.addi %mul3A_3, %add3A_315 : vector<16xi32>
        tpu.vector_store_idx %arg7[%add3A_316], %get3A_310 : memref<4224xf32, #tpu.memory_space<vmem>>[vector<16xi32>], vector<16xf32>,
        %get3A_317 = arith.constant 16 : i32
        %get3A_318 = arith.index_cast %get3A_317 : i32 to index
        %get3A_319 = arith.index_cast %mul3A_157 : i32 to index
        %get3A_320 = tpu.vector_load %arg6[%get3A_318, %get3A_319] {strides = array<i32>} : memref<32x128xf32, #tpu.memory_space<vmem>>, vector<16xf32>,
        %mul3A_321 = arith.constant 33 : i32
        %mul3A_322 = arith.muli %mul3A_157, %mul3A_321 : i32
        %add3A_323 = arith.constant 16 : i32
        %add3A_324 = arith.addi %mul3A_322, %add3A_323 : i32
        %add3A_325 = vector.broadcast %add3A_324 : i32 to vector<16xi32>
        %add3A_326 = arith.addi %mul3A_3, %add3A_325 : vector<16xi32>
        tpu.vector_store_idx %arg7[%add3A_326], %get3A_320 : memref<4224xf32, #tpu.memory_space<vmem>>[vector<16xi32>], vector<16xf32>,
        %get3A_327 = arith.constant 17 : i32
        %get3A_328 = arith.index_cast %get3A_327 : i32 to index
        %get3A_329 = arith.index_cast %mul3A_157 : i32 to index
        %get3A_330 = tpu.vector_load %arg6[%get3A_328, %get3A_329] {strides = array<i32>} : memref<32x128xf32, #tpu.memory_space<vmem>>, vector<16xf32>,
        %mul3A_331 = arith.constant 33 : i32
        %mul3A_332 = arith.muli %mul3A_157, %mul3A_331 : i32
        %add3A_333 = arith.constant 17 : i32
        %add3A_334 = arith.addi %mul3A_332, %add3A_333 : i32
        %add3A_335 = vector.broadcast %add3A_334 : i32 to vector<16xi32>
        %add3A_336 = arith.addi %mul3A_3, %add3A_335 : vector<16xi32>
        tpu.vector_store_idx %arg7[%add3A_336], %get3A_330 : memref<4224xf32, #tpu.memory_space<vmem>>[vector<16xi32>], vector<16xf32>,
        %get3A_337 = arith.constant 18 : i32
        %get3A_338 = arith.index_cast %get3A_337 : i32 to index
        %get3A_339 = arith.index_cast %mul3A_157 : i32 to index
        %get3A_340 = tpu.vector_load %arg6[%get3A_338, %get3A_339] {strides = array<i32>} : memref<32x128xf32, #tpu.memory_space<vmem>>, vector<16xf32>,
        %mul3A_341 = arith.constant 33 : i32
        %mul3A_342 = arith.muli %mul3A_157, %mul3A_341 : i32
        %add3A_343 = arith.constant 18 : i32
        %add3A_344 = arith.addi %mul3A_342, %add3A_343 : i32
        %add3A_345 = vector.broadcast %add3A_344 : i32 to vector<16xi32>
        %add3A_346 = arith.addi %mul3A_3, %add3A_345 : vector<16xi32>
        tpu.vector_store_idx %arg7[%add3A_346], %get3A_340 : memref<4224xf32, #tpu.memory_space<vmem>>[vector<16xi32>], vector<16xf32>,
        %get3A_347 = arith.constant 19 : i32
        %get3A_348 = arith.index_cast %get3A_347 : i32 to index
        %get3A_349 = arith.index_cast %mul3A_157 : i32 to index
        %get3A_350 = tpu.vector_load %arg6[%get3A_348, %get3A_349] {strides = array<i32>} : memref<32x128xf32, #tpu.memory_space<vmem>>, vector<16xf32>,
        %mul3A_351 = arith.constant 33 : i32
        %mul3A_352 = arith.muli %mul3A_157, %mul3A_351 : i32
        %add3A_353 = arith.constant 19 : i32
        %add3A_354 = arith.addi %mul3A_352, %add3A_353 : i32
        %add3A_355 = vector.broadcast %add3A_354 : i32 to vector<16xi32>
        %add3A_356 = arith.addi %mul3A_3, %add3A_355 : vector<16xi32>
        tpu.vector_store_idx %arg7[%add3A_356], %get3A_350 : memref<4224xf32, #tpu.memory_space<vmem>>[vector<16xi32>], vector<16xf32>,
        %get3A_357 = arith.constant 20 : i32
        %get3A_358 = arith.index_cast %get3A_357 : i32 to index
        %get3A_359 = arith.index_cast %mul3A_157 : i32 to index
        %get3A_360 = tpu.vector_load %arg6[%get3A_358, %get3A_359] {strides = array<i32>} : memref<32x128xf32, #tpu.memory_space<vmem>>, vector<16xf32>,
        %mul3A_361 = arith.constant 33 : i32
        %mul3A_362 = arith.muli %mul3A_157, %mul3A_361 : i32
        %add3A_363 = arith.constant 20 : i32
        %add3A_364 = arith.addi %mul3A_362, %add3A_363 : i32
        %add3A_365 = vector.broadcast %add3A_364 : i32 to vector<16xi32>
        %add3A_366 = arith.addi %mul3A_3, %add3A_365 : vector<16xi32>
        tpu.vector_store_idx %arg7[%add3A_366], %get3A_360 : memref<4224xf32, #tpu.memory_space<vmem>>[vector<16xi32>], vector<16xf32>,
        %get3A_367 = arith.constant 21 : i32
        %get3A_368 = arith.index_cast %get3A_367 : i32 to index
        %get3A_369 = arith.index_cast %mul3A_157 : i32 to index
        %get3A_370 = tpu.vector_load %arg6[%get3A_368, %get3A_369] {strides = array<i32>} : memref<32x128xf32, #tpu.memory_space<vmem>>, vector<16xf32>,
        %mul3A_371 = arith.constant 33 : i32
        %mul3A_372 = arith.muli %mul3A_157, %mul3A_371 : i32
        %add3A_373 = arith.constant 21 : i32
        %add3A_374 = arith.addi %mul3A_372, %add3A_373 : i32
        %add3A_375 = vector.broadcast %add3A_374 : i32 to vector<16xi32>
        %add3A_376 = arith.addi %mul3A_3, %add3A_375 : vector<16xi32>
        tpu.vector_store_idx %arg7[%add3A_376], %get3A_370 : memref<4224xf32, #tpu.memory_space<vmem>>[vector<16xi32>], vector<16xf32>,
        %get3A_377 = arith.constant 22 : i32
        %get3A_378 = arith.index_cast %get3A_377 : i32 to index
        %get3A_379 = arith.index_cast %mul3A_157 : i32 to index
        %get3A_380 = tpu.vector_load %arg6[%get3A_378, %get3A_379] {strides = array<i32>} : memref<32x128xf32, #tpu.memory_space<vmem>>, vector<16xf32>,
        %mul3A_381 = arith.constant 33 : i32
        %mul3A_382 = arith.muli %mul3A_157, %mul3A_381 : i32
        %add3A_383 = arith.constant 22 : i32
        %add3A_384 = arith.addi %mul3A_382, %add3A_383 : i32
        %add3A_385 = vector.broadcast %add3A_384 : i32 to vector<16xi32>
        %add3A_386 = arith.addi %mul3A_3, %add3A_385 : vector<16xi32>
        tpu.vector_store_idx %arg7[%add3A_386], %get3A_380 : memref<4224xf32, #tpu.memory_space<vmem>>[vector<16xi32>], vector<16xf32>,
        %get3A_387 = arith.constant 23 : i32
        %get3A_388 = arith.index_cast %get3A_387 : i32 to index
        %get3A_389 = arith.index_cast %mul3A_157 : i32 to index
        %get3A_390 = tpu.vector_load %arg6[%get3A_388, %get3A_389] {strides = array<i32>} : memref<32x128xf32, #tpu.memory_space<vmem>>, vector<16xf32>,
        %mul3A_391 = arith.constant 33 : i32
        %mul3A_392 = arith.muli %mul3A_157, %mul3A_391 : i32
        %add3A_393 = arith.constant 23 : i32
        %add3A_394 = arith.addi %mul3A_392, %add3A_393 : i32
        %add3A_395 = vector.broadcast %add3A_394 : i32 to vector<16xi32>
        %add3A_396 = arith.addi %mul3A_3, %add3A_395 : vector<16xi32>
        tpu.vector_store_idx %arg7[%add3A_396], %get3A_390 : memref<4224xf32, #tpu.memory_space<vmem>>[vector<16xi32>], vector<16xf32>,
        %get3A_397 = arith.constant 24 : i32
        %get3A_398 = arith.index_cast %get3A_397 : i32 to index
        %get3A_399 = arith.index_cast %mul3A_157 : i32 to index
        %get3A_400 = tpu.vector_load %arg6[%get3A_398, %get3A_399] {strides = array<i32>} : memref<32x128xf32, #tpu.memory_space<vmem>>, vector<16xf32>,
        %mul3A_401 = arith.constant 33 : i32
        %mul3A_402 = arith.muli %mul3A_157, %mul3A_401 : i32
        %add3A_403 = arith.constant 24 : i32
        %add3A_404 = arith.addi %mul3A_402, %add3A_403 : i32
        %add3A_405 = vector.broadcast %add3A_404 : i32 to vector<16xi32>
        %add3A_406 = arith.addi %mul3A_3, %add3A_405 : vector<16xi32>
        tpu.vector_store_idx %arg7[%add3A_406], %get3A_400 : memref<4224xf32, #tpu.memory_space<vmem>>[vector<16xi32>], vector<16xf32>,
        %get3A_407 = arith.constant 25 : i32
        %get3A_408 = arith.index_cast %get3A_407 : i32 to index
        %get3A_409 = arith.index_cast %mul3A_157 : i32 to index
        %get3A_410 = tpu.vector_load %arg6[%get3A_408, %get3A_409] {strides = array<i32>} : memref<32x128xf32, #tpu.memory_space<vmem>>, vector<16xf32>,
        %mul3A_411 = arith.constant 33 : i32
        %mul3A_412 = arith.muli %mul3A_157, %mul3A_411 : i32
        %add3A_413 = arith.constant 25 : i32
        %add3A_414 = arith.addi %mul3A_412, %add3A_413 : i32
        %add3A_415 = vector.broadcast %add3A_414 : i32 to vector<16xi32>
        %add3A_416 = arith.addi %mul3A_3, %add3A_415 : vector<16xi32>
        tpu.vector_store_idx %arg7[%add3A_416], %get3A_410 : memref<4224xf32, #tpu.memory_space<vmem>>[vector<16xi32>], vector<16xf32>,
        %get3A_417 = arith.constant 26 : i32
        %get3A_418 = arith.index_cast %get3A_417 : i32 to index
        %get3A_419 = arith.index_cast %mul3A_157 : i32 to index
        %get3A_420 = tpu.vector_load %arg6[%get3A_418, %get3A_419] {strides = array<i32>} : memref<32x128xf32, #tpu.memory_space<vmem>>, vector<16xf32>,
        %mul3A_421 = arith.constant 33 : i32
        %mul3A_422 = arith.muli %mul3A_157, %mul3A_421 : i32
        %add3A_423 = arith.constant 26 : i32
        %add3A_424 = arith.addi %mul3A_422, %add3A_423 : i32
        %add3A_425 = vector.broadcast %add3A_424 : i32 to vector<16xi32>
        %add3A_426 = arith.addi %mul3A_3, %add3A_425 : vector<16xi32>
        tpu.vector_store_idx %arg7[%add3A_426], %get3A_420 : memref<4224xf32, #tpu.memory_space<vmem>>[vector<16xi32>], vector<16xf32>,
        %get3A_427 = arith.constant 27 : i32
        %get3A_428 = arith.index_cast %get3A_427 : i32 to index
        %get3A_429 = arith.index_cast %mul3A_157 : i32 to index
        %get3A_430 = tpu.vector_load %arg6[%get3A_428, %get3A_429] {strides = array<i32>} : memref<32x128xf32, #tpu.memory_space<vmem>>, vector<16xf32>,
        %mul3A_431 = arith.constant 33 : i32
        %mul3A_432 = arith.muli %mul3A_157, %mul3A_431 : i32
        %add3A_433 = arith.constant 27 : i32
        %add3A_434 = arith.addi %mul3A_432, %add3A_433 : i32
        %add3A_435 = vector.broadcast %add3A_434 : i32 to vector<16xi32>
        %add3A_436 = arith.addi %mul3A_3, %add3A_435 : vector<16xi32>
        tpu.vector_store_idx %arg7[%add3A_436], %get3A_430 : memref<4224xf32, #tpu.memory_space<vmem>>[vector<16xi32>], vector<16xf32>,
        %get3A_437 = arith.constant 28 : i32
        %get3A_438 = arith.index_cast %get3A_437 : i32 to index
        %get3A_439 = arith.index_cast %mul3A_157 : i32 to index
        %get3A_440 = tpu.vector_load %arg6[%get3A_438, %get3A_439] {strides = array<i32>} : memref<32x128xf32, #tpu.memory_space<vmem>>, vector<16xf32>,
        %mul3A_441 = arith.constant 33 : i32
        %mul3A_442 = arith.muli %mul3A_157, %mul3A_441 : i32
        %add3A_443 = arith.constant 28 : i32
        %add3A_444 = arith.addi %mul3A_442, %add3A_443 : i32
        %add3A_445 = vector.broadcast %add3A_444 : i32 to vector<16xi32>
        %add3A_446 = arith.addi %mul3A_3, %add3A_445 : vector<16xi32>
        tpu.vector_store_idx %arg7[%add3A_446], %get3A_440 : memref<4224xf32, #tpu.memory_space<vmem>>[vector<16xi32>], vector<16xf32>,
        %get3A_447 = arith.constant 29 : i32
        %get3A_448 = arith.index_cast %get3A_447 : i32 to index
        %get3A_449 = arith.index_cast %mul3A_157 : i32 to index
        %get3A_450 = tpu.vector_load %arg6[%get3A_448, %get3A_449] {strides = array<i32>} : memref<32x128xf32, #tpu.memory_space<vmem>>, vector<16xf32>,
        %mul3A_451 = arith.constant 33 : i32
        %mul3A_452 = arith.muli %mul3A_157, %mul3A_451 : i32
        %add3A_453 = arith.constant 29 : i32
        %add3A_454 = arith.addi %mul3A_452, %add3A_453 : i32
        %add3A_455 = vector.broadcast %add3A_454 : i32 to vector<16xi32>
        %add3A_456 = arith.addi %mul3A_3, %add3A_455 : vector<16xi32>
        tpu.vector_store_idx %arg7[%add3A_456], %get3A_450 : memref<4224xf32, #tpu.memory_space<vmem>>[vector<16xi32>], vector<16xf32>,
        %get3A_457 = arith.constant 30 : i32
        %get3A_458 = arith.index_cast %get3A_457 : i32 to index
        %get3A_459 = arith.index_cast %mul3A_157 : i32 to index
        %get3A_460 = tpu.vector_load %arg6[%get3A_458, %get3A_459] {strides = array<i32>} : memref<32x128xf32, #tpu.memory_space<vmem>>, vector<16xf32>,
        %mul3A_461 = arith.constant 33 : i32
        %mul3A_462 = arith.muli %mul3A_157, %mul3A_461 : i32
        %add3A_463 = arith.constant 30 : i32
        %add3A_464 = arith.addi %mul3A_462, %add3A_463 : i32
        %add3A_465 = vector.broadcast %add3A_464 : i32 to vector<16xi32>
        %add3A_466 = arith.addi %mul3A_3, %add3A_465 : vector<16xi32>
        tpu.vector_store_idx %arg7[%add3A_466], %get3A_460 : memref<4224xf32, #tpu.memory_space<vmem>>[vector<16xi32>], vector<16xf32>,
        %get3A_467 = arith.constant 31 : i32
        %get3A_468 = arith.index_cast %get3A_467 : i32 to index
        %get3A_469 = arith.index_cast %mul3A_157 : i32 to index
        %get3A_470 = tpu.vector_load %arg6[%get3A_468, %get3A_469] {strides = array<i32>} : memref<32x128xf32, #tpu.memory_space<vmem>>, vector<16xf32>,
        %mul3A_471 = arith.constant 33 : i32
        %mul3A_472 = arith.muli %mul3A_157, %mul3A_471 : i32
        %add3A_473 = arith.constant 31 : i32
        %add3A_474 = arith.addi %mul3A_472, %add3A_473 : i32
        %add3A_475 = vector.broadcast %add3A_474 : i32 to vector<16xi32>
        %add3A_476 = arith.addi %mul3A_3, %add3A_475 : vector<16xi32>
        tpu.vector_store_idx %arg7[%add3A_476], %get3A_470 : memref<4224xf32, #tpu.memory_space<vmem>>[vector<16xi32>], vector<16xf32>,
      }
      %scan3A_142 = arith.constant 8 : i32
      %scan3A_143 = arith.constant 0 : i32
      %scan3A_144 = arith.constant 0 : i32
      %scan3A_145 = arith.constant 64 : i32
      %scan3A_146 = arith.addi %scan3A_144, %scan3A_145 : i32
      %scan3A_147 = arith.constant 1 : i32
      scf.for %scan3A_155 = %scan3A_144 to %scan3A_146 step %scan3A_147  : i32 {
        %mul3A_156 = arith.constant 2 : i32
        %mul3A_157 = arith.muli %scan3A_155, %mul3A_156 : i32
        %add3A_158 = arith.constant 0 : i32
        %add3A_159 = arith.addi %mul3A_157, %add3A_158 : i32
        %mul3A_160 = arith.constant 33 : i32
        %mul3A_161 = arith.muli %add3A_159, %mul3A_160 : i32
        %add3A_162 = arith.constant 0 : i32
        %add3A_163 = arith.addi %mul3A_161, %add3A_162 : i32
        %get3A = arith.index_cast %add3A_163 : i32 to index
        %get3A_164 = tpu.vector_load %arg7[%get3A] {strides = array<i32>} : memref<4224xf32, #tpu.memory_space<vmem>>, vector<16xf32>,
        %mul3A_165 = arith.constant 32 : i32
        %mul3A_166 = arith.muli %add3A_159, %mul3A_165 : i32
        %add3A_167 = arith.constant 0 : i32
        %add3A_168 = arith.addi %mul3A_166, %add3A_167 : i32
        %swap3A = arith.index_cast %add3A_168 : i32 to index
        %swap3A_169 = tpu.vector_load %arg9[%swap3A] {strides = array<i32>} : memref<4096xf32, #tpu.memory_space<vmem>>, vector<16xf32>,
        tpu.vector_store %arg9[%swap3A], %get3A_164 {strides = array<i32>} : memref<4096xf32, #tpu.memory_space<vmem>>, vector<16xf32>,
        %mul3A_170 = arith.constant 33 : i32
        %mul3A_171 = arith.muli %add3A_159, %mul3A_170 : i32
        %add3A_172 = arith.constant 16 : i32
        %add3A_173 = arith.addi %mul3A_171, %add3A_172 : i32
        %get3A_174 = arith.index_cast %add3A_173 : i32 to index
        %get3A_175 = tpu.vector_load %arg7[%get3A_174] {strides = array<i32>} : memref<4224xf32, #tpu.memory_space<vmem>>, vector<16xf32>,
        %mul3A_176 = arith.constant 32 : i32
        %mul3A_177 = arith.muli %add3A_159, %mul3A_176 : i32
        %add3A_178 = arith.constant 16 : i32
        %add3A_179 = arith.addi %mul3A_177, %add3A_178 : i32
        %swap3A_180 = arith.index_cast %add3A_179 : i32 to index
        %swap3A_181 = tpu.vector_load %arg9[%swap3A_180] {strides = array<i32>} : memref<4096xf32, #tpu.memory_space<vmem>>, vector<16xf32>,
        tpu.vector_store %arg9[%swap3A_180], %get3A_175 {strides = array<i32>} : memref<4096xf32, #tpu.memory_space<vmem>>, vector<16xf32>,
        %mul3A_182 = arith.constant 2 : i32
        %mul3A_183 = arith.muli %scan3A_155, %mul3A_182 : i32
        %add3A_184 = arith.constant 1 : i32
        %add3A_185 = arith.addi %mul3A_183, %add3A_184 : i32
        %mul3A_186 = arith.constant 33 : i32
        %mul3A_187 = arith.muli %add3A_185, %mul3A_186 : i32
        %add3A_188 = arith.constant 0 : i32
        %add3A_189 = arith.addi %mul3A_187, %add3A_188 : i32
        %get3A_190 = arith.index_cast %add3A_189 : i32 to index
        %get3A_191 = tpu.vector_load %arg7[%get3A_190] {strides = array<i32>} : memref<4224xf32, #tpu.memory_space<vmem>>, vector<16xf32>,
        %mul3A_192 = arith.constant 32 : i32
        %mul3A_193 = arith.muli %add3A_185, %mul3A_192 : i32
        %add3A_194 = arith.constant 0 : i32
        %add3A_195 = arith.addi %mul3A_193, %add3A_194 : i32
        %swap3A_196 = arith.index_cast %add3A_195 : i32 to index
        %swap3A_197 = tpu.vector_load %arg9[%swap3A_196] {strides = array<i32>} : memref<4096xf32, #tpu.memory_space<vmem>>, vector<16xf32>,
        tpu.vector_store %arg9[%swap3A_196], %get3A_191 {strides = array<i32>} : memref<4096xf32, #tpu.memory_space<vmem>>, vector<16xf32>,
        %mul3A_198 = arith.constant 33 : i32
        %mul3A_199 = arith.muli %add3A_185, %mul3A_198 : i32
        %add3A_200 = arith.constant 16 : i32
        %add3A_201 = arith.addi %mul3A_199, %add3A_200 : i32
        %get3A_202 = arith.index_cast %add3A_201 : i32 to index
        %get3A_203 = tpu.vector_load %arg7[%get3A_202] {strides = array<i32>} : memref<4224xf32, #tpu.memory_space<vmem>>, vector<16xf32>,
        %mul3A_204 = arith.constant 32 : i32
        %mul3A_205 = arith.muli %add3A_185, %mul3A_204 : i32
        %add3A_206 = arith.constant 16 : i32
        %add3A_207 = arith.addi %mul3A_205, %add3A_206 : i32
        %swap3A_208 = arith.index_cast %add3A_207 : i32 to index
        %swap3A_209 = tpu.vector_load %arg9[%swap3A_208] {strides = array<i32>} : memref<4096xf32, #tpu.memory_space<vmem>>, vector<16xf32>,
        tpu.vector_store %arg9[%swap3A_208], %get3A_203 {strides = array<i32>} : memref<4096xf32, #tpu.memory_space<vmem>>, vector<16xf32>,
      }
      %scan3A_148 = arith.constant 64 : i32
      %mul3A_149 = arith.constant 128 : i32
      %mul3A_150 = arith.muli %add3A_118, %mul3A_149 : i32
      %mul3A_151 = arith.constant 32 : i32
      %mul3A_152 = arith.muli %mul3A_150, %mul3A_151 : i32
      %dma_start3A_153 = tpu.memref_slice %arg4[%mul3A_152] : memref<32000000xf32, #tpu.memory_space<hbm>> -> memref<4096xf32, #tpu.memory_space<hbm>>
      %dma_start3A_154 = tpu.memref_slice %arg4[%mul3A_152] : memref<32000000xf32, #tpu.memory_space<hbm>> -> memref<4096xf32, #tpu.memory_space<hbm>>
      tpu.enqueue_dma source(%arg9 : memref<4096xf32, #tpu.memory_space<vmem>>) target(%dma_start3A_154 : memref<4096xf32, #tpu.memory_space<hbm>>) target_semaphore(%arg13 : memref<!tpu.dma_semaphore, #tpu.memory_space<semaphore_mem>>)
    }
    %scan3A_55 = arith.constant 122 : i32
    %dma_wait3A = arith.constant 0 : i32
    %dma_wait3A_56 = tpu.memref_slice %arg4[%dma_wait3A] : memref<32000000xf32, #tpu.memory_space<hbm>> -> memref<4096xf32, #tpu.memory_space<hbm>>
    %dma_wait3A_57 = arith.constant 0 : i32
    %dma_wait3A_58 = tpu.memref_slice %arg4[%dma_wait3A_57] : memref<32000000xf32, #tpu.memory_space<hbm>> -> memref<4096xf32, #tpu.memory_space<hbm>>
    tpu.wait_dma2 semaphore(%arg12 : memref<!tpu.dma_semaphore, #tpu.memory_space<semaphore_mem>>) src(%arg8 : memref<4096xf32, #tpu.memory_space<vmem>>) dst(%dma_wait3A_58 : memref<4096xf32, #tpu.memory_space<hbm>>)
    %dma_wait3A_59 = arith.constant 0 : i32
    %dma_wait3A_60 = tpu.memref_slice %arg4[%dma_wait3A_59] : memref<32000000xf32, #tpu.memory_space<hbm>> -> memref<4096xf32, #tpu.memory_space<hbm>>
    %dma_wait3A_61 = arith.constant 0 : i32
    %dma_wait3A_62 = tpu.memref_slice %arg4[%dma_wait3A_61] : memref<32000000xf32, #tpu.memory_space<hbm>> -> memref<4096xf32, #tpu.memory_space<hbm>>
    tpu.wait_dma2 semaphore(%arg13 : memref<!tpu.dma_semaphore, #tpu.memory_space<semaphore_mem>>) src(%arg9 : memref<4096xf32, #tpu.memory_space<vmem>>) dst(%dma_wait3A_62 : memref<4096xf32, #tpu.memory_space<hbm>>)
    %lt3A = arith.constant 4 : i32
    %lt3A_63 = arith.cmpi slt, %add3A, %lt3A : i32
    %convert_element_type3A = arith.extui %lt3A_63 : i1 to i32
    %cond3A = arith.constant 0 : i32
    %cond3A_64 = arith.cmpi ne, %convert_element_type3A, %cond3A : i32
    scf.if %cond3A_64 {
      %add3A_69 = arith.constant 7808 : i32
      %add3A_70 = arith.addi %add3A_69, %add3A : i32
      %mul3A_71 = arith.constant 128 : i32
      %mul3A_72 = arith.muli %add3A_70, %mul3A_71 : i32
      %dma_start3A_73 = arith.constant 0 : i32
      %dma_start3A_74 = arith.constant 0 : i32
      %dma_start3A_75 = tpu.memref_slice %arg5[%dma_start3A_73, %dma_start3A_74] : memref<32x128xf32, #tpu.memory_space<vmem>> -> memref<8x128xf32, #tpu.memory_space<vmem>>
      %dma_start3A_76 = arith.constant 0 : i32
      %dma_start3A_77 = tpu.memref_slice %arg2[%dma_start3A_76, %mul3A_72] : memref<32x1000000xf32, #tpu.memory_space<hbm>> -> memref<8x128xf32, #tpu.memory_space<hbm>>
      %dma_start3A_78 = arith.constant 0 : i32
      %dma_start3A_79 = arith.constant 0 : i32
      %dma_start3A_80 = tpu.memref_slice %arg5[%dma_start3A_78, %dma_start3A_79] : memref<32x128xf32, #tpu.memory_space<vmem>> -> memref<8x128xf32, #tpu.memory_space<vmem>>
      %dma_start3A_81 = arith.constant 0 : i32
      %dma_start3A_82 = tpu.memref_slice %arg2[%dma_start3A_81, %mul3A_72] : memref<32x1000000xf32, #tpu.memory_space<hbm>> -> memref<8x128xf32, #tpu.memory_space<hbm>>
      tpu.enqueue_dma source(%dma_start3A_82 : memref<8x128xf32, #tpu.memory_space<hbm>>) target(%dma_start3A_80 : memref<8x128xf32, #tpu.memory_space<vmem>>) target_semaphore(%arg10 : memref<!tpu.dma_semaphore, #tpu.memory_space<semaphore_mem>>)
      %mul3A_83 = arith.constant 128 : i32
      %mul3A_84 = arith.muli %add3A_70, %mul3A_83 : i32
      %dma_start3A_85 = arith.constant 8 : i32
      %dma_start3A_86 = arith.constant 0 : i32
      %dma_start3A_87 = tpu.memref_slice %arg5[%dma_start3A_85, %dma_start3A_86] : memref<32x128xf32, #tpu.memory_space<vmem>> -> memref<8x128xf32, #tpu.memory_space<vmem>>
      %dma_start3A_88 = arith.constant 8 : i32
      %dma_start3A_89 = tpu.memref_slice %arg2[%dma_start3A_88, %mul3A_84] : memref<32x1000000xf32, #tpu.memory_space<hbm>> -> memref<8x128xf32, #tpu.memory_space<hbm>>
      %dma_start3A_90 = arith.constant 8 : i32
      %dma_start3A_91 = arith.constant 0 : i32
      %dma_start3A_92 = tpu.memref_slice %arg5[%dma_start3A_90, %dma_start3A_91] : memref<32x128xf32, #tpu.memory_space<vmem>> -> memref<8x128xf32, #tpu.memory_space<vmem>>
      %dma_start3A_93 = arith.constant 8 : i32
      %dma_start3A_94 = tpu.memref_slice %arg2[%dma_start3A_93, %mul3A_84] : memref<32x1000000xf32, #tpu.memory_space<hbm>> -> memref<8x128xf32, #tpu.memory_space<hbm>>
      tpu.enqueue_dma source(%dma_start3A_94 : memref<8x128xf32, #tpu.memory_space<hbm>>) target(%dma_start3A_92 : memref<8x128xf32, #tpu.memory_space<vmem>>) target_semaphore(%arg10 : memref<!tpu.dma_semaphore, #tpu.memory_space<semaphore_mem>>)
      %mul3A_95 = arith.constant 128 : i32
      %mul3A_96 = arith.muli %add3A_70, %mul3A_95 : i32
      %dma_start3A_97 = arith.constant 16 : i32
      %dma_start3A_98 = arith.constant 0 : i32
      %dma_start3A_99 = tpu.memref_slice %arg5[%dma_start3A_97, %dma_start3A_98] : memref<32x128xf32, #tpu.memory_space<vmem>> -> memref<8x128xf32, #tpu.memory_space<vmem>>
      %dma_start3A_100 = arith.constant 16 : i32
      %dma_start3A_101 = tpu.memref_slice %arg2[%dma_start3A_100, %mul3A_96] : memref<32x1000000xf32, #tpu.memory_space<hbm>> -> memref<8x128xf32, #tpu.memory_space<hbm>>
      %dma_start3A_102 = arith.constant 16 : i32
      %dma_start3A_103 = arith.constant 0 : i32
      %dma_start3A_104 = tpu.memref_slice %arg5[%dma_start3A_102, %dma_start3A_103] : memref<32x128xf32, #tpu.memory_space<vmem>> -> memref<8x128xf32, #tpu.memory_space<vmem>>
      %dma_start3A_105 = arith.constant 16 : i32
      %dma_start3A_106 = tpu.memref_slice %arg2[%dma_start3A_105, %mul3A_96] : memref<32x1000000xf32, #tpu.memory_space<hbm>> -> memref<8x128xf32, #tpu.memory_space<hbm>>
      tpu.enqueue_dma source(%dma_start3A_106 : memref<8x128xf32, #tpu.memory_space<hbm>>) target(%dma_start3A_104 : memref<8x128xf32, #tpu.memory_space<vmem>>) target_semaphore(%arg10 : memref<!tpu.dma_semaphore, #tpu.memory_space<semaphore_mem>>)
      %mul3A_107 = arith.constant 128 : i32
      %mul3A_108 = arith.muli %add3A_70, %mul3A_107 : i32
      %dma_start3A_109 = arith.constant 24 : i32
      %dma_start3A_110 = arith.constant 0 : i32
      %dma_start3A_111 = tpu.memref_slice %arg5[%dma_start3A_109, %dma_start3A_110] : memref<32x128xf32, #tpu.memory_space<vmem>> -> memref<8x128xf32, #tpu.memory_space<vmem>>
      %dma_start3A_112 = arith.constant 24 : i32
      %dma_start3A_113 = tpu.memref_slice %arg2[%dma_start3A_112, %mul3A_108] : memref<32x1000000xf32, #tpu.memory_space<hbm>> -> memref<8x128xf32, #tpu.memory_space<hbm>>
      %dma_start3A_114 = arith.constant 24 : i32
      %dma_start3A_115 = arith.constant 0 : i32
      %dma_start3A_116 = tpu.memref_slice %arg5[%dma_start3A_114, %dma_start3A_115] : memref<32x128xf32, #tpu.memory_space<vmem>> -> memref<8x128xf32, #tpu.memory_space<vmem>>
      %dma_start3A_117 = arith.constant 24 : i32
      %dma_start3A_118 = tpu.memref_slice %arg2[%dma_start3A_117, %mul3A_108] : memref<32x1000000xf32, #tpu.memory_space<hbm>> -> memref<8x128xf32, #tpu.memory_space<hbm>>
      tpu.enqueue_dma source(%dma_start3A_118 : memref<8x128xf32, #tpu.memory_space<hbm>>) target(%dma_start3A_116 : memref<8x128xf32, #tpu.memory_space<vmem>>) target_semaphore(%arg10 : memref<!tpu.dma_semaphore, #tpu.memory_space<semaphore_mem>>)
      %dma_wait3A_119 = arith.constant 0 : i32
      %dma_wait3A_120 = arith.constant 0 : i32
      %dma_wait3A_121 = tpu.memref_slice %arg2[%dma_wait3A_119, %dma_wait3A_120] : memref<32x1000000xf32, #tpu.memory_space<hbm>> -> memref<32x128xf32, #tpu.memory_space<hbm>>
      %dma_wait3A_122 = arith.constant 0 : i32
      %dma_wait3A_123 = arith.constant 0 : i32
      %dma_wait3A_124 = tpu.memref_slice %arg2[%dma_wait3A_122, %dma_wait3A_123] : memref<32x1000000xf32, #tpu.memory_space<hbm>> -> memref<32x128xf32, #tpu.memory_space<hbm>>
      tpu.wait_dma2 semaphore(%arg10 : memref<!tpu.dma_semaphore, #tpu.memory_space<semaphore_mem>>) src(%dma_wait3A_124 : memref<32x128xf32, #tpu.memory_space<hbm>>) dst(%arg5 : memref<32x128xf32, #tpu.memory_space<vmem>>)
      %scan3A_125 = arith.constant 0 : i32
      %scan3A_126 = arith.constant 0 : i32
      %scan3A_127 = arith.constant 8 : i32
      %scan3A_128 = arith.addi %scan3A_126, %scan3A_127 : i32
      %scan3A_129 = arith.constant 1 : i32
      scf.for %scan3A_141 = %scan3A_126 to %scan3A_128 step %scan3A_129  : i32 {
        %mul3A_142 = arith.constant 16 : i32
        %mul3A_143 = arith.muli %scan3A_141, %mul3A_142 : i32
        %get3A = arith.constant 0 : i32
        %get3A_144 = arith.index_cast %get3A : i32 to index
        %get3A_145 = arith.index_cast %mul3A_143 : i32 to index
        %get3A_146 = tpu.vector_load %arg5[%get3A_144, %get3A_145] {strides = array<i32>} : memref<32x128xf32, #tpu.memory_space<vmem>>, vector<16xf32>,
        %mul3A_147 = arith.constant 33 : i32
        %mul3A_148 = arith.muli %mul3A_143, %mul3A_147 : i32
        %add3A_149 = arith.constant 0 : i32
        %add3A_150 = arith.addi %mul3A_148, %add3A_149 : i32
        %add3A_151 = vector.broadcast %add3A_150 : i32 to vector<16xi32>
        %add3A_152 = arith.addi %mul3A_3, %add3A_151 : vector<16xi32>
        tpu.vector_store_idx %arg7[%add3A_152], %get3A_146 : memref<4224xf32, #tpu.memory_space<vmem>>[vector<16xi32>], vector<16xf32>,
        %get3A_153 = arith.constant 1 : i32
        %get3A_154 = arith.index_cast %get3A_153 : i32 to index
        %get3A_155 = arith.index_cast %mul3A_143 : i32 to index
        %get3A_156 = tpu.vector_load %arg5[%get3A_154, %get3A_155] {strides = array<i32>} : memref<32x128xf32, #tpu.memory_space<vmem>>, vector<16xf32>,
        %mul3A_157 = arith.constant 33 : i32
        %mul3A_158 = arith.muli %mul3A_143, %mul3A_157 : i32
        %add3A_159 = arith.constant 1 : i32
        %add3A_160 = arith.addi %mul3A_158, %add3A_159 : i32
        %add3A_161 = vector.broadcast %add3A_160 : i32 to vector<16xi32>
        %add3A_162 = arith.addi %mul3A_3, %add3A_161 : vector<16xi32>
        tpu.vector_store_idx %arg7[%add3A_162], %get3A_156 : memref<4224xf32, #tpu.memory_space<vmem>>[vector<16xi32>], vector<16xf32>,
        %get3A_163 = arith.constant 2 : i32
        %get3A_164 = arith.index_cast %get3A_163 : i32 to index
        %get3A_165 = arith.index_cast %mul3A_143 : i32 to index
        %get3A_166 = tpu.vector_load %arg5[%get3A_164, %get3A_165] {strides = array<i32>} : memref<32x128xf32, #tpu.memory_space<vmem>>, vector<16xf32>,
        %mul3A_167 = arith.constant 33 : i32
        %mul3A_168 = arith.muli %mul3A_143, %mul3A_167 : i32
        %add3A_169 = arith.constant 2 : i32
        %add3A_170 = arith.addi %mul3A_168, %add3A_169 : i32
        %add3A_171 = vector.broadcast %add3A_170 : i32 to vector<16xi32>
        %add3A_172 = arith.addi %mul3A_3, %add3A_171 : vector<16xi32>
        tpu.vector_store_idx %arg7[%add3A_172], %get3A_166 : memref<4224xf32, #tpu.memory_space<vmem>>[vector<16xi32>], vector<16xf32>,
        %get3A_173 = arith.constant 3 : i32
        %get3A_174 = arith.index_cast %get3A_173 : i32 to index
        %get3A_175 = arith.index_cast %mul3A_143 : i32 to index
        %get3A_176 = tpu.vector_load %arg5[%get3A_174, %get3A_175] {strides = array<i32>} : memref<32x128xf32, #tpu.memory_space<vmem>>, vector<16xf32>,
        %mul3A_177 = arith.constant 33 : i32
        %mul3A_178 = arith.muli %mul3A_143, %mul3A_177 : i32
        %add3A_179 = arith.constant 3 : i32
        %add3A_180 = arith.addi %mul3A_178, %add3A_179 : i32
        %add3A_181 = vector.broadcast %add3A_180 : i32 to vector<16xi32>
        %add3A_182 = arith.addi %mul3A_3, %add3A_181 : vector<16xi32>
        tpu.vector_store_idx %arg7[%add3A_182], %get3A_176 : memref<4224xf32, #tpu.memory_space<vmem>>[vector<16xi32>], vector<16xf32>,
        %get3A_183 = arith.constant 4 : i32
        %get3A_184 = arith.index_cast %get3A_183 : i32 to index
        %get3A_185 = arith.index_cast %mul3A_143 : i32 to index
        %get3A_186 = tpu.vector_load %arg5[%get3A_184, %get3A_185] {strides = array<i32>} : memref<32x128xf32, #tpu.memory_space<vmem>>, vector<16xf32>,
        %mul3A_187 = arith.constant 33 : i32
        %mul3A_188 = arith.muli %mul3A_143, %mul3A_187 : i32
        %add3A_189 = arith.constant 4 : i32
        %add3A_190 = arith.addi %mul3A_188, %add3A_189 : i32
        %add3A_191 = vector.broadcast %add3A_190 : i32 to vector<16xi32>
        %add3A_192 = arith.addi %mul3A_3, %add3A_191 : vector<16xi32>
        tpu.vector_store_idx %arg7[%add3A_192], %get3A_186 : memref<4224xf32, #tpu.memory_space<vmem>>[vector<16xi32>], vector<16xf32>,
        %get3A_193 = arith.constant 5 : i32
        %get3A_194 = arith.index_cast %get3A_193 : i32 to index
        %get3A_195 = arith.index_cast %mul3A_143 : i32 to index
        %get3A_196 = tpu.vector_load %arg5[%get3A_194, %get3A_195] {strides = array<i32>} : memref<32x128xf32, #tpu.memory_space<vmem>>, vector<16xf32>,
        %mul3A_197 = arith.constant 33 : i32
        %mul3A_198 = arith.muli %mul3A_143, %mul3A_197 : i32
        %add3A_199 = arith.constant 5 : i32
        %add3A_200 = arith.addi %mul3A_198, %add3A_199 : i32
        %add3A_201 = vector.broadcast %add3A_200 : i32 to vector<16xi32>
        %add3A_202 = arith.addi %mul3A_3, %add3A_201 : vector<16xi32>
        tpu.vector_store_idx %arg7[%add3A_202], %get3A_196 : memref<4224xf32, #tpu.memory_space<vmem>>[vector<16xi32>], vector<16xf32>,
        %get3A_203 = arith.constant 6 : i32
        %get3A_204 = arith.index_cast %get3A_203 : i32 to index
        %get3A_205 = arith.index_cast %mul3A_143 : i32 to index
        %get3A_206 = tpu.vector_load %arg5[%get3A_204, %get3A_205] {strides = array<i32>} : memref<32x128xf32, #tpu.memory_space<vmem>>, vector<16xf32>,
        %mul3A_207 = arith.constant 33 : i32
        %mul3A_208 = arith.muli %mul3A_143, %mul3A_207 : i32
        %add3A_209 = arith.constant 6 : i32
        %add3A_210 = arith.addi %mul3A_208, %add3A_209 : i32
        %add3A_211 = vector.broadcast %add3A_210 : i32 to vector<16xi32>
        %add3A_212 = arith.addi %mul3A_3, %add3A_211 : vector<16xi32>
        tpu.vector_store_idx %arg7[%add3A_212], %get3A_206 : memref<4224xf32, #tpu.memory_space<vmem>>[vector<16xi32>], vector<16xf32>,
        %get3A_213 = arith.constant 7 : i32
        %get3A_214 = arith.index_cast %get3A_213 : i32 to index
        %get3A_215 = arith.index_cast %mul3A_143 : i32 to index
        %get3A_216 = tpu.vector_load %arg5[%get3A_214, %get3A_215] {strides = array<i32>} : memref<32x128xf32, #tpu.memory_space<vmem>>, vector<16xf32>,
        %mul3A_217 = arith.constant 33 : i32
        %mul3A_218 = arith.muli %mul3A_143, %mul3A_217 : i32
        %add3A_219 = arith.constant 7 : i32
        %add3A_220 = arith.addi %mul3A_218, %add3A_219 : i32
        %add3A_221 = vector.broadcast %add3A_220 : i32 to vector<16xi32>
        %add3A_222 = arith.addi %mul3A_3, %add3A_221 : vector<16xi32>
        tpu.vector_store_idx %arg7[%add3A_222], %get3A_216 : memref<4224xf32, #tpu.memory_space<vmem>>[vector<16xi32>], vector<16xf32>,
        %get3A_223 = arith.constant 8 : i32
        %get3A_224 = arith.index_cast %get3A_223 : i32 to index
        %get3A_225 = arith.index_cast %mul3A_143 : i32 to index
        %get3A_226 = tpu.vector_load %arg5[%get3A_224, %get3A_225] {strides = array<i32>} : memref<32x128xf32, #tpu.memory_space<vmem>>, vector<16xf32>,
        %mul3A_227 = arith.constant 33 : i32
        %mul3A_228 = arith.muli %mul3A_143, %mul3A_227 : i32
        %add3A_229 = arith.constant 8 : i32
        %add3A_230 = arith.addi %mul3A_228, %add3A_229 : i32
        %add3A_231 = vector.broadcast %add3A_230 : i32 to vector<16xi32>
        %add3A_232 = arith.addi %mul3A_3, %add3A_231 : vector<16xi32>
        tpu.vector_store_idx %arg7[%add3A_232], %get3A_226 : memref<4224xf32, #tpu.memory_space<vmem>>[vector<16xi32>], vector<16xf32>,
        %get3A_233 = arith.constant 9 : i32
        %get3A_234 = arith.index_cast %get3A_233 : i32 to index
        %get3A_235 = arith.index_cast %mul3A_143 : i32 to index
        %get3A_236 = tpu.vector_load %arg5[%get3A_234, %get3A_235] {strides = array<i32>} : memref<32x128xf32, #tpu.memory_space<vmem>>, vector<16xf32>,
        %mul3A_237 = arith.constant 33 : i32
        %mul3A_238 = arith.muli %mul3A_143, %mul3A_237 : i32
        %add3A_239 = arith.constant 9 : i32
        %add3A_240 = arith.addi %mul3A_238, %add3A_239 : i32
        %add3A_241 = vector.broadcast %add3A_240 : i32 to vector<16xi32>
        %add3A_242 = arith.addi %mul3A_3, %add3A_241 : vector<16xi32>
        tpu.vector_store_idx %arg7[%add3A_242], %get3A_236 : memref<4224xf32, #tpu.memory_space<vmem>>[vector<16xi32>], vector<16xf32>,
        %get3A_243 = arith.constant 10 : i32
        %get3A_244 = arith.index_cast %get3A_243 : i32 to index
        %get3A_245 = arith.index_cast %mul3A_143 : i32 to index
        %get3A_246 = tpu.vector_load %arg5[%get3A_244, %get3A_245] {strides = array<i32>} : memref<32x128xf32, #tpu.memory_space<vmem>>, vector<16xf32>,
        %mul3A_247 = arith.constant 33 : i32
        %mul3A_248 = arith.muli %mul3A_143, %mul3A_247 : i32
        %add3A_249 = arith.constant 10 : i32
        %add3A_250 = arith.addi %mul3A_248, %add3A_249 : i32
        %add3A_251 = vector.broadcast %add3A_250 : i32 to vector<16xi32>
        %add3A_252 = arith.addi %mul3A_3, %add3A_251 : vector<16xi32>
        tpu.vector_store_idx %arg7[%add3A_252], %get3A_246 : memref<4224xf32, #tpu.memory_space<vmem>>[vector<16xi32>], vector<16xf32>,
        %get3A_253 = arith.constant 11 : i32
        %get3A_254 = arith.index_cast %get3A_253 : i32 to index
        %get3A_255 = arith.index_cast %mul3A_143 : i32 to index
        %get3A_256 = tpu.vector_load %arg5[%get3A_254, %get3A_255] {strides = array<i32>} : memref<32x128xf32, #tpu.memory_space<vmem>>, vector<16xf32>,
        %mul3A_257 = arith.constant 33 : i32
        %mul3A_258 = arith.muli %mul3A_143, %mul3A_257 : i32
        %add3A_259 = arith.constant 11 : i32
        %add3A_260 = arith.addi %mul3A_258, %add3A_259 : i32
        %add3A_261 = vector.broadcast %add3A_260 : i32 to vector<16xi32>
        %add3A_262 = arith.addi %mul3A_3, %add3A_261 : vector<16xi32>
        tpu.vector_store_idx %arg7[%add3A_262], %get3A_256 : memref<4224xf32, #tpu.memory_space<vmem>>[vector<16xi32>], vector<16xf32>,
        %get3A_263 = arith.constant 12 : i32
        %get3A_264 = arith.index_cast %get3A_263 : i32 to index
        %get3A_265 = arith.index_cast %mul3A_143 : i32 to index
        %get3A_266 = tpu.vector_load %arg5[%get3A_264, %get3A_265] {strides = array<i32>} : memref<32x128xf32, #tpu.memory_space<vmem>>, vector<16xf32>,
        %mul3A_267 = arith.constant 33 : i32
        %mul3A_268 = arith.muli %mul3A_143, %mul3A_267 : i32
        %add3A_269 = arith.constant 12 : i32
        %add3A_270 = arith.addi %mul3A_268, %add3A_269 : i32
        %add3A_271 = vector.broadcast %add3A_270 : i32 to vector<16xi32>
        %add3A_272 = arith.addi %mul3A_3, %add3A_271 : vector<16xi32>
        tpu.vector_store_idx %arg7[%add3A_272], %get3A_266 : memref<4224xf32, #tpu.memory_space<vmem>>[vector<16xi32>], vector<16xf32>,
        %get3A_273 = arith.constant 13 : i32
        %get3A_274 = arith.index_cast %get3A_273 : i32 to index
        %get3A_275 = arith.index_cast %mul3A_143 : i32 to index
        %get3A_276 = tpu.vector_load %arg5[%get3A_274, %get3A_275] {strides = array<i32>} : memref<32x128xf32, #tpu.memory_space<vmem>>, vector<16xf32>,
        %mul3A_277 = arith.constant 33 : i32
        %mul3A_278 = arith.muli %mul3A_143, %mul3A_277 : i32
        %add3A_279 = arith.constant 13 : i32
        %add3A_280 = arith.addi %mul3A_278, %add3A_279 : i32
        %add3A_281 = vector.broadcast %add3A_280 : i32 to vector<16xi32>
        %add3A_282 = arith.addi %mul3A_3, %add3A_281 : vector<16xi32>
        tpu.vector_store_idx %arg7[%add3A_282], %get3A_276 : memref<4224xf32, #tpu.memory_space<vmem>>[vector<16xi32>], vector<16xf32>,
        %get3A_283 = arith.constant 14 : i32
        %get3A_284 = arith.index_cast %get3A_283 : i32 to index
        %get3A_285 = arith.index_cast %mul3A_143 : i32 to index
        %get3A_286 = tpu.vector_load %arg5[%get3A_284, %get3A_285] {strides = array<i32>} : memref<32x128xf32, #tpu.memory_space<vmem>>, vector<16xf32>,
        %mul3A_287 = arith.constant 33 : i32
        %mul3A_288 = arith.muli %mul3A_143, %mul3A_287 : i32
        %add3A_289 = arith.constant 14 : i32
        %add3A_290 = arith.addi %mul3A_288, %add3A_289 : i32
        %add3A_291 = vector.broadcast %add3A_290 : i32 to vector<16xi32>
        %add3A_292 = arith.addi %mul3A_3, %add3A_291 : vector<16xi32>
        tpu.vector_store_idx %arg7[%add3A_292], %get3A_286 : memref<4224xf32, #tpu.memory_space<vmem>>[vector<16xi32>], vector<16xf32>,
        %get3A_293 = arith.constant 15 : i32
        %get3A_294 = arith.index_cast %get3A_293 : i32 to index
        %get3A_295 = arith.index_cast %mul3A_143 : i32 to index
        %get3A_296 = tpu.vector_load %arg5[%get3A_294, %get3A_295] {strides = array<i32>} : memref<32x128xf32, #tpu.memory_space<vmem>>, vector<16xf32>,
        %mul3A_297 = arith.constant 33 : i32
        %mul3A_298 = arith.muli %mul3A_143, %mul3A_297 : i32
        %add3A_299 = arith.constant 15 : i32
        %add3A_300 = arith.addi %mul3A_298, %add3A_299 : i32
        %add3A_301 = vector.broadcast %add3A_300 : i32 to vector<16xi32>
        %add3A_302 = arith.addi %mul3A_3, %add3A_301 : vector<16xi32>
        tpu.vector_store_idx %arg7[%add3A_302], %get3A_296 : memref<4224xf32, #tpu.memory_space<vmem>>[vector<16xi32>], vector<16xf32>,
        %get3A_303 = arith.constant 16 : i32
        %get3A_304 = arith.index_cast %get3A_303 : i32 to index
        %get3A_305 = arith.index_cast %mul3A_143 : i32 to index
        %get3A_306 = tpu.vector_load %arg5[%get3A_304, %get3A_305] {strides = array<i32>} : memref<32x128xf32, #tpu.memory_space<vmem>>, vector<16xf32>,
        %mul3A_307 = arith.constant 33 : i32
        %mul3A_308 = arith.muli %mul3A_143, %mul3A_307 : i32
        %add3A_309 = arith.constant 16 : i32
        %add3A_310 = arith.addi %mul3A_308, %add3A_309 : i32
        %add3A_311 = vector.broadcast %add3A_310 : i32 to vector<16xi32>
        %add3A_312 = arith.addi %mul3A_3, %add3A_311 : vector<16xi32>
        tpu.vector_store_idx %arg7[%add3A_312], %get3A_306 : memref<4224xf32, #tpu.memory_space<vmem>>[vector<16xi32>], vector<16xf32>,
        %get3A_313 = arith.constant 17 : i32
        %get3A_314 = arith.index_cast %get3A_313 : i32 to index
        %get3A_315 = arith.index_cast %mul3A_143 : i32 to index
        %get3A_316 = tpu.vector_load %arg5[%get3A_314, %get3A_315] {strides = array<i32>} : memref<32x128xf32, #tpu.memory_space<vmem>>, vector<16xf32>,
        %mul3A_317 = arith.constant 33 : i32
        %mul3A_318 = arith.muli %mul3A_143, %mul3A_317 : i32
        %add3A_319 = arith.constant 17 : i32
        %add3A_320 = arith.addi %mul3A_318, %add3A_319 : i32
        %add3A_321 = vector.broadcast %add3A_320 : i32 to vector<16xi32>
        %add3A_322 = arith.addi %mul3A_3, %add3A_321 : vector<16xi32>
        tpu.vector_store_idx %arg7[%add3A_322], %get3A_316 : memref<4224xf32, #tpu.memory_space<vmem>>[vector<16xi32>], vector<16xf32>,
        %get3A_323 = arith.constant 18 : i32
        %get3A_324 = arith.index_cast %get3A_323 : i32 to index
        %get3A_325 = arith.index_cast %mul3A_143 : i32 to index
        %get3A_326 = tpu.vector_load %arg5[%get3A_324, %get3A_325] {strides = array<i32>} : memref<32x128xf32, #tpu.memory_space<vmem>>, vector<16xf32>,
        %mul3A_327 = arith.constant 33 : i32
        %mul3A_328 = arith.muli %mul3A_143, %mul3A_327 : i32
        %add3A_329 = arith.constant 18 : i32
        %add3A_330 = arith.addi %mul3A_328, %add3A_329 : i32
        %add3A_331 = vector.broadcast %add3A_330 : i32 to vector<16xi32>
        %add3A_332 = arith.addi %mul3A_3, %add3A_331 : vector<16xi32>
        tpu.vector_store_idx %arg7[%add3A_332], %get3A_326 : memref<4224xf32, #tpu.memory_space<vmem>>[vector<16xi32>], vector<16xf32>,
        %get3A_333 = arith.constant 19 : i32
        %get3A_334 = arith.index_cast %get3A_333 : i32 to index
        %get3A_335 = arith.index_cast %mul3A_143 : i32 to index
        %get3A_336 = tpu.vector_load %arg5[%get3A_334, %get3A_335] {strides = array<i32>} : memref<32x128xf32, #tpu.memory_space<vmem>>, vector<16xf32>,
        %mul3A_337 = arith.constant 33 : i32
        %mul3A_338 = arith.muli %mul3A_143, %mul3A_337 : i32
        %add3A_339 = arith.constant 19 : i32
        %add3A_340 = arith.addi %mul3A_338, %add3A_339 : i32
        %add3A_341 = vector.broadcast %add3A_340 : i32 to vector<16xi32>
        %add3A_342 = arith.addi %mul3A_3, %add3A_341 : vector<16xi32>
        tpu.vector_store_idx %arg7[%add3A_342], %get3A_336 : memref<4224xf32, #tpu.memory_space<vmem>>[vector<16xi32>], vector<16xf32>,
        %get3A_343 = arith.constant 20 : i32
        %get3A_344 = arith.index_cast %get3A_343 : i32 to index
        %get3A_345 = arith.index_cast %mul3A_143 : i32 to index
        %get3A_346 = tpu.vector_load %arg5[%get3A_344, %get3A_345] {strides = array<i32>} : memref<32x128xf32, #tpu.memory_space<vmem>>, vector<16xf32>,
        %mul3A_347 = arith.constant 33 : i32
        %mul3A_348 = arith.muli %mul3A_143, %mul3A_347 : i32
        %add3A_349 = arith.constant 20 : i32
        %add3A_350 = arith.addi %mul3A_348, %add3A_349 : i32
        %add3A_351 = vector.broadcast %add3A_350 : i32 to vector<16xi32>
        %add3A_352 = arith.addi %mul3A_3, %add3A_351 : vector<16xi32>
        tpu.vector_store_idx %arg7[%add3A_352], %get3A_346 : memref<4224xf32, #tpu.memory_space<vmem>>[vector<16xi32>], vector<16xf32>,
        %get3A_353 = arith.constant 21 : i32
        %get3A_354 = arith.index_cast %get3A_353 : i32 to index
        %get3A_355 = arith.index_cast %mul3A_143 : i32 to index
        %get3A_356 = tpu.vector_load %arg5[%get3A_354, %get3A_355] {strides = array<i32>} : memref<32x128xf32, #tpu.memory_space<vmem>>, vector<16xf32>,
        %mul3A_357 = arith.constant 33 : i32
        %mul3A_358 = arith.muli %mul3A_143, %mul3A_357 : i32
        %add3A_359 = arith.constant 21 : i32
        %add3A_360 = arith.addi %mul3A_358, %add3A_359 : i32
        %add3A_361 = vector.broadcast %add3A_360 : i32 to vector<16xi32>
        %add3A_362 = arith.addi %mul3A_3, %add3A_361 : vector<16xi32>
        tpu.vector_store_idx %arg7[%add3A_362], %get3A_356 : memref<4224xf32, #tpu.memory_space<vmem>>[vector<16xi32>], vector<16xf32>,
        %get3A_363 = arith.constant 22 : i32
        %get3A_364 = arith.index_cast %get3A_363 : i32 to index
        %get3A_365 = arith.index_cast %mul3A_143 : i32 to index
        %get3A_366 = tpu.vector_load %arg5[%get3A_364, %get3A_365] {strides = array<i32>} : memref<32x128xf32, #tpu.memory_space<vmem>>, vector<16xf32>,
        %mul3A_367 = arith.constant 33 : i32
        %mul3A_368 = arith.muli %mul3A_143, %mul3A_367 : i32
        %add3A_369 = arith.constant 22 : i32
        %add3A_370 = arith.addi %mul3A_368, %add3A_369 : i32
        %add3A_371 = vector.broadcast %add3A_370 : i32 to vector<16xi32>
        %add3A_372 = arith.addi %mul3A_3, %add3A_371 : vector<16xi32>
        tpu.vector_store_idx %arg7[%add3A_372], %get3A_366 : memref<4224xf32, #tpu.memory_space<vmem>>[vector<16xi32>], vector<16xf32>,
        %get3A_373 = arith.constant 23 : i32
        %get3A_374 = arith.index_cast %get3A_373 : i32 to index
        %get3A_375 = arith.index_cast %mul3A_143 : i32 to index
        %get3A_376 = tpu.vector_load %arg5[%get3A_374, %get3A_375] {strides = array<i32>} : memref<32x128xf32, #tpu.memory_space<vmem>>, vector<16xf32>,
        %mul3A_377 = arith.constant 33 : i32
        %mul3A_378 = arith.muli %mul3A_143, %mul3A_377 : i32
        %add3A_379 = arith.constant 23 : i32
        %add3A_380 = arith.addi %mul3A_378, %add3A_379 : i32
        %add3A_381 = vector.broadcast %add3A_380 : i32 to vector<16xi32>
        %add3A_382 = arith.addi %mul3A_3, %add3A_381 : vector<16xi32>
        tpu.vector_store_idx %arg7[%add3A_382], %get3A_376 : memref<4224xf32, #tpu.memory_space<vmem>>[vector<16xi32>], vector<16xf32>,
        %get3A_383 = arith.constant 24 : i32
        %get3A_384 = arith.index_cast %get3A_383 : i32 to index
        %get3A_385 = arith.index_cast %mul3A_143 : i32 to index
        %get3A_386 = tpu.vector_load %arg5[%get3A_384, %get3A_385] {strides = array<i32>} : memref<32x128xf32, #tpu.memory_space<vmem>>, vector<16xf32>,
        %mul3A_387 = arith.constant 33 : i32
        %mul3A_388 = arith.muli %mul3A_143, %mul3A_387 : i32
        %add3A_389 = arith.constant 24 : i32
        %add3A_390 = arith.addi %mul3A_388, %add3A_389 : i32
        %add3A_391 = vector.broadcast %add3A_390 : i32 to vector<16xi32>
        %add3A_392 = arith.addi %mul3A_3, %add3A_391 : vector<16xi32>
        tpu.vector_store_idx %arg7[%add3A_392], %get3A_386 : memref<4224xf32, #tpu.memory_space<vmem>>[vector<16xi32>], vector<16xf32>,
        %get3A_393 = arith.constant 25 : i32
        %get3A_394 = arith.index_cast %get3A_393 : i32 to index
        %get3A_395 = arith.index_cast %mul3A_143 : i32 to index
        %get3A_396 = tpu.vector_load %arg5[%get3A_394, %get3A_395] {strides = array<i32>} : memref<32x128xf32, #tpu.memory_space<vmem>>, vector<16xf32>,
        %mul3A_397 = arith.constant 33 : i32
        %mul3A_398 = arith.muli %mul3A_143, %mul3A_397 : i32
        %add3A_399 = arith.constant 25 : i32
        %add3A_400 = arith.addi %mul3A_398, %add3A_399 : i32
        %add3A_401 = vector.broadcast %add3A_400 : i32 to vector<16xi32>
        %add3A_402 = arith.addi %mul3A_3, %add3A_401 : vector<16xi32>
        tpu.vector_store_idx %arg7[%add3A_402], %get3A_396 : memref<4224xf32, #tpu.memory_space<vmem>>[vector<16xi32>], vector<16xf32>,
        %get3A_403 = arith.constant 26 : i32
        %get3A_404 = arith.index_cast %get3A_403 : i32 to index
        %get3A_405 = arith.index_cast %mul3A_143 : i32 to index
        %get3A_406 = tpu.vector_load %arg5[%get3A_404, %get3A_405] {strides = array<i32>} : memref<32x128xf32, #tpu.memory_space<vmem>>, vector<16xf32>,
        %mul3A_407 = arith.constant 33 : i32
        %mul3A_408 = arith.muli %mul3A_143, %mul3A_407 : i32
        %add3A_409 = arith.constant 26 : i32
        %add3A_410 = arith.addi %mul3A_408, %add3A_409 : i32
        %add3A_411 = vector.broadcast %add3A_410 : i32 to vector<16xi32>
        %add3A_412 = arith.addi %mul3A_3, %add3A_411 : vector<16xi32>
        tpu.vector_store_idx %arg7[%add3A_412], %get3A_406 : memref<4224xf32, #tpu.memory_space<vmem>>[vector<16xi32>], vector<16xf32>,
        %get3A_413 = arith.constant 27 : i32
        %get3A_414 = arith.index_cast %get3A_413 : i32 to index
        %get3A_415 = arith.index_cast %mul3A_143 : i32 to index
        %get3A_416 = tpu.vector_load %arg5[%get3A_414, %get3A_415] {strides = array<i32>} : memref<32x128xf32, #tpu.memory_space<vmem>>, vector<16xf32>,
        %mul3A_417 = arith.constant 33 : i32
        %mul3A_418 = arith.muli %mul3A_143, %mul3A_417 : i32
        %add3A_419 = arith.constant 27 : i32
        %add3A_420 = arith.addi %mul3A_418, %add3A_419 : i32
        %add3A_421 = vector.broadcast %add3A_420 : i32 to vector<16xi32>
        %add3A_422 = arith.addi %mul3A_3, %add3A_421 : vector<16xi32>
        tpu.vector_store_idx %arg7[%add3A_422], %get3A_416 : memref<4224xf32, #tpu.memory_space<vmem>>[vector<16xi32>], vector<16xf32>,
        %get3A_423 = arith.constant 28 : i32
        %get3A_424 = arith.index_cast %get3A_423 : i32 to index
        %get3A_425 = arith.index_cast %mul3A_143 : i32 to index
        %get3A_426 = tpu.vector_load %arg5[%get3A_424, %get3A_425] {strides = array<i32>} : memref<32x128xf32, #tpu.memory_space<vmem>>, vector<16xf32>,
        %mul3A_427 = arith.constant 33 : i32
        %mul3A_428 = arith.muli %mul3A_143, %mul3A_427 : i32
        %add3A_429 = arith.constant 28 : i32
        %add3A_430 = arith.addi %mul3A_428, %add3A_429 : i32
        %add3A_431 = vector.broadcast %add3A_430 : i32 to vector<16xi32>
        %add3A_432 = arith.addi %mul3A_3, %add3A_431 : vector<16xi32>
        tpu.vector_store_idx %arg7[%add3A_432], %get3A_426 : memref<4224xf32, #tpu.memory_space<vmem>>[vector<16xi32>], vector<16xf32>,
        %get3A_433 = arith.constant 29 : i32
        %get3A_434 = arith.index_cast %get3A_433 : i32 to index
        %get3A_435 = arith.index_cast %mul3A_143 : i32 to index
        %get3A_436 = tpu.vector_load %arg5[%get3A_434, %get3A_435] {strides = array<i32>} : memref<32x128xf32, #tpu.memory_space<vmem>>, vector<16xf32>,
        %mul3A_437 = arith.constant 33 : i32
        %mul3A_438 = arith.muli %mul3A_143, %mul3A_437 : i32
        %add3A_439 = arith.constant 29 : i32
        %add3A_440 = arith.addi %mul3A_438, %add3A_439 : i32
        %add3A_441 = vector.broadcast %add3A_440 : i32 to vector<16xi32>
        %add3A_442 = arith.addi %mul3A_3, %add3A_441 : vector<16xi32>
        tpu.vector_store_idx %arg7[%add3A_442], %get3A_436 : memref<4224xf32, #tpu.memory_space<vmem>>[vector<16xi32>], vector<16xf32>,
        %get3A_443 = arith.constant 30 : i32
        %get3A_444 = arith.index_cast %get3A_443 : i32 to index
        %get3A_445 = arith.index_cast %mul3A_143 : i32 to index
        %get3A_446 = tpu.vector_load %arg5[%get3A_444, %get3A_445] {strides = array<i32>} : memref<32x128xf32, #tpu.memory_space<vmem>>, vector<16xf32>,
        %mul3A_447 = arith.constant 33 : i32
        %mul3A_448 = arith.muli %mul3A_143, %mul3A_447 : i32
        %add3A_449 = arith.constant 30 : i32
        %add3A_450 = arith.addi %mul3A_448, %add3A_449 : i32
        %add3A_451 = vector.broadcast %add3A_450 : i32 to vector<16xi32>
        %add3A_452 = arith.addi %mul3A_3, %add3A_451 : vector<16xi32>
        tpu.vector_store_idx %arg7[%add3A_452], %get3A_446 : memref<4224xf32, #tpu.memory_space<vmem>>[vector<16xi32>], vector<16xf32>,
        %get3A_453 = arith.constant 31 : i32
        %get3A_454 = arith.index_cast %get3A_453 : i32 to index
        %get3A_455 = arith.index_cast %mul3A_143 : i32 to index
        %get3A_456 = tpu.vector_load %arg5[%get3A_454, %get3A_455] {strides = array<i32>} : memref<32x128xf32, #tpu.memory_space<vmem>>, vector<16xf32>,
        %mul3A_457 = arith.constant 33 : i32
        %mul3A_458 = arith.muli %mul3A_143, %mul3A_457 : i32
        %add3A_459 = arith.constant 31 : i32
        %add3A_460 = arith.addi %mul3A_458, %add3A_459 : i32
        %add3A_461 = vector.broadcast %add3A_460 : i32 to vector<16xi32>
        %add3A_462 = arith.addi %mul3A_3, %add3A_461 : vector<16xi32>
        tpu.vector_store_idx %arg7[%add3A_462], %get3A_456 : memref<4224xf32, #tpu.memory_space<vmem>>[vector<16xi32>], vector<16xf32>,
      }
      %scan3A_130 = arith.constant 8 : i32
      %scan3A_131 = arith.constant 0 : i32
      %scan3A_132 = arith.constant 0 : i32
      %scan3A_133 = arith.constant 64 : i32
      %scan3A_134 = arith.addi %scan3A_132, %scan3A_133 : i32
      %scan3A_135 = arith.constant 1 : i32
      scf.for %scan3A_141 = %scan3A_132 to %scan3A_134 step %scan3A_135  : i32 {
        %mul3A_142 = arith.constant 2 : i32
        %mul3A_143 = arith.muli %scan3A_141, %mul3A_142 : i32
        %add3A_144 = arith.constant 0 : i32
        %add3A_145 = arith.addi %mul3A_143, %add3A_144 : i32
        %mul3A_146 = arith.constant 33 : i32
        %mul3A_147 = arith.muli %add3A_145, %mul3A_146 : i32
        %add3A_148 = arith.constant 0 : i32
        %add3A_149 = arith.addi %mul3A_147, %add3A_148 : i32
        %get3A = arith.index_cast %add3A_149 : i32 to index
        %get3A_150 = tpu.vector_load %arg7[%get3A] {strides = array<i32>} : memref<4224xf32, #tpu.memory_space<vmem>>, vector<16xf32>,
        %mul3A_151 = arith.constant 32 : i32
        %mul3A_152 = arith.muli %add3A_145, %mul3A_151 : i32
        %add3A_153 = arith.constant 0 : i32
        %add3A_154 = arith.addi %mul3A_152, %add3A_153 : i32
        %swap3A = arith.index_cast %add3A_154 : i32 to index
        %swap3A_155 = tpu.vector_load %arg8[%swap3A] {strides = array<i32>} : memref<4096xf32, #tpu.memory_space<vmem>>, vector<16xf32>,
        tpu.vector_store %arg8[%swap3A], %get3A_150 {strides = array<i32>} : memref<4096xf32, #tpu.memory_space<vmem>>, vector<16xf32>,
        %mul3A_156 = arith.constant 33 : i32
        %mul3A_157 = arith.muli %add3A_145, %mul3A_156 : i32
        %add3A_158 = arith.constant 16 : i32
        %add3A_159 = arith.addi %mul3A_157, %add3A_158 : i32
        %get3A_160 = arith.index_cast %add3A_159 : i32 to index
        %get3A_161 = tpu.vector_load %arg7[%get3A_160] {strides = array<i32>} : memref<4224xf32, #tpu.memory_space<vmem>>, vector<16xf32>,
        %mul3A_162 = arith.constant 32 : i32
        %mul3A_163 = arith.muli %add3A_145, %mul3A_162 : i32
        %add3A_164 = arith.constant 16 : i32
        %add3A_165 = arith.addi %mul3A_163, %add3A_164 : i32
        %swap3A_166 = arith.index_cast %add3A_165 : i32 to index
        %swap3A_167 = tpu.vector_load %arg8[%swap3A_166] {strides = array<i32>} : memref<4096xf32, #tpu.memory_space<vmem>>, vector<16xf32>,
        tpu.vector_store %arg8[%swap3A_166], %get3A_161 {strides = array<i32>} : memref<4096xf32, #tpu.memory_space<vmem>>, vector<16xf32>,
        %mul3A_168 = arith.constant 2 : i32
        %mul3A_169 = arith.muli %scan3A_141, %mul3A_168 : i32
        %add3A_170 = arith.constant 1 : i32
        %add3A_171 = arith.addi %mul3A_169, %add3A_170 : i32
        %mul3A_172 = arith.constant 33 : i32
        %mul3A_173 = arith.muli %add3A_171, %mul3A_172 : i32
        %add3A_174 = arith.constant 0 : i32
        %add3A_175 = arith.addi %mul3A_173, %add3A_174 : i32
        %get3A_176 = arith.index_cast %add3A_175 : i32 to index
        %get3A_177 = tpu.vector_load %arg7[%get3A_176] {strides = array<i32>} : memref<4224xf32, #tpu.memory_space<vmem>>, vector<16xf32>,
        %mul3A_178 = arith.constant 32 : i32
        %mul3A_179 = arith.muli %add3A_171, %mul3A_178 : i32
        %add3A_180 = arith.constant 0 : i32
        %add3A_181 = arith.addi %mul3A_179, %add3A_180 : i32
        %swap3A_182 = arith.index_cast %add3A_181 : i32 to index
        %swap3A_183 = tpu.vector_load %arg8[%swap3A_182] {strides = array<i32>} : memref<4096xf32, #tpu.memory_space<vmem>>, vector<16xf32>,
        tpu.vector_store %arg8[%swap3A_182], %get3A_177 {strides = array<i32>} : memref<4096xf32, #tpu.memory_space<vmem>>, vector<16xf32>,
        %mul3A_184 = arith.constant 33 : i32
        %mul3A_185 = arith.muli %add3A_171, %mul3A_184 : i32
        %add3A_186 = arith.constant 16 : i32
        %add3A_187 = arith.addi %mul3A_185, %add3A_186 : i32
        %get3A_188 = arith.index_cast %add3A_187 : i32 to index
        %get3A_189 = tpu.vector_load %arg7[%get3A_188] {strides = array<i32>} : memref<4224xf32, #tpu.memory_space<vmem>>, vector<16xf32>,
        %mul3A_190 = arith.constant 32 : i32
        %mul3A_191 = arith.muli %add3A_171, %mul3A_190 : i32
        %add3A_192 = arith.constant 16 : i32
        %add3A_193 = arith.addi %mul3A_191, %add3A_192 : i32
        %swap3A_194 = arith.index_cast %add3A_193 : i32 to index
        %swap3A_195 = tpu.vector_load %arg8[%swap3A_194] {strides = array<i32>} : memref<4096xf32, #tpu.memory_space<vmem>>, vector<16xf32>,
        tpu.vector_store %arg8[%swap3A_194], %get3A_189 {strides = array<i32>} : memref<4096xf32, #tpu.memory_space<vmem>>, vector<16xf32>,
      }
      %scan3A_136 = arith.constant 64 : i32
      %mul3A_137 = arith.constant 128 : i32
      %mul3A_138 = arith.muli %add3A_70, %mul3A_137 : i32
      %mul3A_139 = arith.constant 32 : i32
      %mul3A_140 = arith.muli %mul3A_138, %mul3A_139 : i32
      "tpu.region"() ({
        %run_scoped3A = tpu.sem_alloc : memref<!tpu.dma_semaphore, #tpu.memory_space<semaphore_mem>>
        %dma_start3A_141 = tpu.memref_slice %arg4[%mul3A_140] : memref<32000000xf32, #tpu.memory_space<hbm>> -> memref<4096xf32, #tpu.memory_space<hbm>>
        %dma_start3A_142 = tpu.memref_slice %arg4[%mul3A_140] : memref<32000000xf32, #tpu.memory_space<hbm>> -> memref<4096xf32, #tpu.memory_space<hbm>>
        tpu.enqueue_dma source(%arg8 : memref<4096xf32, #tpu.memory_space<vmem>>) target(%dma_start3A_142 : memref<4096xf32, #tpu.memory_space<hbm>>) target_semaphore(%run_scoped3A : memref<!tpu.dma_semaphore, #tpu.memory_space<semaphore_mem>>)
        %dma_wait3A_143 = tpu.memref_slice %arg4[%mul3A_140] : memref<32000000xf32, #tpu.memory_space<hbm>> -> memref<4096xf32, #tpu.memory_space<hbm>>
        %dma_wait3A_144 = tpu.memref_slice %arg4[%mul3A_140] : memref<32000000xf32, #tpu.memory_space<hbm>> -> memref<4096xf32, #tpu.memory_space<hbm>>
        tpu.wait_dma2 semaphore(%run_scoped3A : memref<!tpu.dma_semaphore, #tpu.memory_space<semaphore_mem>>) src(%arg8 : memref<4096xf32, #tpu.memory_space<vmem>>) dst(%dma_wait3A_144 : memref<4096xf32, #tpu.memory_space<hbm>>)
        tpu.yield
      }) : () -> ()
    } else {
    }
    %eq3A = arith.constant 4 : i32
    %eq3A_65 = arith.cmpi eq, %add3A, %eq3A : i32
    %convert_element_type3A_66 = arith.extui %eq3A_65 : i1 to i32
    %cond3A_67 = arith.constant 0 : i32
    %cond3A_68 = arith.cmpi ne, %convert_element_type3A_66, %cond3A_67 : i32
    scf.if %cond3A_68 {
      "tpu.region"() ({
        %run_scoped3A = tpu.sem_alloc : memref<!tpu.dma_semaphore, #tpu.memory_space<semaphore_mem>>
        %dma_start3A_69 = arith.constant 0 : i32
        %dma_start3A_70 = tpu.memref_slice %arg8[%dma_start3A_69] : memref<4096xf32, #tpu.memory_space<vmem>> -> memref<2048xf32, #tpu.memory_space<vmem>>
        %dma_start3A_71 = arith.constant 0 : i32
        %dma_start3A_72 = tpu.memref_slice %arg8[%dma_start3A_71] : memref<4096xf32, #tpu.memory_space<vmem>> -> memref<2048xf32, #tpu.memory_space<vmem>>
        tpu.enqueue_dma source(%arg3 : memref<2048xf32, #tpu.memory_space<hbm>>) target(%dma_start3A_72 : memref<2048xf32, #tpu.memory_space<vmem>>) target_semaphore(%run_scoped3A : memref<!tpu.dma_semaphore, #tpu.memory_space<semaphore_mem>>)
        %dma_wait3A_73 = arith.constant 0 : i32
        %dma_wait3A_74 = tpu.memref_slice %arg8[%dma_wait3A_73] : memref<4096xf32, #tpu.memory_space<vmem>> -> memref<2048xf32, #tpu.memory_space<vmem>>
        %dma_wait3A_75 = arith.constant 0 : i32
        %dma_wait3A_76 = tpu.memref_slice %arg8[%dma_wait3A_75] : memref<4096xf32, #tpu.memory_space<vmem>> -> memref<2048xf32, #tpu.memory_space<vmem>>
        tpu.wait_dma2 semaphore(%run_scoped3A : memref<!tpu.dma_semaphore, #tpu.memory_space<semaphore_mem>>) src(%arg3 : memref<2048xf32, #tpu.memory_space<hbm>>) dst(%dma_wait3A_76 : memref<2048xf32, #tpu.memory_space<vmem>>)
        tpu.yield
      }) : () -> ()
      "tpu.region"() ({
        %run_scoped3A = tpu.sem_alloc : memref<!tpu.dma_semaphore, #tpu.memory_space<semaphore_mem>>
        %dma_start3A_69 = arith.constant 0 : i32
        %dma_start3A_70 = tpu.memref_slice %arg8[%dma_start3A_69] : memref<4096xf32, #tpu.memory_space<vmem>> -> memref<2048xf32, #tpu.memory_space<vmem>>
        %dma_start3A_71 = arith.constant 31997952 : i32
        %dma_start3A_72 = tpu.memref_slice %arg4[%dma_start3A_71] : memref<32000000xf32, #tpu.memory_space<hbm>> -> memref<2048xf32, #tpu.memory_space<hbm>>
        %dma_start3A_73 = arith.constant 31997952 : i32
        %dma_start3A_74 = tpu.memref_slice %arg4[%dma_start3A_73] : memref<32000000xf32, #tpu.memory_space<hbm>> -> memref<2048xf32, #tpu.memory_space<hbm>>
        %dma_start3A_75 = arith.constant 0 : i32
        %dma_start3A_76 = tpu.memref_slice %arg8[%dma_start3A_75] : memref<4096xf32, #tpu.memory_space<vmem>> -> memref<2048xf32, #tpu.memory_space<vmem>>
        tpu.enqueue_dma source(%dma_start3A_76 : memref<2048xf32, #tpu.memory_space<vmem>>) target(%dma_start3A_74 : memref<2048xf32, #tpu.memory_space<hbm>>) target_semaphore(%run_scoped3A : memref<!tpu.dma_semaphore, #tpu.memory_space<semaphore_mem>>)
        %dma_wait3A_77 = arith.constant 0 : i32
        %dma_wait3A_78 = tpu.memref_slice %arg8[%dma_wait3A_77] : memref<4096xf32, #tpu.memory_space<vmem>> -> memref<2048xf32, #tpu.memory_space<vmem>>
        %dma_wait3A_79 = arith.constant 31997952 : i32
        %dma_wait3A_80 = tpu.memref_slice %arg4[%dma_wait3A_79] : memref<32000000xf32, #tpu.memory_space<hbm>> -> memref<2048xf32, #tpu.memory_space<hbm>>
        %dma_wait3A_81 = arith.constant 31997952 : i32
        %dma_wait3A_82 = tpu.memref_slice %arg4[%dma_wait3A_81] : memref<32000000xf32, #tpu.memory_space<hbm>> -> memref<2048xf32, #tpu.memory_space<hbm>>
        %dma_wait3A_83 = arith.constant 0 : i32
        %dma_wait3A_84 = tpu.memref_slice %arg8[%dma_wait3A_83] : memref<4096xf32, #tpu.memory_space<vmem>> -> memref<2048xf32, #tpu.memory_space<vmem>>
        tpu.wait_dma2 semaphore(%run_scoped3A : memref<!tpu.dma_semaphore, #tpu.memory_space<semaphore_mem>>) src(%dma_wait3A_84 : memref<2048xf32, #tpu.memory_space<vmem>>) dst(%dma_wait3A_82 : memref<2048xf32, #tpu.memory_space<hbm>>)
        tpu.yield
      }) : () -> ()
    } else {
    }
    return
  }
}

#map = affine_map<(d0, d1) -> (0)>
#map1 = affine_map<(d0, d1) -> (0, 0)>
module attributes {stable_mosaic.version = 14 : i64} {
  func.func @gather(%arg0: i32, %arg1: i32, %arg2: memref<3276800xi32, #tpu.memory_space<hbm>>, %arg3: memref<1000000x32xf32, #tpu.memory_space<hbm>>, %arg4: memref<3276800x32xf32, #tpu.memory_space<hbm>>, %arg5: memref<512xi32, #tpu.memory_space<vmem>>, %arg6: memref<512xi32, #tpu.memory_space<vmem>>, %arg7: memref<512xi32, #tpu.memory_space<vmem>>, %arg8: memref<512xi32, #tpu.memory_space<vmem>>, %arg9: memref<512x32xf32, #tpu.memory_space<vmem>>, %arg10: memref<512x32xf32, #tpu.memory_space<vmem>>, %arg11: memref<512x32xf32, #tpu.memory_space<vmem>>, %arg12: memref<512x32xf32, #tpu.memory_space<vmem>>, %arg13: memref<!tpu.dma_semaphore, #tpu.memory_space<semaphore_mem>>, %arg14: memref<!tpu.dma_semaphore, #tpu.memory_space<semaphore_mem>>, %arg15: memref<!tpu.dma_semaphore, #tpu.memory_space<semaphore_mem>>, %arg16: memref<!tpu.dma_semaphore, #tpu.memory_space<semaphore_mem>>, %arg17: memref<!tpu.dma_semaphore, #tpu.memory_space<semaphore_mem>>, %arg18: memref<!tpu.dma_semaphore, #tpu.memory_space<semaphore_mem>>, %arg19: memref<!tpu.dma_semaphore, #tpu.memory_space<semaphore_mem>>, %arg20: memref<!tpu.dma_semaphore, #tpu.memory_space<semaphore_mem>>) attributes {dimension_semantics = [#tpu.dimension_semantics<core_parallel>, #tpu.dimension_semantics<subcore_parallel>], iteration_bounds = array<i64: 2, 16>, scalar_prefetch = 0 : i64, scratch_operands = 16 : i64, tpu.core_type = #tpu.core_type<sc_vector_subcore>, window_params = [{transform_indices = #map}, {transform_indices = #map1}, {transform_indices = #map1}]} {
    %mul3A = arith.constant 2 : i32
    %mul3A_0 = arith.muli %arg1, %mul3A : i32
    %add3A = arith.addi %mul3A_0, %arg0 : i32
    %mul3A_1 = arith.constant 102400 : i32
    %mul3A_2 = arith.muli %add3A, %mul3A_1 : i32
    %add3A_3 = arith.constant 0 : i32
    %add3A_4 = arith.addi %mul3A_2, %add3A_3 : i32
    "tpu.region"() ({
      %run_scoped3A = tpu.sem_alloc : memref<!tpu.dma_semaphore, #tpu.memory_space<semaphore_mem>>
      %dma_start3A_50 = tpu.memref_slice %arg2[%add3A_4] : memref<3276800xi32, #tpu.memory_space<hbm>> -> memref<512xi32, #tpu.memory_space<hbm>>
      %dma_start3A_51 = tpu.memref_slice %arg2[%add3A_4] : memref<3276800xi32, #tpu.memory_space<hbm>> -> memref<512xi32, #tpu.memory_space<hbm>>
      tpu.enqueue_dma source(%dma_start3A_51 : memref<512xi32, #tpu.memory_space<hbm>>) target(%arg5 : memref<512xi32, #tpu.memory_space<vmem>>) target_semaphore(%run_scoped3A : memref<!tpu.dma_semaphore, #tpu.memory_space<semaphore_mem>>)
      %dma_wait3A_52 = tpu.memref_slice %arg2[%add3A_4] : memref<3276800xi32, #tpu.memory_space<hbm>> -> memref<512xi32, #tpu.memory_space<hbm>>
      %dma_wait3A_53 = tpu.memref_slice %arg2[%add3A_4] : memref<3276800xi32, #tpu.memory_space<hbm>> -> memref<512xi32, #tpu.memory_space<hbm>>
      tpu.wait_dma2 semaphore(%run_scoped3A : memref<!tpu.dma_semaphore, #tpu.memory_space<semaphore_mem>>) src(%dma_wait3A_53 : memref<512xi32, #tpu.memory_space<hbm>>) dst(%arg5 : memref<512xi32, #tpu.memory_space<vmem>>)
      tpu.yield
    }) : () -> ()
    %dma_start3A = arith.constant 0 : i32
    %dma_start3A_5 = arith.constant 0 : i32
    %dma_start3A_6 = tpu.memref_slice %arg3[%dma_start3A, %dma_start3A_5] : memref<1000000x32xf32, #tpu.memory_space<hbm>> -> memref<1000000x32xf32, #tpu.memory_space<hbm>>
    tpu.enqueue_indirect_dma source(%dma_start3A_6 : memref<1000000x32xf32, #tpu.memory_space<hbm>>) target(%arg9 : memref<512x32xf32, #tpu.memory_space<vmem>>) offsets(%arg5 : memref<512xi32, #tpu.memory_space<vmem>>) semaphore(%arg13 : memref<!tpu.dma_semaphore, #tpu.memory_space<semaphore_mem>>)
    %add3A_7 = arith.constant 512 : i32
    %add3A_8 = arith.addi %mul3A_2, %add3A_7 : i32
    "tpu.region"() ({
      %run_scoped3A = tpu.sem_alloc : memref<!tpu.dma_semaphore, #tpu.memory_space<semaphore_mem>>
      %dma_start3A_50 = tpu.memref_slice %arg2[%add3A_8] : memref<3276800xi32, #tpu.memory_space<hbm>> -> memref<512xi32, #tpu.memory_space<hbm>>
      %dma_start3A_51 = tpu.memref_slice %arg2[%add3A_8] : memref<3276800xi32, #tpu.memory_space<hbm>> -> memref<512xi32, #tpu.memory_space<hbm>>
      tpu.enqueue_dma source(%dma_start3A_51 : memref<512xi32, #tpu.memory_space<hbm>>) target(%arg6 : memref<512xi32, #tpu.memory_space<vmem>>) target_semaphore(%run_scoped3A : memref<!tpu.dma_semaphore, #tpu.memory_space<semaphore_mem>>)
      %dma_wait3A_52 = tpu.memref_slice %arg2[%add3A_8] : memref<3276800xi32, #tpu.memory_space<hbm>> -> memref<512xi32, #tpu.memory_space<hbm>>
      %dma_wait3A_53 = tpu.memref_slice %arg2[%add3A_8] : memref<3276800xi32, #tpu.memory_space<hbm>> -> memref<512xi32, #tpu.memory_space<hbm>>
      tpu.wait_dma2 semaphore(%run_scoped3A : memref<!tpu.dma_semaphore, #tpu.memory_space<semaphore_mem>>) src(%dma_wait3A_53 : memref<512xi32, #tpu.memory_space<hbm>>) dst(%arg6 : memref<512xi32, #tpu.memory_space<vmem>>)
      tpu.yield
    }) : () -> ()
    %dma_start3A_9 = arith.constant 0 : i32
    %dma_start3A_10 = arith.constant 0 : i32
    %dma_start3A_11 = tpu.memref_slice %arg3[%dma_start3A_9, %dma_start3A_10] : memref<1000000x32xf32, #tpu.memory_space<hbm>> -> memref<1000000x32xf32, #tpu.memory_space<hbm>>
    tpu.enqueue_indirect_dma source(%dma_start3A_11 : memref<1000000x32xf32, #tpu.memory_space<hbm>>) target(%arg10 : memref<512x32xf32, #tpu.memory_space<vmem>>) offsets(%arg6 : memref<512xi32, #tpu.memory_space<vmem>>) semaphore(%arg14 : memref<!tpu.dma_semaphore, #tpu.memory_space<semaphore_mem>>)
    %add3A_12 = arith.constant 1024 : i32
    %add3A_13 = arith.addi %mul3A_2, %add3A_12 : i32
    "tpu.region"() ({
      %run_scoped3A = tpu.sem_alloc : memref<!tpu.dma_semaphore, #tpu.memory_space<semaphore_mem>>
      %dma_start3A_50 = tpu.memref_slice %arg2[%add3A_13] : memref<3276800xi32, #tpu.memory_space<hbm>> -> memref<512xi32, #tpu.memory_space<hbm>>
      %dma_start3A_51 = tpu.memref_slice %arg2[%add3A_13] : memref<3276800xi32, #tpu.memory_space<hbm>> -> memref<512xi32, #tpu.memory_space<hbm>>
      tpu.enqueue_dma source(%dma_start3A_51 : memref<512xi32, #tpu.memory_space<hbm>>) target(%arg7 : memref<512xi32, #tpu.memory_space<vmem>>) target_semaphore(%run_scoped3A : memref<!tpu.dma_semaphore, #tpu.memory_space<semaphore_mem>>)
      %dma_wait3A_52 = tpu.memref_slice %arg2[%add3A_13] : memref<3276800xi32, #tpu.memory_space<hbm>> -> memref<512xi32, #tpu.memory_space<hbm>>
      %dma_wait3A_53 = tpu.memref_slice %arg2[%add3A_13] : memref<3276800xi32, #tpu.memory_space<hbm>> -> memref<512xi32, #tpu.memory_space<hbm>>
      tpu.wait_dma2 semaphore(%run_scoped3A : memref<!tpu.dma_semaphore, #tpu.memory_space<semaphore_mem>>) src(%dma_wait3A_53 : memref<512xi32, #tpu.memory_space<hbm>>) dst(%arg7 : memref<512xi32, #tpu.memory_space<vmem>>)
      tpu.yield
    }) : () -> ()
    %dma_start3A_14 = arith.constant 0 : i32
    %dma_start3A_15 = arith.constant 0 : i32
    %dma_start3A_16 = tpu.memref_slice %arg3[%dma_start3A_14, %dma_start3A_15] : memref<1000000x32xf32, #tpu.memory_space<hbm>> -> memref<1000000x32xf32, #tpu.memory_space<hbm>>
    tpu.enqueue_indirect_dma source(%dma_start3A_16 : memref<1000000x32xf32, #tpu.memory_space<hbm>>) target(%arg11 : memref<512x32xf32, #tpu.memory_space<vmem>>) offsets(%arg7 : memref<512xi32, #tpu.memory_space<vmem>>) semaphore(%arg15 : memref<!tpu.dma_semaphore, #tpu.memory_space<semaphore_mem>>)
    %add3A_17 = arith.constant 1536 : i32
    %add3A_18 = arith.addi %mul3A_2, %add3A_17 : i32
    "tpu.region"() ({
      %run_scoped3A = tpu.sem_alloc : memref<!tpu.dma_semaphore, #tpu.memory_space<semaphore_mem>>
      %dma_start3A_50 = tpu.memref_slice %arg2[%add3A_18] : memref<3276800xi32, #tpu.memory_space<hbm>> -> memref<512xi32, #tpu.memory_space<hbm>>
      %dma_start3A_51 = tpu.memref_slice %arg2[%add3A_18] : memref<3276800xi32, #tpu.memory_space<hbm>> -> memref<512xi32, #tpu.memory_space<hbm>>
      tpu.enqueue_dma source(%dma_start3A_51 : memref<512xi32, #tpu.memory_space<hbm>>) target(%arg8 : memref<512xi32, #tpu.memory_space<vmem>>) target_semaphore(%run_scoped3A : memref<!tpu.dma_semaphore, #tpu.memory_space<semaphore_mem>>)
      %dma_wait3A_52 = tpu.memref_slice %arg2[%add3A_18] : memref<3276800xi32, #tpu.memory_space<hbm>> -> memref<512xi32, #tpu.memory_space<hbm>>
      %dma_wait3A_53 = tpu.memref_slice %arg2[%add3A_18] : memref<3276800xi32, #tpu.memory_space<hbm>> -> memref<512xi32, #tpu.memory_space<hbm>>
      tpu.wait_dma2 semaphore(%run_scoped3A : memref<!tpu.dma_semaphore, #tpu.memory_space<semaphore_mem>>) src(%dma_wait3A_53 : memref<512xi32, #tpu.memory_space<hbm>>) dst(%arg8 : memref<512xi32, #tpu.memory_space<vmem>>)
      tpu.yield
    }) : () -> ()
    %dma_start3A_19 = arith.constant 0 : i32
    %dma_start3A_20 = arith.constant 0 : i32
    %dma_start3A_21 = tpu.memref_slice %arg3[%dma_start3A_19, %dma_start3A_20] : memref<1000000x32xf32, #tpu.memory_space<hbm>> -> memref<1000000x32xf32, #tpu.memory_space<hbm>>
    tpu.enqueue_indirect_dma source(%dma_start3A_21 : memref<1000000x32xf32, #tpu.memory_space<hbm>>) target(%arg12 : memref<512x32xf32, #tpu.memory_space<vmem>>) offsets(%arg8 : memref<512xi32, #tpu.memory_space<vmem>>) semaphore(%arg16 : memref<!tpu.dma_semaphore, #tpu.memory_space<semaphore_mem>>)
    %scan3A = arith.constant 0 : i32
    %scan3A_22 = arith.constant 0 : i32
    %scan3A_23 = arith.constant 50 : i32
    %scan3A_24 = arith.addi %scan3A_22, %scan3A_23 : i32
    %scan3A_25 = arith.constant 1 : i32
    scf.for %scan3A_50 = %scan3A_22 to %scan3A_24 step %scan3A_25  : i32 {
      %mul3A_51 = arith.constant 4 : i32
      %mul3A_52 = arith.muli %scan3A_50, %mul3A_51 : i32
      %add3A_53 = arith.constant 0 : i32
      %add3A_54 = arith.addi %mul3A_52, %add3A_53 : i32
      %mul3A_55 = arith.constant 512 : i32
      %mul3A_56 = arith.muli %add3A_54, %mul3A_55 : i32
      %add3A_57 = arith.addi %mul3A_2, %mul3A_56 : i32
      %dma_wait3A_58 = arith.constant 0 : i32
      %dma_wait3A_59 = arith.constant 0 : i32
      %dma_wait3A_60 = tpu.memref_slice %arg3[%dma_wait3A_58, %dma_wait3A_59] : memref<1000000x32xf32, #tpu.memory_space<hbm>> -> memref<1000000x32xf32, #tpu.memory_space<hbm>>
      tpu.wait_indirect_dma semaphore(%arg13 : memref<!tpu.dma_semaphore, #tpu.memory_space<semaphore_mem>>) src(%dma_wait3A_60 : memref<1000000x32xf32, #tpu.memory_space<hbm>>) dst(%arg9 : memref<512x32xf32, #tpu.memory_space<vmem>>)
      %dma_start3A_61 = arith.constant 0 : i32
      %dma_start3A_62 = tpu.memref_slice %arg4[%add3A_57, %dma_start3A_61] : memref<3276800x32xf32, #tpu.memory_space<hbm>> -> memref<512x32xf32, #tpu.memory_space<hbm>>
      %dma_start3A_63 = arith.constant 0 : i32
      %dma_start3A_64 = tpu.memref_slice %arg4[%add3A_57, %dma_start3A_63] : memref<3276800x32xf32, #tpu.memory_space<hbm>> -> memref<512x32xf32, #tpu.memory_space<hbm>>
      tpu.enqueue_dma source(%arg9 : memref<512x32xf32, #tpu.memory_space<vmem>>) target(%dma_start3A_64 : memref<512x32xf32, #tpu.memory_space<hbm>>) target_semaphore(%arg17 : memref<!tpu.dma_semaphore, #tpu.memory_space<semaphore_mem>>)
      %mul3A_65 = arith.constant 4 : i32
      %mul3A_66 = arith.muli %scan3A_50, %mul3A_65 : i32
      %add3A_67 = arith.constant 1 : i32
      %add3A_68 = arith.addi %mul3A_66, %add3A_67 : i32
      %mul3A_69 = arith.constant 512 : i32
      %mul3A_70 = arith.muli %add3A_68, %mul3A_69 : i32
      %add3A_71 = arith.addi %mul3A_2, %mul3A_70 : i32
      %dma_wait3A_72 = arith.constant 0 : i32
      %dma_wait3A_73 = arith.constant 0 : i32
      %dma_wait3A_74 = tpu.memref_slice %arg3[%dma_wait3A_72, %dma_wait3A_73] : memref<1000000x32xf32, #tpu.memory_space<hbm>> -> memref<1000000x32xf32, #tpu.memory_space<hbm>>
      tpu.wait_indirect_dma semaphore(%arg14 : memref<!tpu.dma_semaphore, #tpu.memory_space<semaphore_mem>>) src(%dma_wait3A_74 : memref<1000000x32xf32, #tpu.memory_space<hbm>>) dst(%arg10 : memref<512x32xf32, #tpu.memory_space<vmem>>)
      %dma_start3A_75 = arith.constant 0 : i32
      %dma_start3A_76 = tpu.memref_slice %arg4[%add3A_71, %dma_start3A_75] : memref<3276800x32xf32, #tpu.memory_space<hbm>> -> memref<512x32xf32, #tpu.memory_space<hbm>>
      %dma_start3A_77 = arith.constant 0 : i32
      %dma_start3A_78 = tpu.memref_slice %arg4[%add3A_71, %dma_start3A_77] : memref<3276800x32xf32, #tpu.memory_space<hbm>> -> memref<512x32xf32, #tpu.memory_space<hbm>>
      tpu.enqueue_dma source(%arg10 : memref<512x32xf32, #tpu.memory_space<vmem>>) target(%dma_start3A_78 : memref<512x32xf32, #tpu.memory_space<hbm>>) target_semaphore(%arg18 : memref<!tpu.dma_semaphore, #tpu.memory_space<semaphore_mem>>)
      %mul3A_79 = arith.constant 4 : i32
      %mul3A_80 = arith.muli %scan3A_50, %mul3A_79 : i32
      %add3A_81 = arith.constant 2 : i32
      %add3A_82 = arith.addi %mul3A_80, %add3A_81 : i32
      %mul3A_83 = arith.constant 512 : i32
      %mul3A_84 = arith.muli %add3A_82, %mul3A_83 : i32
      %add3A_85 = arith.addi %mul3A_2, %mul3A_84 : i32
      %dma_wait3A_86 = arith.constant 0 : i32
      %dma_wait3A_87 = arith.constant 0 : i32
      %dma_wait3A_88 = tpu.memref_slice %arg3[%dma_wait3A_86, %dma_wait3A_87] : memref<1000000x32xf32, #tpu.memory_space<hbm>> -> memref<1000000x32xf32, #tpu.memory_space<hbm>>
      tpu.wait_indirect_dma semaphore(%arg15 : memref<!tpu.dma_semaphore, #tpu.memory_space<semaphore_mem>>) src(%dma_wait3A_88 : memref<1000000x32xf32, #tpu.memory_space<hbm>>) dst(%arg11 : memref<512x32xf32, #tpu.memory_space<vmem>>)
      %dma_start3A_89 = arith.constant 0 : i32
      %dma_start3A_90 = tpu.memref_slice %arg4[%add3A_85, %dma_start3A_89] : memref<3276800x32xf32, #tpu.memory_space<hbm>> -> memref<512x32xf32, #tpu.memory_space<hbm>>
      %dma_start3A_91 = arith.constant 0 : i32
      %dma_start3A_92 = tpu.memref_slice %arg4[%add3A_85, %dma_start3A_91] : memref<3276800x32xf32, #tpu.memory_space<hbm>> -> memref<512x32xf32, #tpu.memory_space<hbm>>
      tpu.enqueue_dma source(%arg11 : memref<512x32xf32, #tpu.memory_space<vmem>>) target(%dma_start3A_92 : memref<512x32xf32, #tpu.memory_space<hbm>>) target_semaphore(%arg19 : memref<!tpu.dma_semaphore, #tpu.memory_space<semaphore_mem>>)
      %mul3A_93 = arith.constant 4 : i32
      %mul3A_94 = arith.muli %scan3A_50, %mul3A_93 : i32
      %add3A_95 = arith.constant 3 : i32
      %add3A_96 = arith.addi %mul3A_94, %add3A_95 : i32
      %mul3A_97 = arith.constant 512 : i32
      %mul3A_98 = arith.muli %add3A_96, %mul3A_97 : i32
      %add3A_99 = arith.addi %mul3A_2, %mul3A_98 : i32
      %dma_wait3A_100 = arith.constant 0 : i32
      %dma_wait3A_101 = arith.constant 0 : i32
      %dma_wait3A_102 = tpu.memref_slice %arg3[%dma_wait3A_100, %dma_wait3A_101] : memref<1000000x32xf32, #tpu.memory_space<hbm>> -> memref<1000000x32xf32, #tpu.memory_space<hbm>>
      tpu.wait_indirect_dma semaphore(%arg16 : memref<!tpu.dma_semaphore, #tpu.memory_space<semaphore_mem>>) src(%dma_wait3A_102 : memref<1000000x32xf32, #tpu.memory_space<hbm>>) dst(%arg12 : memref<512x32xf32, #tpu.memory_space<vmem>>)
      %dma_start3A_103 = arith.constant 0 : i32
      %dma_start3A_104 = tpu.memref_slice %arg4[%add3A_99, %dma_start3A_103] : memref<3276800x32xf32, #tpu.memory_space<hbm>> -> memref<512x32xf32, #tpu.memory_space<hbm>>
      %dma_start3A_105 = arith.constant 0 : i32
      %dma_start3A_106 = tpu.memref_slice %arg4[%add3A_99, %dma_start3A_105] : memref<3276800x32xf32, #tpu.memory_space<hbm>> -> memref<512x32xf32, #tpu.memory_space<hbm>>
      tpu.enqueue_dma source(%arg12 : memref<512x32xf32, #tpu.memory_space<vmem>>) target(%dma_start3A_106 : memref<512x32xf32, #tpu.memory_space<hbm>>) target_semaphore(%arg20 : memref<!tpu.dma_semaphore, #tpu.memory_space<semaphore_mem>>)
      %lt3A = arith.constant 49 : i32
      %lt3A_107 = arith.cmpi slt, %scan3A_50, %lt3A : i32
      %convert_element_type3A = arith.extui %lt3A_107 : i1 to i32
      %cond3A = arith.constant 0 : i32
      %cond3A_108 = arith.cmpi ne, %convert_element_type3A, %cond3A : i32
      scf.if %cond3A_108 {
        %dma_wait3A_124 = arith.constant 0 : i32
        %dma_wait3A_125 = arith.constant 0 : i32
        %dma_wait3A_126 = tpu.memref_slice %arg4[%dma_wait3A_124, %dma_wait3A_125] : memref<3276800x32xf32, #tpu.memory_space<hbm>> -> memref<512x32xf32, #tpu.memory_space<hbm>>
        %dma_wait3A_127 = arith.constant 0 : i32
        %dma_wait3A_128 = arith.constant 0 : i32
        %dma_wait3A_129 = tpu.memref_slice %arg4[%dma_wait3A_127, %dma_wait3A_128] : memref<3276800x32xf32, #tpu.memory_space<hbm>> -> memref<512x32xf32, #tpu.memory_space<hbm>>
        tpu.wait_dma2 semaphore(%arg17 : memref<!tpu.dma_semaphore, #tpu.memory_space<semaphore_mem>>) src(%arg9 : memref<512x32xf32, #tpu.memory_space<vmem>>) dst(%dma_wait3A_129 : memref<512x32xf32, #tpu.memory_space<hbm>>)
        %add3A_130 = arith.constant 1 : i32
        %add3A_131 = arith.addi %scan3A_50, %add3A_130 : i32
        %mul3A_132 = arith.constant 4 : i32
        %mul3A_133 = arith.muli %add3A_131, %mul3A_132 : i32
        %add3A_134 = arith.constant 0 : i32
        %add3A_135 = arith.addi %mul3A_133, %add3A_134 : i32
        %mul3A_136 = arith.constant 512 : i32
        %mul3A_137 = arith.muli %add3A_135, %mul3A_136 : i32
        %add3A_138 = arith.addi %mul3A_2, %mul3A_137 : i32
        "tpu.region"() ({
          %run_scoped3A = tpu.sem_alloc : memref<!tpu.dma_semaphore, #tpu.memory_space<semaphore_mem>>
          %dma_start3A_142 = tpu.memref_slice %arg2[%add3A_138] : memref<3276800xi32, #tpu.memory_space<hbm>> -> memref<512xi32, #tpu.memory_space<hbm>>
          %dma_start3A_143 = tpu.memref_slice %arg2[%add3A_138] : memref<3276800xi32, #tpu.memory_space<hbm>> -> memref<512xi32, #tpu.memory_space<hbm>>
          tpu.enqueue_dma source(%dma_start3A_143 : memref<512xi32, #tpu.memory_space<hbm>>) target(%arg5 : memref<512xi32, #tpu.memory_space<vmem>>) target_semaphore(%run_scoped3A : memref<!tpu.dma_semaphore, #tpu.memory_space<semaphore_mem>>)
          %dma_wait3A_144 = tpu.memref_slice %arg2[%add3A_138] : memref<3276800xi32, #tpu.memory_space<hbm>> -> memref<512xi32, #tpu.memory_space<hbm>>
          %dma_wait3A_145 = tpu.memref_slice %arg2[%add3A_138] : memref<3276800xi32, #tpu.memory_space<hbm>> -> memref<512xi32, #tpu.memory_space<hbm>>
          tpu.wait_dma2 semaphore(%run_scoped3A : memref<!tpu.dma_semaphore, #tpu.memory_space<semaphore_mem>>) src(%dma_wait3A_145 : memref<512xi32, #tpu.memory_space<hbm>>) dst(%arg5 : memref<512xi32, #tpu.memory_space<vmem>>)
          tpu.yield
        }) : () -> ()
        %dma_start3A_139 = arith.constant 0 : i32
        %dma_start3A_140 = arith.constant 0 : i32
        %dma_start3A_141 = tpu.memref_slice %arg3[%dma_start3A_139, %dma_start3A_140] : memref<1000000x32xf32, #tpu.memory_space<hbm>> -> memref<1000000x32xf32, #tpu.memory_space<hbm>>
        tpu.enqueue_indirect_dma source(%dma_start3A_141 : memref<1000000x32xf32, #tpu.memory_space<hbm>>) target(%arg9 : memref<512x32xf32, #tpu.memory_space<vmem>>) offsets(%arg5 : memref<512xi32, #tpu.memory_space<vmem>>) semaphore(%arg13 : memref<!tpu.dma_semaphore, #tpu.memory_space<semaphore_mem>>)
      } else {
      }
      %lt3A_109 = arith.constant 49 : i32
      %lt3A_110 = arith.cmpi slt, %scan3A_50, %lt3A_109 : i32
      %convert_element_type3A_111 = arith.extui %lt3A_110 : i1 to i32
      %cond3A_112 = arith.constant 0 : i32
      %cond3A_113 = arith.cmpi ne, %convert_element_type3A_111, %cond3A_112 : i32
      scf.if %cond3A_113 {
        %dma_wait3A_124 = arith.constant 0 : i32
        %dma_wait3A_125 = arith.constant 0 : i32
        %dma_wait3A_126 = tpu.memref_slice %arg4[%dma_wait3A_124, %dma_wait3A_125] : memref<3276800x32xf32, #tpu.memory_space<hbm>> -> memref<512x32xf32, #tpu.memory_space<hbm>>
        %dma_wait3A_127 = arith.constant 0 : i32
        %dma_wait3A_128 = arith.constant 0 : i32
        %dma_wait3A_129 = tpu.memref_slice %arg4[%dma_wait3A_127, %dma_wait3A_128] : memref<3276800x32xf32, #tpu.memory_space<hbm>> -> memref<512x32xf32, #tpu.memory_space<hbm>>
        tpu.wait_dma2 semaphore(%arg18 : memref<!tpu.dma_semaphore, #tpu.memory_space<semaphore_mem>>) src(%arg10 : memref<512x32xf32, #tpu.memory_space<vmem>>) dst(%dma_wait3A_129 : memref<512x32xf32, #tpu.memory_space<hbm>>)
        %add3A_130 = arith.constant 1 : i32
        %add3A_131 = arith.addi %scan3A_50, %add3A_130 : i32
        %mul3A_132 = arith.constant 4 : i32
        %mul3A_133 = arith.muli %add3A_131, %mul3A_132 : i32
        %add3A_134 = arith.constant 1 : i32
        %add3A_135 = arith.addi %mul3A_133, %add3A_134 : i32
        %mul3A_136 = arith.constant 512 : i32
        %mul3A_137 = arith.muli %add3A_135, %mul3A_136 : i32
        %add3A_138 = arith.addi %mul3A_2, %mul3A_137 : i32
        "tpu.region"() ({
          %run_scoped3A = tpu.sem_alloc : memref<!tpu.dma_semaphore, #tpu.memory_space<semaphore_mem>>
          %dma_start3A_142 = tpu.memref_slice %arg2[%add3A_138] : memref<3276800xi32, #tpu.memory_space<hbm>> -> memref<512xi32, #tpu.memory_space<hbm>>
          %dma_start3A_143 = tpu.memref_slice %arg2[%add3A_138] : memref<3276800xi32, #tpu.memory_space<hbm>> -> memref<512xi32, #tpu.memory_space<hbm>>
          tpu.enqueue_dma source(%dma_start3A_143 : memref<512xi32, #tpu.memory_space<hbm>>) target(%arg6 : memref<512xi32, #tpu.memory_space<vmem>>) target_semaphore(%run_scoped3A : memref<!tpu.dma_semaphore, #tpu.memory_space<semaphore_mem>>)
          %dma_wait3A_144 = tpu.memref_slice %arg2[%add3A_138] : memref<3276800xi32, #tpu.memory_space<hbm>> -> memref<512xi32, #tpu.memory_space<hbm>>
          %dma_wait3A_145 = tpu.memref_slice %arg2[%add3A_138] : memref<3276800xi32, #tpu.memory_space<hbm>> -> memref<512xi32, #tpu.memory_space<hbm>>
          tpu.wait_dma2 semaphore(%run_scoped3A : memref<!tpu.dma_semaphore, #tpu.memory_space<semaphore_mem>>) src(%dma_wait3A_145 : memref<512xi32, #tpu.memory_space<hbm>>) dst(%arg6 : memref<512xi32, #tpu.memory_space<vmem>>)
          tpu.yield
        }) : () -> ()
        %dma_start3A_139 = arith.constant 0 : i32
        %dma_start3A_140 = arith.constant 0 : i32
        %dma_start3A_141 = tpu.memref_slice %arg3[%dma_start3A_139, %dma_start3A_140] : memref<1000000x32xf32, #tpu.memory_space<hbm>> -> memref<1000000x32xf32, #tpu.memory_space<hbm>>
        tpu.enqueue_indirect_dma source(%dma_start3A_141 : memref<1000000x32xf32, #tpu.memory_space<hbm>>) target(%arg10 : memref<512x32xf32, #tpu.memory_space<vmem>>) offsets(%arg6 : memref<512xi32, #tpu.memory_space<vmem>>) semaphore(%arg14 : memref<!tpu.dma_semaphore, #tpu.memory_space<semaphore_mem>>)
      } else {
      }
      %lt3A_114 = arith.constant 49 : i32
      %lt3A_115 = arith.cmpi slt, %scan3A_50, %lt3A_114 : i32
      %convert_element_type3A_116 = arith.extui %lt3A_115 : i1 to i32
      %cond3A_117 = arith.constant 0 : i32
      %cond3A_118 = arith.cmpi ne, %convert_element_type3A_116, %cond3A_117 : i32
      scf.if %cond3A_118 {
        %dma_wait3A_124 = arith.constant 0 : i32
        %dma_wait3A_125 = arith.constant 0 : i32
        %dma_wait3A_126 = tpu.memref_slice %arg4[%dma_wait3A_124, %dma_wait3A_125] : memref<3276800x32xf32, #tpu.memory_space<hbm>> -> memref<512x32xf32, #tpu.memory_space<hbm>>
        %dma_wait3A_127 = arith.constant 0 : i32
        %dma_wait3A_128 = arith.constant 0 : i32
        %dma_wait3A_129 = tpu.memref_slice %arg4[%dma_wait3A_127, %dma_wait3A_128] : memref<3276800x32xf32, #tpu.memory_space<hbm>> -> memref<512x32xf32, #tpu.memory_space<hbm>>
        tpu.wait_dma2 semaphore(%arg19 : memref<!tpu.dma_semaphore, #tpu.memory_space<semaphore_mem>>) src(%arg11 : memref<512x32xf32, #tpu.memory_space<vmem>>) dst(%dma_wait3A_129 : memref<512x32xf32, #tpu.memory_space<hbm>>)
        %add3A_130 = arith.constant 1 : i32
        %add3A_131 = arith.addi %scan3A_50, %add3A_130 : i32
        %mul3A_132 = arith.constant 4 : i32
        %mul3A_133 = arith.muli %add3A_131, %mul3A_132 : i32
        %add3A_134 = arith.constant 2 : i32
        %add3A_135 = arith.addi %mul3A_133, %add3A_134 : i32
        %mul3A_136 = arith.constant 512 : i32
        %mul3A_137 = arith.muli %add3A_135, %mul3A_136 : i32
        %add3A_138 = arith.addi %mul3A_2, %mul3A_137 : i32
        "tpu.region"() ({
          %run_scoped3A = tpu.sem_alloc : memref<!tpu.dma_semaphore, #tpu.memory_space<semaphore_mem>>
          %dma_start3A_142 = tpu.memref_slice %arg2[%add3A_138] : memref<3276800xi32, #tpu.memory_space<hbm>> -> memref<512xi32, #tpu.memory_space<hbm>>
          %dma_start3A_143 = tpu.memref_slice %arg2[%add3A_138] : memref<3276800xi32, #tpu.memory_space<hbm>> -> memref<512xi32, #tpu.memory_space<hbm>>
          tpu.enqueue_dma source(%dma_start3A_143 : memref<512xi32, #tpu.memory_space<hbm>>) target(%arg7 : memref<512xi32, #tpu.memory_space<vmem>>) target_semaphore(%run_scoped3A : memref<!tpu.dma_semaphore, #tpu.memory_space<semaphore_mem>>)
          %dma_wait3A_144 = tpu.memref_slice %arg2[%add3A_138] : memref<3276800xi32, #tpu.memory_space<hbm>> -> memref<512xi32, #tpu.memory_space<hbm>>
          %dma_wait3A_145 = tpu.memref_slice %arg2[%add3A_138] : memref<3276800xi32, #tpu.memory_space<hbm>> -> memref<512xi32, #tpu.memory_space<hbm>>
          tpu.wait_dma2 semaphore(%run_scoped3A : memref<!tpu.dma_semaphore, #tpu.memory_space<semaphore_mem>>) src(%dma_wait3A_145 : memref<512xi32, #tpu.memory_space<hbm>>) dst(%arg7 : memref<512xi32, #tpu.memory_space<vmem>>)
          tpu.yield
        }) : () -> ()
        %dma_start3A_139 = arith.constant 0 : i32
        %dma_start3A_140 = arith.constant 0 : i32
        %dma_start3A_141 = tpu.memref_slice %arg3[%dma_start3A_139, %dma_start3A_140] : memref<1000000x32xf32, #tpu.memory_space<hbm>> -> memref<1000000x32xf32, #tpu.memory_space<hbm>>
        tpu.enqueue_indirect_dma source(%dma_start3A_141 : memref<1000000x32xf32, #tpu.memory_space<hbm>>) target(%arg11 : memref<512x32xf32, #tpu.memory_space<vmem>>) offsets(%arg7 : memref<512xi32, #tpu.memory_space<vmem>>) semaphore(%arg15 : memref<!tpu.dma_semaphore, #tpu.memory_space<semaphore_mem>>)
      } else {
      }
      %lt3A_119 = arith.constant 49 : i32
      %lt3A_120 = arith.cmpi slt, %scan3A_50, %lt3A_119 : i32
      %convert_element_type3A_121 = arith.extui %lt3A_120 : i1 to i32
      %cond3A_122 = arith.constant 0 : i32
      %cond3A_123 = arith.cmpi ne, %convert_element_type3A_121, %cond3A_122 : i32
      scf.if %cond3A_123 {
        %dma_wait3A_124 = arith.constant 0 : i32
        %dma_wait3A_125 = arith.constant 0 : i32
        %dma_wait3A_126 = tpu.memref_slice %arg4[%dma_wait3A_124, %dma_wait3A_125] : memref<3276800x32xf32, #tpu.memory_space<hbm>> -> memref<512x32xf32, #tpu.memory_space<hbm>>
        %dma_wait3A_127 = arith.constant 0 : i32
        %dma_wait3A_128 = arith.constant 0 : i32
        %dma_wait3A_129 = tpu.memref_slice %arg4[%dma_wait3A_127, %dma_wait3A_128] : memref<3276800x32xf32, #tpu.memory_space<hbm>> -> memref<512x32xf32, #tpu.memory_space<hbm>>
        tpu.wait_dma2 semaphore(%arg20 : memref<!tpu.dma_semaphore, #tpu.memory_space<semaphore_mem>>) src(%arg12 : memref<512x32xf32, #tpu.memory_space<vmem>>) dst(%dma_wait3A_129 : memref<512x32xf32, #tpu.memory_space<hbm>>)
        %add3A_130 = arith.constant 1 : i32
        %add3A_131 = arith.addi %scan3A_50, %add3A_130 : i32
        %mul3A_132 = arith.constant 4 : i32
        %mul3A_133 = arith.muli %add3A_131, %mul3A_132 : i32
        %add3A_134 = arith.constant 3 : i32
        %add3A_135 = arith.addi %mul3A_133, %add3A_134 : i32
        %mul3A_136 = arith.constant 512 : i32
        %mul3A_137 = arith.muli %add3A_135, %mul3A_136 : i32
        %add3A_138 = arith.addi %mul3A_2, %mul3A_137 : i32
        "tpu.region"() ({
          %run_scoped3A = tpu.sem_alloc : memref<!tpu.dma_semaphore, #tpu.memory_space<semaphore_mem>>
          %dma_start3A_142 = tpu.memref_slice %arg2[%add3A_138] : memref<3276800xi32, #tpu.memory_space<hbm>> -> memref<512xi32, #tpu.memory_space<hbm>>
          %dma_start3A_143 = tpu.memref_slice %arg2[%add3A_138] : memref<3276800xi32, #tpu.memory_space<hbm>> -> memref<512xi32, #tpu.memory_space<hbm>>
          tpu.enqueue_dma source(%dma_start3A_143 : memref<512xi32, #tpu.memory_space<hbm>>) target(%arg8 : memref<512xi32, #tpu.memory_space<vmem>>) target_semaphore(%run_scoped3A : memref<!tpu.dma_semaphore, #tpu.memory_space<semaphore_mem>>)
          %dma_wait3A_144 = tpu.memref_slice %arg2[%add3A_138] : memref<3276800xi32, #tpu.memory_space<hbm>> -> memref<512xi32, #tpu.memory_space<hbm>>
          %dma_wait3A_145 = tpu.memref_slice %arg2[%add3A_138] : memref<3276800xi32, #tpu.memory_space<hbm>> -> memref<512xi32, #tpu.memory_space<hbm>>
          tpu.wait_dma2 semaphore(%run_scoped3A : memref<!tpu.dma_semaphore, #tpu.memory_space<semaphore_mem>>) src(%dma_wait3A_145 : memref<512xi32, #tpu.memory_space<hbm>>) dst(%arg8 : memref<512xi32, #tpu.memory_space<vmem>>)
          tpu.yield
        }) : () -> ()
        %dma_start3A_139 = arith.constant 0 : i32
        %dma_start3A_140 = arith.constant 0 : i32
        %dma_start3A_141 = tpu.memref_slice %arg3[%dma_start3A_139, %dma_start3A_140] : memref<1000000x32xf32, #tpu.memory_space<hbm>> -> memref<1000000x32xf32, #tpu.memory_space<hbm>>
        tpu.enqueue_indirect_dma source(%dma_start3A_141 : memref<1000000x32xf32, #tpu.memory_space<hbm>>) target(%arg12 : memref<512x32xf32, #tpu.memory_space<vmem>>) offsets(%arg8 : memref<512xi32, #tpu.memory_space<vmem>>) semaphore(%arg16 : memref<!tpu.dma_semaphore, #tpu.memory_space<semaphore_mem>>)
      } else {
      }
    }
    %scan3A_26 = arith.constant 50 : i32
    %dma_wait3A = arith.constant 0 : i32
    %dma_wait3A_27 = arith.constant 0 : i32
    %dma_wait3A_28 = tpu.memref_slice %arg4[%dma_wait3A, %dma_wait3A_27] : memref<3276800x32xf32, #tpu.memory_space<hbm>> -> memref<512x32xf32, #tpu.memory_space<hbm>>
    %dma_wait3A_29 = arith.constant 0 : i32
    %dma_wait3A_30 = arith.constant 0 : i32
    %dma_wait3A_31 = tpu.memref_slice %arg4[%dma_wait3A_29, %dma_wait3A_30] : memref<3276800x32xf32, #tpu.memory_space<hbm>> -> memref<512x32xf32, #tpu.memory_space<hbm>>
    tpu.wait_dma2 semaphore(%arg17 : memref<!tpu.dma_semaphore, #tpu.memory_space<semaphore_mem>>) src(%arg9 : memref<512x32xf32, #tpu.memory_space<vmem>>) dst(%dma_wait3A_31 : memref<512x32xf32, #tpu.memory_space<hbm>>)
    %dma_wait3A_32 = arith.constant 0 : i32
    %dma_wait3A_33 = arith.constant 0 : i32
    %dma_wait3A_34 = tpu.memref_slice %arg4[%dma_wait3A_32, %dma_wait3A_33] : memref<3276800x32xf32, #tpu.memory_space<hbm>> -> memref<512x32xf32, #tpu.memory_space<hbm>>
    %dma_wait3A_35 = arith.constant 0 : i32
    %dma_wait3A_36 = arith.constant 0 : i32
    %dma_wait3A_37 = tpu.memref_slice %arg4[%dma_wait3A_35, %dma_wait3A_36] : memref<3276800x32xf32, #tpu.memory_space<hbm>> -> memref<512x32xf32, #tpu.memory_space<hbm>>
    tpu.wait_dma2 semaphore(%arg18 : memref<!tpu.dma_semaphore, #tpu.memory_space<semaphore_mem>>) src(%arg10 : memref<512x32xf32, #tpu.memory_space<vmem>>) dst(%dma_wait3A_37 : memref<512x32xf32, #tpu.memory_space<hbm>>)
    %dma_wait3A_38 = arith.constant 0 : i32
    %dma_wait3A_39 = arith.constant 0 : i32
    %dma_wait3A_40 = tpu.memref_slice %arg4[%dma_wait3A_38, %dma_wait3A_39] : memref<3276800x32xf32, #tpu.memory_space<hbm>> -> memref<512x32xf32, #tpu.memory_space<hbm>>
    %dma_wait3A_41 = arith.constant 0 : i32
    %dma_wait3A_42 = arith.constant 0 : i32
    %dma_wait3A_43 = tpu.memref_slice %arg4[%dma_wait3A_41, %dma_wait3A_42] : memref<3276800x32xf32, #tpu.memory_space<hbm>> -> memref<512x32xf32, #tpu.memory_space<hbm>>
    tpu.wait_dma2 semaphore(%arg19 : memref<!tpu.dma_semaphore, #tpu.memory_space<semaphore_mem>>) src(%arg11 : memref<512x32xf32, #tpu.memory_space<vmem>>) dst(%dma_wait3A_43 : memref<512x32xf32, #tpu.memory_space<hbm>>)
    %dma_wait3A_44 = arith.constant 0 : i32
    %dma_wait3A_45 = arith.constant 0 : i32
    %dma_wait3A_46 = tpu.memref_slice %arg4[%dma_wait3A_44, %dma_wait3A_45] : memref<3276800x32xf32, #tpu.memory_space<hbm>> -> memref<512x32xf32, #tpu.memory_space<hbm>>
    %dma_wait3A_47 = arith.constant 0 : i32
    %dma_wait3A_48 = arith.constant 0 : i32
    %dma_wait3A_49 = tpu.memref_slice %arg4[%dma_wait3A_47, %dma_wait3A_48] : memref<3276800x32xf32, #tpu.memory_space<hbm>> -> memref<512x32xf32, #tpu.memory_space<hbm>>
    tpu.wait_dma2 semaphore(%arg20 : memref<!tpu.dma_semaphore, #tpu.memory_space<semaphore_mem>>) src(%arg12 : memref<512x32xf32, #tpu.memory_space<vmem>>) dst(%dma_wait3A_49 : memref<512x32xf32, #tpu.memory_space<hbm>>)
    return
  }
}

</mosaic_0001>

<sc_bundles>
// kernel: kernel.4.cloned.1.call-start
scs
__scs_entry_jumppad:
0x0: {  	(pc) =	sbr.rel $0x88, $3  }
0x1: {  	(tag) =	ssettag $0x0;
	lr =	simm.s32 $0x1  }
0x2: {  	[smem:$0x3F9F] =	sst lr;
	_ =	strace $0xD0000000  }
0x3: {  	_ = 	snop  }
0x4: {  	_ = 	snop  }
0x5: {  	_ = 	snop  }
0x6: {  	_ = 	snop  }
0x7: {  	_ = 	snop  }
__scs_overlays_trampoline_lowered:
0x8: {  	[smem:$0x3FAE] =	sst s0  }
0x9: {  	[smem:$0x3FAF] =	sst s1  }
0xa: {  	[smem:$0x3FB0] =	sst s2  }
0xb: {  	[smem:$0x3FB1] =	sst s3  }
0xc: {  	[smem:$0x3FB2] =	sst s4  }
0xd: {  	[smem:$0x3FB3] =	sst s5  }
0xe: {  	[smem:$0x3FB4] =	sst s6  }
0xf: {  	[smem:$0x3FB5] =	sst s7  }
0x10: {  	[smem:$0x3FB6] =	sst s8  }
0x11: {  	[smem:$0x3FB7] =	sst s9;
	s0 =	simm.s32 @!p0 $0x0  }
0x12: {  	s1 =	sld [smem:$0x3F9D];
	s0 =	simm.s32 @p0 $0x1  }
0x13: {  	[smem:$0x3FB8] =	sst s0;
	s0 =	simm.s32 @!p1 $0x0  }
0x14: {  	s2 =	sld [smem:$0x3F9C];
	s0 =	simm.s32 @p1 $0x1  }
0x15: {  	[smem:$0x3FB9] =	sst s0;
	s0 =	simm.s32 @!p2 $0x0  }
0x16: {  	s3 =	sld [smem:$0x3FDB];
	s0 =	simm.s32 @p2 $0x1  }
0x17: {  	s4 =	simm.s32 $0x1BF5;
	[smem:$0x3FBB] =	sst s0  }
0x18: {  	s0 =	sld [smem:$0x3F9E];
	_ =	swait.ge [sflag:s4], $0x0  }
0x19: {  	s7 =	sld [smem:$0x3F9F]  }
0x1a: {  	s8 =	sadd.s32 $0xFFFFE003, lr  }
0x1b: {  	s9 =	sadd.s32 $0xFFFFFEF7, lr;
	s5 =	simm.s32 $0xFFFFFFFF;
	p2 =	slt.u32 s8, $0xFFFFF086  }
0x1c: {  	p1 =	slt.u32 s9, $0xF7A;
	s5 =	simm.s32 @!p2 $0x0  }
0x1d: {  	s5 =	simm.s32 @p1 $0x1;
	p0 =	seq.s32 s7, s2  }
0x1e: {  	s7 =	smul.u32 @!p0 $0xF7A, s2;
	p2 =	seq.s32 @!p0 s5, $0x0  }
0x1f: {  	s9 =	smul.u32 $0xF7A, s1;
	s8 =	simm.s32 @!p0 $0x1BF5;
	p2 =	por !p2, p0  }
0x20: {  	[sflag:s8] =	ssyncset.s32 @!p0 $0xFFFFF086;
	s6 =	sadd.s32 @!p0 s3, s7;
	s7 =	simm.s32 @!p0 $0x108  }
0x21: {  	s3 =	sadd.s32 s3, s9;
	s6 =	sadd.s32 @!p0 $0x88, s6;
	s7 =	simm.s32 @p2 $0x1082  }
0x22: {  	[simem:s7], [sflag:s8] =	dma.local @!p0 [hbm:s6], $0xF7A  }
0x23: {  	s9 =	sor.u32 $0xD0000000, s2;
	s6 =	simm.s32 $0x108;
	_ =	swait.ge @!p0 [sflag:s8], $0x0  }
0x24: {  	s3 =	sadd.s32 $0x88, s3;
	s6 =	simm.s32 @!p1 $0x1082;
	[sflag:s4] =	ssyncset.s32 $0xFFFFF086  }
0x25: {  	[simem:s6], [sflag:s4] =	dma.local [hbm:s3], $0xF7A  }
0x26: {  	[smem:$0x3F9F] =	sst s1;
	(tag) =	ssettag s2;
	_ =	strace s9  }
0x27: {  	s1 =	sld [smem:$0x3FAF]  }
0x28: {  	s2 =	sld [smem:$0x3FB0]  }
0x29: {  	s4 =	sld [smem:$0x3FB2]  }
0x2a: {  	p0 =	seq.s32 s5, $0x0;
	s5 =	sld [smem:$0x3FB3]  }
0x2b: {  	s6 =	sld [smem:$0x3FB4]  }
0x2c: {  	s7 =	sld [smem:$0x3FB5]  }
0x2d: {  	s3 =	simm.s32 $0x108;
	s8 =	sld [smem:$0x3FB6]  }
0x2e: {  	s3 =	simm.s32 @!p0 $0x1082;
	s9 =	sld [smem:$0x3FB7]  }
0x2f: {  	lr =	sadd.s32 s0, s3;
	s0 =	sld [smem:$0x3FAE]  }
0x30: {  	s3 =	sld [smem:$0x3FB1]  }
0x31: {  	[smem:$0x3FBA] =	sst s10  }
0x32: {  	s10 =	sld [smem:$0x3FB8];
	_ =	sdelay $0x3  }
0x33: {  	p0 =	seq.s32 s10, $0x1;
	s10 =	sld [smem:$0x3FBA];
	_ =	sdelay $0x3  }
0x34: {  	[smem:$0x3FBA] =	sst s10  }
0x35: {  	s10 =	sld [smem:$0x3FB9];
	_ =	sdelay $0x3  }
0x36: {  	p1 =	seq.s32 s10, $0x1;
	s10 =	sld [smem:$0x3FBA];
	_ =	sdelay $0x3  }
0x37: {  	[smem:$0x3FBA] =	sst s10  }
0x38: {  	s10 =	sld [smem:$0x3FBB]  }
0x39: {  	_ = 	snop;
	(pc) =	sbr.ind lr, $3  }
0x3a: {  	_ = 	snop  }
0x3b: {  	_ = 	snop  }
0x3c: {  	p2 =	seq.s32 s10, $0x1;
	s10 =	sld [smem:$0x3FBA]  }
0x3d: {  	_ =	shalt  }
0x3e: {  	_ =	shalt  }
0x3f: {  	_ =	shalt  }
0x40: {  	_ =	shalt  }
0x41: {  	_ =	shalt  }
0x42: {  	_ =	shalt  }
0x43: {  	_ =	shalt  }
0x44: {  	_ =	shalt  }
0x45: {  	_ =	shalt  }
0x46: {  	_ =	shalt  }
0x47: {  	_ =	shalt  }
0x48: {  	_ =	shalt  }
0x49: {  	_ =	shalt  }
0x4a: {  	_ =	shalt  }
0x4b: {  	_ =	shalt  }
0x4c: {  	_ =	shalt  }
0x4d: {  	_ =	shalt  }
0x4e: {  	_ =	shalt  }
0x4f: {  	_ =	shalt  }
0x50: {  	_ =	shalt  }
0x51: {  	_ =	shalt  }
0x52: {  	_ =	shalt  }
0x53: {  	_ =	shalt  }
0x54: {  	_ =	shalt  }
0x55: {  	_ =	shalt  }
0x56: {  	_ =	shalt  }
0x57: {  	_ =	shalt  }
0x58: {  	_ =	shalt  }
0x59: {  	_ =	shalt  }
0x5a: {  	_ =	shalt  }
0x5b: {  	_ =	shalt  }
0x5c: {  	_ =	shalt  }
0x5d: {  	_ =	shalt  }
0x5e: {  	_ =	shalt  }
0x5f: {  	_ =	shalt  }
0x60: {  	_ =	shalt  }
0x61: {  	_ =	shalt  }
0x62: {  	_ =	shalt  }
0x63: {  	_ =	shalt  }
0x64: {  	_ =	shalt  }
0x65: {  	_ =	shalt  }
0x66: {  	_ =	shalt  }
0x67: {  	_ =	shalt  }
0x68: {  	_ =	shalt  }
0x69: {  	_ =	shalt  }
0x6a: {  	_ =	shalt  }
0x6b: {  	_ =	shalt  }
0x6c: {  	_ =	shalt  }
0x6d: {  	_ =	shalt  }
0x6e: {  	_ =	shalt  }
0x6f: {  	_ =	shalt  }
0x70: {  	_ =	shalt  }
0x71: {  	_ =	shalt  }
0x72: {  	_ =	shalt  }
0x73: {  	_ =	shalt  }
0x74: {  	_ =	shalt  }
0x75: {  	_ =	shalt  }
0x76: {  	_ =	shalt  }
0x77: {  	_ =	shalt  }
0x78: {  	_ =	shalt  }
0x79: {  	_ =	shalt  }
0x7a: {  	_ =	shalt  }
0x7b: {  	_ =	shalt  }
0x7c: {  	_ =	shalt  }
0x7d: {  	_ =	shalt  }
0x7e: {  	_ =	shalt  }
0x7f: {  	_ =	shalt  }
0x80: {  	_ =	shalt  }
0x81: {  	_ =	shalt  }
0x82: {  	_ =	shalt  }
0x83: {  	_ =	shalt  }
0x84: {  	_ =	shalt  }
0x85: {  	_ =	shalt  }
0x86: {  	_ =	shalt  }
0x87: {  	_ =	shalt  }
.Lfunc_end0:
.L_simem_size_0:
called_computation.1_lowered:
.L_overlay_start_0:
0x88: {  	s2 =	sld [smem:$0x3FD9]  }
0x89: {  	s3 =	sld [smem:$0x3FFE];
	_ =	sdelay $0x1  }
0x8a: {  	s1 =	srdreg.scid  }
0x8b: {  	s0 =	sand.u32 $0x1, s1  }
0x8c: {  	s17 =	sshll.u32 s0, $0xA;
	s2 =	sadd.s32 s3, s2  }
0x8d: {  	s2 =	sadd.s32 s2, s17  }
0x8e: {  	[smem:$0x3FC6] =	sst s2  }
0x8f: {  	_ = 	snop  }
0x90: {  	s2 =	sld [smem:$0x3FC8]  }
0x91: {  	s18 =	sld [smem:$0x3FD0];
	(tm) =	ssettm $0x1  }
0x92: {  	s4 =	sld [smem:$0x3FFB];
	_ =	sdelay $0x3  }
0x93: {  	_ =	strace s4  }
0x94: {  	s4 =	sld [smem:$0x3FFC];
	_ =	sdelay $0x3  }
0x95: {  	_ =	strace s4  }
0x96: {  	s4 =	sld [smem:$0x3FFD];
	_ =	sdelay $0x3  }
0x97: {  	_ =	strace s4  }
0x98: {  	_ =	strace $0x8FFFFFFF  }
0x99: {  	s19 =	sld [smem:$0x3FDB];
	_ =	sdelay $0x1  }
0x9a: {  	s5 =	simm.s32 $_scs_section_size  }
0x9b: {  	s6 =	simm.s32 $_size__tile_overlayer_lowered;
	s7 =	simm.s32 $_tile_overlayer_lowered  }
0x9c: {  	s22 =	simm.s32 $0x1BFF;
	s21 =	sshll.u32 s7, $0x1;
	s4 =	sadd.s32 s5, s19  }
0x9d: {  	s8 =	simm.s32 $0x0;
	s20 =	sshll.u32 s6, $0x1;
	s6 =	sadd.s32 s21, s4  }
0x9e: {  	[timem:s8], [sflag:s22] =	dma.local [hbm:s6], s20  }
0x9f: {  	_ =	swait.ge [sflag:s22], s20  }
0xa0: {  	s5 =	ssub.s32 $0x0, s20;
	[sflag:s22] =	ssyncset.done $0x0  }
0xa1: {  	[sflag:s22] =	ssyncadd.s32 s5;
	_ =	sdelay $0x1  }
0xa2: {  	s23 =	simm.s32 $0x1B8B  }
0xa3: {  	_ =	swait.ge [sflag:s23], $0x1  }
0xa4: {  	[sflag:s23] =	ssyncset.done $0x0  }
0xa5: {  	s25 =	simm.s32 $0x1B8E;
	s24 =	sld [smem:$0x3FFE];
	[sflag:s23] =	ssyncadd.s32 $0xFFFFFFFF  }
0xa6: {  	s26 =	simm.s32 $execute0_lowered;
	[smem:$0x3FD2] =	sst s25  }
0xa7: {  	s6 =	sshll.u32 s26, $0x1;
	_ =	strace $0x80000046;
	[dreg:$0x1] =	wrdreg $0xFFFFFFFF  }
0xa8: {  	s28 =	simm.s32 $_size_execute0_lowered;
	s4 =	sadd.s32 s4, s6;
	[dreg:$0x0] =	wrdreg $0x0  }
0xa9: {  	s6 =	sshll.u32 s28, $0x1;
	[dreg:$0x2] =	wrdreg s4  }
0xaa: {  	[dreg:$0x3] =	wrdreg s6  }
0xab: {  	[dreg:$0x4] =	wrdreg $0xC0  }
0xac: {  	_ =	task [dreg:s8], $0x5FFFF  }
0xad: {  	[dreg:$0x1] =	wrdreg $0xFFFFFFFF  }
0xae: {  	[dreg:$0x0] =	wrdreg $0x60  }
0xaf: {  	[dreg:$0x2] =	wrdreg s2  }
0xb0: {  	[dreg:$0x3] =	wrdreg s18  }
0xb1: {  	[dreg:$0x4] =	wrdreg s24  }
0xb2: {  	[dreg:$0x5] =	wrdreg $0x9  }
0xb3: {  	_ =	task.clear_ibuf [dreg:s8], $0x6FFFF;
	_ =	strace $0x90000046  }
0xb4: {  	s29 =	simm.s32 $0x9;
	_ =	strace $0x80000048  }
0xb5: {  	_ =	swait.ge [sflag:s29], $0x1  }
0xb6: {  	[sflag:s29] =	ssyncadd.s32 $0xFFFFFFFF  }
0xb7: {  	_ =	strace $0x90000048  }
0xb8: {  	_ =	sfence  }
0xb9: {  	s30 =	sld [smem:$0x0];
	_ =	sdelay $0x2  }
0xba: {  	s31 =	sshll.u32 s1, $0xD;
	s1 =	sshrl.u32 s1, $0x2  }
0xbb: {  	s3 =	sand.u32 $0x4000, s31;
	s1 =	sadd.s32 s1, s30  }
0xbc: {  	s0 =	sor.u32 s3, s0;
	s1 =	sshll.u32 s1, $0x11  }
0xbd: {  	s0 =	sor.u32 s1, s0  }
0xbe: {  	s0 =	sadd.s32 $0x8F2B, s0  }
0xbf: {  	[sflag:s0] =	ssyncadd.remote.s32 $0x1  }
0xc0: {  	_ =	sfence.sel $0xFFFF  }
0xc1: {  	[dreg:$0x0] =	wrdreg $0xFFFFFFFF;
	(pc) =	sbr.abs _section_cstart, $3  }
0xc2: {  	[dreg:$0x1] =	wrdreg $0xFFFFFFFF  }
0xc3: {  	_ =	task.clear_ibuf [dreg:s8], $0x2FFFF;
	_ =	strace $0x9FFFFFFF  }
0xc4: {  	(tm) =	ssettm $0x7FFFFFFF  }
0xc5: {  	_ =	shalt  }
tec
execute0_lowered:
.L_overlay_start_1:
0x0: {  	(tag) =	ssettag $0x1  }
0x1: {  	s1 =	rddreg [dreg:$0x0]  }
0x2: {  	s0 =	rddreg [dreg:$0x2];
	s4 =	simm.s32 $0x0  }
0x3: {  	s2 =	srdreg.scid;
	s14 =	stileid.u32;
	s21 =	simm.s32 $0xC00  }
0x4: {  	s22 =	simm.s32 $0x1;
	s28 =	simm.s32 $0x2000;
	s29 =	simm.s32 $0x3080  }
0x5: {  	s30 =	simm.s32 $0x2;
	s31 =	simm.s32 $0x4080;
	s20 =	simm.s32 $0x0  }
0x6: {  	[smem:$0x7FF] =	sst s4;
	s2 =	sand.u32 $0x1, s2;
	s3 =	sshll.u32 s14, $0x1  }
0x7: {  	s23 =	sadd.s32 $0xE00, s0;
	s17 =	sadd.s32 $0x3D1600, s0;
	p1 =	sgt.u32 s14, $0x1  }
0x8: {  	s0 =	simm.s32 $0x3;
	s6 =	ssub.s32 $0x2, s2;
	s2 =	sor.u32 s2, s3  }
0x9: {  	_ =	strace $0x80000047;
	s7 =	sshrl.u32 s6, $0x1;
	s5 =	sshll.u32 s2, $0xA  }
0xa: {  	s24 =	sshll.u32 s2, $0x7;
	s13 =	sor.u32 $0x1E80, s2;
	s12 =	sshll.u32 s2, $0x9  }
0xb: {  	p0 =	sne.s32 s2, $0x4;
	s2 =	simm.s32 $0x5;
	s10 =	ssub.s32 s6, s7  }
0xc: {  	s25 =	sshrl.u32 s5, $0x3;
	s6 =	sadd.s32 s1, s24;
	s11 =	sshll.u32 s13, $0x7  }
0xd: {  	s12 =	sadd.s32 s23, s12;
	s13 =	sshll.u32 s13, $0x9;
	s24 =	simm.s32 $0x1400  }
0xe: {  	s9 =	sadd.s32 s1, s25;
	s15 =	sadd.s32 s1, s11;
	s11 =	sor.u32 $0x10000, s5  }
0xf: {  	s3 =	sadd.s32 s23, s13;
	s18 =	smax.u32 s10, $0x1;
	s23 =	simm.s32 $0x1000  }
.Ltmp0:
0x10: {  	s25 =	simm.s32 $0x1800;
	[dreg:$0x4] =	wrdreg s15;
	(pc) =	sbr.rel .LBB2_1-.Ltmp0, $4  }
0x11: {  	s7 =	sadd.s32 $0xF4280, s9;
	s16 =	sadd.s32 $0x1E8500, s15;
	[dreg:$0x8] =	wrdreg s3  }
0x12: {  	v0 =	vlaneseq.u32;
	s8 =	sadd.s32 $0x1E8500, s9;
	s26 =	sadd.s32 $0xF4280, s15;
	[dreg:$0x5] =	wrdreg s16  }
0x13: {  	v0 =	vmul.u32 $0x21, v0;
	s9 =	sadd.s32 $0x2DC780, s9;
	s15 =	sadd.s32 $0x2DC780, s15;
	[dreg:$0x6] =	wrdreg s26  }
0x14: {  	s3 =	simm.s32 $0x4;
	[dreg:$0x7] =	wrdreg s15;
	s26 =	simm.s32 $0x1C00  }
.LBB2_17:
0x15: {  	s10 =	simm.s32 @!p0 $0x0;
	s13 =	simm.s32 @!p0 $0x3080;
	s14 =	rddreg [dreg:$0x1]  }
0x16: {  	[tilespmem:s13], [sflag:$0x5] =	stream.linear.gather @!p0 [hbm4b:s14+s10], $0x800, $0x38;
	[tilespmem:$0x5080] =	vst v63  }
0x17: {  	s14 =	simm.s32 @!p0 $0x5  }
0x18: {  	s20 =	sadd.s32 $0x1, s20;
	_ =	swait.ge @!p0 [sflag:s14], $0x800  }
0x19: {  	p2 =	sne.s32 s20, s18;
	[sflag:s14] =	ssyncset.done @!p0 $0x0  }
.Ltmp1:
0x1a: {  	[sflag:s14] =	ssyncadd.s32 @!p0 $0xFFFFF800;
	(pc) =	sbr.rel @!p2 .LBB2_18-.Ltmp1, $4  }
0x1b: {  	[hbm4b:s17+s10] =	stream.linear.scatter @!p0 [tilespmem:s13], [sflag:$0x5], $0x800, $0x38;
	[tilespmem:$0x5080] =	vst v63  }
0x1c: {  	_ =	swait.ge @!p0 [sflag:s14], $0x800  }
0x1d: {  	[sflag:s14] =	ssyncset.done @!p0 $0x0  }
0x1e: {  	[sflag:s14] =	ssyncadd.s32 @!p0 $0xFFFFF800  }
.LBB2_1:
0x1f: {  	[tilespmem:s4], [sflag:$0x1] =	stream.linear.gather [hbm4b:s6+s4], $0x400, $0x38;
	[tilespmem:$0x5080] =	vst v63  }
0x20: {  	s10 =	simm.s32 $0x400  }
0x21: {  	[tilespmem:s10], [sflag:$0x1] =	stream.linear.gather [hbm4b:s7+s4], $0x400, $0x38;
	[tilespmem:$0x5080] =	vst v63  }
0x22: {  	s19 =	simm.s32 $0x800  }
0x23: {  	[tilespmem:s19], [sflag:$0x1] =	stream.linear.gather [hbm4b:s8+s4], $0x400, $0x38;
	[tilespmem:$0x5080] =	vst v63  }
0x24: {  	s13 =	simm.s32 $0x0  }
0x25: {  	[tilespmem:s21], [sflag:$0x1] =	stream.linear.gather [hbm4b:s9+s4], $0x400, $0x38;
	[tilespmem:$0x5080] =	vst v63  }
.LBB2_2:
0x26: {  	s14 =	sshllo.u32 s13, $0x1  }
0x27: {  	s10 =	sshll.u32 s14, $0xF  }
0x28: {  	_ =	swait.ge [sflag:s22], $0x1000;
	s10 =	sor.u32 s5, s10  }
0x29: {  	[sflag:s22] =	ssyncset.done $0x0;
	s10 =	sshrl.u32 s10, $0x3  }
0x2a: {  	[sflag:s22] =	ssyncadd.s32 $0xFFFFF000;
	s10 =	sadd.s32 s1, s10  }
0x2b: {  	[tilespmem:s23], [sflag:$0x2] =	stream.linear.gather [hbm4b:s10+s4], $0x400, $0x38;
	[tilespmem:$0x5080] =	vst v63  }
0x2c: {  	s15 =	sadd.s32 $0xF4280, s10  }
0x2d: {  	[tilespmem:s24], [sflag:$0x2] =	stream.linear.gather [hbm4b:s15+s4], $0x400, $0x38;
	[tilespmem:$0x5080] =	vst v63  }
0x2e: {  	s19 =	sadd.s32 $0x1E8500, s10  }
0x2f: {  	[tilespmem:s25], [sflag:$0x2] =	stream.linear.gather [hbm4b:s19+s4], $0x400, $0x38;
	[tilespmem:$0x5080] =	vst v63  }
0x30: {  	p2 =	seq.s32 s13, $0x0;
	s10 =	sadd.s32 $0x2DC780, s10  }
0x31: {  	[tilespmem:s26], [sflag:$0x2] =	stream.linear.gather [hbm4b:s10+s4], $0x400, $0x38;
	[tilespmem:$0x5080] =	vst v63  }
0x32: {  	s10 =	simm.s32 @!p2 $0x3  }
0x33: {  	_ =	swait.ge @!p2 [sflag:s10], $0x1000  }
0x34: {  	s16 =	simm.s32 $0x800;
	s15 =	simm.s32 $0x1F;
	[sflag:s10] =	ssyncset.done @!p2 $0x0  }
0x35: {  	s19 =	simm.s32 $0x0;
	[sflag:s10] =	ssyncadd.s32 @!p2 $0xFFFFF000;
	s10 =	simm.s32 $0x22F  }
.LBB2_3:
0x36: {  	p2 =	sne.s32 s10, $0xE8F;
	v1 =	vld [tilespmem:s16+$0xFFFFF800];
	v2 =	vadd.s32 s19, v0;
	_ =	sdelay $0x4  }
0x37: {  	s19 =	sadd.s32 $0xFFFFFFE2, s15;
	[tilespmem:v2+s28+$0x0] =	vst.idx.msk $0xffff, v1  }
0x38: {  	v2 =	vadd.s32 s19, v0;
	v1 =	vld [tilespmem:s16+$0xFFFFF880];
	_ =	sdelay $0x4  }
0x39: {  	s19 =	sadd.s32 $0xFFFFFFE3, s15;
	[tilespmem:v2+s28+$0x0] =	vst.idx.msk $0xffff, v1  }
0x3a: {  	v2 =	vadd.s32 s19, v0;
	v1 =	vld [tilespmem:s16+$0xFFFFF900];
	_ =	sdelay $0x4  }
0x3b: {  	s19 =	sadd.s32 $0xFFFFFFE4, s15;
	[tilespmem:v2+s28+$0x0] =	vst.idx.msk $0xffff, v1  }
0x3c: {  	v2 =	vadd.s32 s19, v0;
	v1 =	vld [tilespmem:s16+$0xFFFFF980];
	_ =	sdelay $0x4  }
0x3d: {  	s19 =	sadd.s32 $0xFFFFFFE5, s15;
	[tilespmem:v2+s28+$0x0] =	vst.idx.msk $0xffff, v1  }
0x3e: {  	v2 =	vadd.s32 s19, v0;
	v1 =	vld [tilespmem:s16+$0xFFFFFA00];
	_ =	sdelay $0x4  }
0x3f: {  	s19 =	sadd.s32 $0xFFFFFFE6, s15;
	[tilespmem:v2+s28+$0x0] =	vst.idx.msk $0xffff, v1  }
0x40: {  	v2 =	vadd.s32 s19, v0;
	v1 =	vld [tilespmem:s16+$0xFFFFFA80];
	_ =	sdelay $0x4  }
0x41: {  	s19 =	sadd.s32 $0xFFFFFFE7, s15;
	[tilespmem:v2+s28+$0x0] =	vst.idx.msk $0xffff, v1  }
0x42: {  	v2 =	vadd.s32 s19, v0;
	v1 =	vld [tilespmem:s16+$0xFFFFFB00];
	_ =	sdelay $0x4  }
0x43: {  	s19 =	sadd.s32 $0xFFFFFFE8, s15;
	[tilespmem:v2+s28+$0x0] =	vst.idx.msk $0xffff, v1  }
0x44: {  	v2 =	vadd.s32 s19, v0;
	v1 =	vld [tilespmem:s16+$0xFFFFFB80];
	_ =	sdelay $0x4  }
0x45: {  	s19 =	sadd.s32 $0xFFFFFFE9, s15;
	[tilespmem:v2+s28+$0x0] =	vst.idx.msk $0xffff, v1  }
0x46: {  	v2 =	vadd.s32 s19, v0;
	v1 =	vld [tilespmem:s16+$0xFFFFFC00];
	_ =	sdelay $0x4  }
0x47: {  	s19 =	sadd.s32 $0xFFFFFFEA, s15;
	[tilespmem:v2+s28+$0x0] =	vst.idx.msk $0xffff, v1  }
0x48: {  	v2 =	vadd.s32 s19, v0;
	v1 =	vld [tilespmem:s16+$0xFFFFFC80];
	_ =	sdelay $0x4  }
0x49: {  	s19 =	sadd.s32 $0xFFFFFFEB, s15;
	[tilespmem:v2+s28+$0x0] =	vst.idx.msk $0xffff, v1  }
0x4a: {  	v2 =	vadd.s32 s19, v0;
	v1 =	vld [tilespmem:s16+$0xFFFFFD00];
	_ =	sdelay $0x4  }
0x4b: {  	s19 =	sadd.s32 $0xFFFFFFEC, s15;
	[tilespmem:v2+s28+$0x0] =	vst.idx.msk $0xffff, v1  }
0x4c: {  	v2 =	vadd.s32 s19, v0;
	v1 =	vld [tilespmem:s16+$0xFFFFFD80];
	_ =	sdelay $0x4  }
0x4d: {  	s19 =	sadd.s32 $0xFFFFFFED, s15;
	[tilespmem:v2+s28+$0x0] =	vst.idx.msk $0xffff, v1  }
0x4e: {  	v2 =	vadd.s32 s19, v0;
	v1 =	vld [tilespmem:s16+$0xFFFFFE00];
	_ =	sdelay $0x4  }
0x4f: {  	s19 =	sadd.s32 $0xFFFFFFEE, s15;
	[tilespmem:v2+s28+$0x0] =	vst.idx.msk $0xffff, v1  }
0x50: {  	v2 =	vadd.s32 s19, v0;
	v1 =	vld [tilespmem:s16+$0xFFFFFE80];
	_ =	sdelay $0x4  }
0x51: {  	s19 =	sadd.s32 $0xFFFFFFEF, s15;
	[tilespmem:v2+s28+$0x0] =	vst.idx.msk $0xffff, v1  }
0x52: {  	v2 =	vadd.s32 s19, v0;
	v1 =	vld [tilespmem:s16+$0xFFFFFF00];
	_ =	sdelay $0x4  }
0x53: {  	s19 =	sadd.s32 $0xFFFFFFF0, s15;
	[tilespmem:v2+s28+$0x0] =	vst.idx.msk $0xffff, v1  }
0x54: {  	v2 =	vadd.s32 s19, v0;
	v1 =	vld [tilespmem:s16+$0xFFFFFF80];
	_ =	sdelay $0x4  }
0x55: {  	s19 =	sadd.s32 $0xFFFFFFF1, s15;
	[tilespmem:v2+s28+$0x0] =	vst.idx.msk $0xffff, v1  }
0x56: {  	v2 =	vadd.s32 s19, v0;
	v1 =	vld [tilespmem:s16+$0x0];
	_ =	sdelay $0x4  }
0x57: {  	s19 =	sadd.s32 $0xFFFFFFF2, s15;
	[tilespmem:v2+s28+$0x0] =	vst.idx.msk $0xffff, v1  }
0x58: {  	v2 =	vadd.s32 s19, v0;
	v1 =	vld [tilespmem:s16+$0x80];
	_ =	sdelay $0x4  }
0x59: {  	s19 =	sadd.s32 $0xFFFFFFF3, s15;
	[tilespmem:v2+s28+$0x0] =	vst.idx.msk $0xffff, v1  }
0x5a: {  	v2 =	vadd.s32 s19, v0;
	v1 =	vld [tilespmem:s16+$0x100];
	_ =	sdelay $0x4  }
0x5b: {  	s19 =	sadd.s32 $0xFFFFFFF4, s15;
	[tilespmem:v2+s28+$0x0] =	vst.idx.msk $0xffff, v1  }
0x5c: {  	v2 =	vadd.s32 s19, v0;
	v1 =	vld [tilespmem:s16+$0x180];
	_ =	sdelay $0x4  }
0x5d: {  	s19 =	sadd.s32 $0xFFFFFFF5, s15;
	[tilespmem:v2+s28+$0x0] =	vst.idx.msk $0xffff, v1  }
0x5e: {  	v2 =	vadd.s32 s19, v0;
	v1 =	vld [tilespmem:s16+$0x200];
	_ =	sdelay $0x4  }
0x5f: {  	s19 =	sadd.s32 $0xFFFFFFF6, s15;
	[tilespmem:v2+s28+$0x0] =	vst.idx.msk $0xffff, v1  }
0x60: {  	v2 =	vadd.s32 s19, v0;
	v1 =	vld [tilespmem:s16+$0x280];
	_ =	sdelay $0x4  }
0x61: {  	s19 =	sadd.s32 $0xFFFFFFF7, s15;
	[tilespmem:v2+s28+$0x0] =	vst.idx.msk $0xffff, v1  }
0x62: {  	v2 =	vadd.s32 s19, v0;
	v1 =	vld [tilespmem:s16+$0x300];
	_ =	sdelay $0x4  }
0x63: {  	s19 =	sadd.s32 $0xFFFFFFF8, s15;
	[tilespmem:v2+s28+$0x0] =	vst.idx.msk $0xffff, v1  }
0x64: {  	v2 =	vadd.s32 s19, v0;
	v1 =	vld [tilespmem:s16+$0x380];
	_ =	sdelay $0x4  }
0x65: {  	s19 =	sadd.s32 $0xFFFFFFF9, s15;
	[tilespmem:v2+s28+$0x0] =	vst.idx.msk $0xffff, v1  }
0x66: {  	v2 =	vadd.s32 s19, v0;
	v1 =	vld [tilespmem:s16+$0x400];
	_ =	sdelay $0x4  }
0x67: {  	s19 =	sadd.s32 $0xFFFFFFFA, s15;
	[tilespmem:v2+s28+$0x0] =	vst.idx.msk $0xffff, v1  }
0x68: {  	v2 =	vadd.s32 s19, v0;
	v1 =	vld [tilespmem:s16+$0x480];
	_ =	sdelay $0x4  }
0x69: {  	s19 =	sadd.s32 $0xFFFFFFFB, s15;
	[tilespmem:v2+s28+$0x0] =	vst.idx.msk $0xffff, v1  }
0x6a: {  	v2 =	vadd.s32 s19, v0;
	v1 =	vld [tilespmem:s16+$0x500];
	_ =	sdelay $0x4  }
0x6b: {  	s19 =	sadd.s32 $0xFFFFFFFC, s15;
	[tilespmem:v2+s28+$0x0] =	vst.idx.msk $0xffff, v1  }
0x6c: {  	v2 =	vadd.s32 s19, v0;
	v1 =	vld [tilespmem:s16+$0x580];
	_ =	sdelay $0x4  }
0x6d: {  	s19 =	sadd.s32 $0xFFFFFFFD, s15;
	[tilespmem:v2+s28+$0x0] =	vst.idx.msk $0xffff, v1  }
0x6e: {  	v2 =	vadd.s32 s19, v0;
	v1 =	vld [tilespmem:s16+$0x600];
	_ =	sdelay $0x4  }
0x6f: {  	s19 =	sadd.s32 $0xFFFFFFFE, s15;
	[tilespmem:v2+s28+$0x0] =	vst.idx.msk $0xffff, v1  }
0x70: {  	v2 =	vadd.s32 s19, v0;
	v1 =	vld [tilespmem:s16+$0x680];
	_ =	sdelay $0x4  }
0x71: {  	s19 =	sadd.s32 $0xFFFFFFFF, s15;
	[tilespmem:v2+s28+$0x0] =	vst.idx.msk $0xffff, v1  }
0x72: {  	v2 =	vadd.s32 s19, v0;
	v1 =	vld [tilespmem:s16+$0x700];
	_ =	sdelay $0x4  }
0x73: {  	[tilespmem:v2+s28+$0x0] =	vst.idx.msk $0xffff, v1  }
0x74: {  	v2 =	vadd.s32 s15, v0;
	s15 =	smov.u32 s10;
	v1 =	vld [tilespmem:s16+$0x780]  }
.Ltmp2:
0x75: {  	(pc) =	sbr.rel @p2 .LBB2_3-.Ltmp2, $2  }
0x76: {  	_ =	sdelay $0x2  }
0x77: {  	s10 =	sadd.s32 $0x210, s10;
	s19 =	sadd.s32 $0xFFFFFFE1, s15;
	s16 =	sadd.s32 $0x10, s16;
	[tilespmem:v2+s28+$0x0] =	vst.idx.msk $0xffff, v1  }
0x78: {  	v1 =	vld [tilespmem:s16+$0xFFFFF800];
	v2 =	vadd.s32 s19, v0;
	_ =	sdelay $0x4  }
0x79: {  	s10 =	sadd.s32 $0xFFFFFFE2, s15;
	[tilespmem:v2+s28+$0x0] =	vst.idx.msk $0xffff, v1  }
0x7a: {  	v2 =	vadd.s32 s10, v0;
	v1 =	vld [tilespmem:s16+$0xFFFFF880];
	_ =	sdelay $0x4  }
0x7b: {  	s19 =	sadd.s32 $0xFFFFFFE3, s15;
	[tilespmem:v2+s28+$0x0] =	vst.idx.msk $0xffff, v1  }
0x7c: {  	v2 =	vadd.s32 s19, v0;
	v1 =	vld [tilespmem:s16+$0xFFFFF900];
	_ =	sdelay $0x4  }
0x7d: {  	s19 =	sadd.s32 $0xFFFFFFE4, s15;
	[tilespmem:v2+s28+$0x0] =	vst.idx.msk $0xffff, v1  }
0x7e: {  	v2 =	vadd.s32 s19, v0;
	v1 =	vld [tilespmem:s16+$0xFFFFF980];
	_ =	sdelay $0x4  }
0x7f: {  	s19 =	sadd.s32 $0xFFFFFFE5, s15;
	[tilespmem:v2+s28+$0x0] =	vst.idx.msk $0xffff, v1  }
0x80: {  	v2 =	vadd.s32 s19, v0;
	v1 =	vld [tilespmem:s16+$0xFFFFFA00];
	_ =	sdelay $0x4  }
0x81: {  	s19 =	sadd.s32 $0xFFFFFFE6, s15;
	[tilespmem:v2+s28+$0x0] =	vst.idx.msk $0xffff, v1  }
0x82: {  	v2 =	vadd.s32 s19, v0;
	v1 =	vld [tilespmem:s16+$0xFFFFFA80];
	_ =	sdelay $0x4  }
0x83: {  	s19 =	sadd.s32 $0xFFFFFFE7, s15;
	[tilespmem:v2+s28+$0x0] =	vst.idx.msk $0xffff, v1  }
0x84: {  	v2 =	vadd.s32 s19, v0;
	v1 =	vld [tilespmem:s16+$0xFFFFFB00];
	_ =	sdelay $0x4  }
0x85: {  	s19 =	sadd.s32 $0xFFFFFFE8, s15;
	[tilespmem:v2+s28+$0x0] =	vst.idx.msk $0xffff, v1  }
0x86: {  	v2 =	vadd.s32 s19, v0;
	v1 =	vld [tilespmem:s16+$0xFFFFFB80];
	_ =	sdelay $0x4  }
0x87: {  	s19 =	sadd.s32 $0xFFFFFFE9, s15;
	[tilespmem:v2+s28+$0x0] =	vst.idx.msk $0xffff, v1  }
0x88: {  	v2 =	vadd.s32 s19, v0;
	v1 =	vld [tilespmem:s16+$0xFFFFFC00];
	_ =	sdelay $0x4  }
0x89: {  	s19 =	sadd.s32 $0xFFFFFFEA, s15;
	[tilespmem:v2+s28+$0x0] =	vst.idx.msk $0xffff, v1  }
0x8a: {  	v2 =	vadd.s32 s19, v0;
	v1 =	vld [tilespmem:s16+$0xFFFFFC80];
	_ =	sdelay $0x4  }
0x8b: {  	s19 =	sadd.s32 $0xFFFFFFEB, s15;
	[tilespmem:v2+s28+$0x0] =	vst.idx.msk $0xffff, v1  }
0x8c: {  	v2 =	vadd.s32 s19, v0;
	v1 =	vld [tilespmem:s16+$0xFFFFFD00];
	_ =	sdelay $0x4  }
0x8d: {  	s19 =	sadd.s32 $0xFFFFFFEC, s15;
	[tilespmem:v2+s28+$0x0] =	vst.idx.msk $0xffff, v1  }
0x8e: {  	v2 =	vadd.s32 s19, v0;
	v1 =	vld [tilespmem:s16+$0xFFFFFD80];
	_ =	sdelay $0x4  }
0x8f: {  	s19 =	sadd.s32 $0xFFFFFFED, s15;
	[tilespmem:v2+s28+$0x0] =	vst.idx.msk $0xffff, v1  }
0x90: {  	v2 =	vadd.s32 s19, v0;
	v1 =	vld [tilespmem:s16+$0xFFFFFE00];
	_ =	sdelay $0x4  }
0x91: {  	s19 =	sadd.s32 $0xFFFFFFEE, s15;
	[tilespmem:v2+s28+$0x0] =	vst.idx.msk $0xffff, v1  }
0x92: {  	v2 =	vadd.s32 s19, v0;
	v1 =	vld [tilespmem:s16+$0xFFFFFE80];
	_ =	sdelay $0x4  }
0x93: {  	s19 =	sadd.s32 $0xFFFFFFEF, s15;
	[tilespmem:v2+s28+$0x0] =	vst.idx.msk $0xffff, v1  }
0x94: {  	v2 =	vadd.s32 s19, v0;
	v1 =	vld [tilespmem:s16+$0xFFFFFF00];
	_ =	sdelay $0x4  }
0x95: {  	s19 =	sadd.s32 $0xFFFFFFF0, s15;
	[tilespmem:v2+s28+$0x0] =	vst.idx.msk $0xffff, v1  }
0x96: {  	v2 =	vadd.s32 s19, v0;
	v1 =	vld [tilespmem:s16+$0xFFFFFF80];
	_ =	sdelay $0x4  }
0x97: {  	s19 =	sadd.s32 $0xFFFFFFF1, s15;
	[tilespmem:v2+s28+$0x0] =	vst.idx.msk $0xffff, v1  }
0x98: {  	v2 =	vadd.s32 s19, v0;
	v1 =	vld [tilespmem:s16+$0x0];
	_ =	sdelay $0x4  }
0x99: {  	s19 =	sadd.s32 $0xFFFFFFF2, s15;
	[tilespmem:v2+s28+$0x0] =	vst.idx.msk $0xffff, v1  }
0x9a: {  	v2 =	vadd.s32 s19, v0;
	v1 =	vld [tilespmem:s16+$0x80];
	_ =	sdelay $0x4  }
0x9b: {  	s19 =	sadd.s32 $0xFFFFFFF3, s15;
	[tilespmem:v2+s28+$0x0] =	vst.idx.msk $0xffff, v1  }
0x9c: {  	v2 =	vadd.s32 s19, v0;
	v1 =	vld [tilespmem:s16+$0x100];
	_ =	sdelay $0x4  }
0x9d: {  	s19 =	sadd.s32 $0xFFFFFFF4, s15;
	[tilespmem:v2+s28+$0x0] =	vst.idx.msk $0xffff, v1  }
0x9e: {  	v2 =	vadd.s32 s19, v0;
	v1 =	vld [tilespmem:s16+$0x180];
	_ =	sdelay $0x4  }
0x9f: {  	s19 =	sadd.s32 $0xFFFFFFF5, s15;
	[tilespmem:v2+s28+$0x0] =	vst.idx.msk $0xffff, v1  }
0xa0: {  	v2 =	vadd.s32 s19, v0;
	v1 =	vld [tilespmem:s16+$0x200];
	_ =	sdelay $0x4  }
0xa1: {  	s19 =	sadd.s32 $0xFFFFFFF6, s15;
	[tilespmem:v2+s28+$0x0] =	vst.idx.msk $0xffff, v1  }
0xa2: {  	v2 =	vadd.s32 s19, v0;
	v1 =	vld [tilespmem:s16+$0x280];
	_ =	sdelay $0x4  }
0xa3: {  	s19 =	sadd.s32 $0xFFFFFFF7, s15;
	[tilespmem:v2+s28+$0x0] =	vst.idx.msk $0xffff, v1  }
0xa4: {  	v2 =	vadd.s32 s19, v0;
	v1 =	vld [tilespmem:s16+$0x300];
	_ =	sdelay $0x4  }
0xa5: {  	s19 =	sadd.s32 $0xFFFFFFF8, s15;
	[tilespmem:v2+s28+$0x0] =	vst.idx.msk $0xffff, v1  }
0xa6: {  	v2 =	vadd.s32 s19, v0;
	v1 =	vld [tilespmem:s16+$0x380];
	_ =	sdelay $0x4  }
0xa7: {  	s19 =	sadd.s32 $0xFFFFFFF9, s15;
	[tilespmem:v2+s28+$0x0] =	vst.idx.msk $0xffff, v1  }
0xa8: {  	v2 =	vadd.s32 s19, v0;
	v1 =	vld [tilespmem:s16+$0x400];
	_ =	sdelay $0x4  }
0xa9: {  	s19 =	sadd.s32 $0xFFFFFFFA, s15;
	[tilespmem:v2+s28+$0x0] =	vst.idx.msk $0xffff, v1  }
0xaa: {  	v2 =	vadd.s32 s19, v0;
	v1 =	vld [tilespmem:s16+$0x480];
	_ =	sdelay $0x4  }
0xab: {  	s19 =	sadd.s32 $0xFFFFFFFB, s15;
	[tilespmem:v2+s28+$0x0] =	vst.idx.msk $0xffff, v1  }
0xac: {  	v2 =	vadd.s32 s19, v0;
	v1 =	vld [tilespmem:s16+$0x500];
	_ =	sdelay $0x4  }
0xad: {  	s19 =	sadd.s32 $0xFFFFFFFC, s15;
	[tilespmem:v2+s28+$0x0] =	vst.idx.msk $0xffff, v1  }
0xae: {  	v2 =	vadd.s32 s19, v0;
	v1 =	vld [tilespmem:s16+$0x580];
	_ =	sdelay $0x4  }
0xaf: {  	s19 =	sadd.s32 $0xFFFFFFFD, s15;
	[tilespmem:v2+s28+$0x0] =	vst.idx.msk $0xffff, v1  }
0xb0: {  	v2 =	vadd.s32 s19, v0;
	v1 =	vld [tilespmem:s16+$0x600];
	_ =	sdelay $0x4  }
0xb1: {  	s19 =	sadd.s32 $0xFFFFFFFE, s15;
	[tilespmem:v2+s28+$0x0] =	vst.idx.msk $0xffff, v1  }
0xb2: {  	v2 =	vadd.s32 s19, v0;
	v1 =	vld [tilespmem:s16+$0x680];
	_ =	sdelay $0x4  }
0xb3: {  	s19 =	sadd.s32 $0xFFFFFFFF, s15;
	[tilespmem:v2+s28+$0x0] =	vst.idx.msk $0xffff, v1  }
0xb4: {  	v2 =	vadd.s32 s19, v0;
	v1 =	vld [tilespmem:s16+$0x700];
	_ =	sdelay $0x4  }
0xb5: {  	[tilespmem:v2+s28+$0x0] =	vst.idx.msk $0xffff, v1  }
0xb6: {  	v2 =	vadd.s32 s15, v0;
	v1 =	vld [tilespmem:s16+$0x780];
	_ =	sdelay $0x4  }
0xb7: {  	s19 =	simm.s32 $0x0;
	[tilespmem:v2+s28+$0x0] =	vst.idx.msk $0xffff, v1  }
0xb8: {  	v1 =	vld [tilespmem:s19+$0x2000];
	_ =	sdelay $0x3  }
0xb9: {  	s10 =	simm.s32 $0x30A0  }
0xba: {  	[tilespmem:s10+$0xFFFFFFE0] =	vst v1  }
0xbb: {  	v1 =	vld [tilespmem:s19+$0x2010];
	_ =	sdelay $0x4  }
0xbc: {  	[tilespmem:s10+$0xFFFFFFF0] =	vst v1  }
0xbd: {  	v1 =	vld [tilespmem:s19+$0x2021];
	_ =	sdelay $0x4  }
0xbe: {  	[tilespmem:s10+$0x0] =	vst v1  }
0xbf: {  	v1 =	vld [tilespmem:s19+$0x2031];
	_ =	sdelay $0x4  }
0xc0: {  	s15 =	simm.s32 $0x42;
	s16 =	simm.s32 $0x210;
	[tilespmem:s10+$0x10] =	vst v1  }
.LBB2_5:
0xc1: {  	p2 =	sne.s32 s16, $0x40F8;
	v1 =	vld [tilespmem:s15+$0x2000];
	_ =	sdelay $0x3  }
0xc2: {  	s10 =	sadd.s32 $0x40, s10  }
0xc3: {  	[tilespmem:s10+$0xFFFFFFE0] =	vst v1  }
0xc4: {  	v1 =	vld [tilespmem:s15+$0x2010];
	_ =	sdelay $0x4  }
0xc5: {  	[tilespmem:s10+$0xFFFFFFF0] =	vst v1  }
0xc6: {  	v1 =	vld [tilespmem:s15+$0x2021];
	_ =	sdelay $0x4  }
0xc7: {  	[tilespmem:s10+$0x0] =	vst v1  }
0xc8: {  	v1 =	vld [tilespmem:s15+$0x2031]  }
.Ltmp3:
0xc9: {  	(pc) =	sbr.rel @p2 .LBB2_5-.Ltmp3, $2  }
0xca: {  	_ =	sdelay $0x2  }
0xcb: {  	s15 =	sshra.s32 s16, $0x2;
	s16 =	sadd.s32 $0x108, s16;
	[tilespmem:s10+$0x10] =	vst v1  }
0xcc: {  	v1 =	vld [tilespmem:s15+$0x2000];
	_ =	sdelay $0x3  }
0xcd: {  	s10 =	sadd.s32 $0x40, s10  }
0xce: {  	[tilespmem:s10+$0xFFFFFFE0] =	vst v1  }
0xcf: {  	v1 =	vld [tilespmem:s15+$0x2010];
	_ =	sdelay $0x4  }
0xd0: {  	[tilespmem:s10+$0xFFFFFFF0] =	vst v1  }
0xd1: {  	v1 =	vld [tilespmem:s15+$0x2021];
	_ =	sdelay $0x4  }
0xd2: {  	[tilespmem:s10+$0x0] =	vst v1  }
0xd3: {  	v1 =	vld [tilespmem:s15+$0x2031];
	_ =	sdelay $0x3  }
0xd4: {  	s16 =	sshll.u32 s13, $0xF;
	p2 =	seq.s32 s13, $0x79  }
0xd5: {  	s19 =	sadd.s32 s16, s12;
	[tilespmem:s10+$0x10] =	vst v1;
	s10 =	sshll.u32 @!p2 s13, $0x10  }
0xd6: {  	[hbm4b:s19+s4] =	stream.linear.scatter [tilespmem:s29], [sflag:$0x3], $0x1000, $0x38;
	[tilespmem:$0x5080] =	vst v63  }
0xd7: {  	s10 =	sadd.s32 @!p2 s11, s10;
	_ =	swait.ge [sflag:s30], $0x1000  }
0xd8: {  	s10 =	sshrl.u32 @!p2 s10, $0x3;
	[sflag:s30] =	ssyncset.done $0x0  }
0xd9: {  	s15 =	simm.s32 @!p2 $0x0;
	s10 =	sadd.s32 @!p2 s1, s10;
	[sflag:s30] =	ssyncadd.s32 $0xFFFFF000  }
0xda: {  	[tilespmem:s15], [sflag:$0x1] =	stream.linear.gather @!p2 [hbm4b:s10+s15], $0x400, $0x38;
	[tilespmem:$0x5080] =	vst v63  }
0xdb: {  	s19 =	simm.s32 @!p2 $0x400;
	s16 =	sadd.s32 @!p2 $0xF4280, s10  }
0xdc: {  	[tilespmem:s19], [sflag:$0x1] =	stream.linear.gather @!p2 [hbm4b:s16+s15], $0x400, $0x38;
	[tilespmem:$0x5080] =	vst v63  }
0xdd: {  	s16 =	sadd.s32 @!p2 $0x1E8500, s10;
	s19 =	simm.s32 @!p2 $0x800  }
0xde: {  	[tilespmem:s19], [sflag:$0x1] =	stream.linear.gather @!p2 [hbm4b:s16+s15], $0x400, $0x38;
	[tilespmem:$0x5080] =	vst v63  }
0xdf: {  	p3 =	seq.s32 @!p2 s13, $0x0;
	s10 =	sadd.s32 @!p2 $0x2DC780, s10;
	s16 =	simm.s32 @!p2 $0xC00  }
0xe0: {  	[tilespmem:s16], [sflag:$0x1] =	stream.linear.gather @!p2 [hbm4b:s10+s15], $0x400, $0x38;
	[tilespmem:$0x5080] =	vst v63  }
0xe1: {  	p2 =	por p2, !p3  }
0xe2: {  	_ =	swait.ge @p2 [sflag:s3], $0x1000  }
0xe3: {  	s19 =	simm.s32 $0x0;
	s15 =	simm.s32 $0x1F;
	[sflag:s3] =	ssyncset.done @p2 $0x0  }
0xe4: {  	s16 =	simm.s32 $0x1800;
	s10 =	simm.s32 $0x22F;
	[sflag:s3] =	ssyncadd.s32 @p2 $0xFFFFF000  }
.LBB2_7:
0xe5: {  	p2 =	sne.s32 s10, $0xE8F;
	v1 =	vld [tilespmem:s16+$0xFFFFF800];
	v2 =	vadd.s32 s19, v0;
	_ =	sdelay $0x4  }
0xe6: {  	s19 =	sadd.s32 $0xFFFFFFE2, s15;
	[tilespmem:v2+s28+$0x0] =	vst.idx.msk $0xffff, v1  }
0xe7: {  	v2 =	vadd.s32 s19, v0;
	v1 =	vld [tilespmem:s16+$0xFFFFF880];
	_ =	sdelay $0x4  }
0xe8: {  	s19 =	sadd.s32 $0xFFFFFFE3, s15;
	[tilespmem:v2+s28+$0x0] =	vst.idx.msk $0xffff, v1  }
0xe9: {  	v2 =	vadd.s32 s19, v0;
	v1 =	vld [tilespmem:s16+$0xFFFFF900];
	_ =	sdelay $0x4  }
0xea: {  	s19 =	sadd.s32 $0xFFFFFFE4, s15;
	[tilespmem:v2+s28+$0x0] =	vst.idx.msk $0xffff, v1  }
0xeb: {  	v2 =	vadd.s32 s19, v0;
	v1 =	vld [tilespmem:s16+$0xFFFFF980];
	_ =	sdelay $0x4  }
0xec: {  	s19 =	sadd.s32 $0xFFFFFFE5, s15;
	[tilespmem:v2+s28+$0x0] =	vst.idx.msk $0xffff, v1  }
0xed: {  	v2 =	vadd.s32 s19, v0;
	v1 =	vld [tilespmem:s16+$0xFFFFFA00];
	_ =	sdelay $0x4  }
0xee: {  	s19 =	sadd.s32 $0xFFFFFFE6, s15;
	[tilespmem:v2+s28+$0x0] =	vst.idx.msk $0xffff, v1  }
0xef: {  	v2 =	vadd.s32 s19, v0;
	v1 =	vld [tilespmem:s16+$0xFFFFFA80];
	_ =	sdelay $0x4  }
0xf0: {  	s19 =	sadd.s32 $0xFFFFFFE7, s15;
	[tilespmem:v2+s28+$0x0] =	vst.idx.msk $0xffff, v1  }
0xf1: {  	v2 =	vadd.s32 s19, v0;
	v1 =	vld [tilespmem:s16+$0xFFFFFB00];
	_ =	sdelay $0x4  }
0xf2: {  	s19 =	sadd.s32 $0xFFFFFFE8, s15;
	[tilespmem:v2+s28+$0x0] =	vst.idx.msk $0xffff, v1  }
0xf3: {  	v2 =	vadd.s32 s19, v0;
	v1 =	vld [tilespmem:s16+$0xFFFFFB80];
	_ =	sdelay $0x4  }
0xf4: {  	s19 =	sadd.s32 $0xFFFFFFE9, s15;
	[tilespmem:v2+s28+$0x0] =	vst.idx.msk $0xffff, v1  }
0xf5: {  	v2 =	vadd.s32 s19, v0;
	v1 =	vld [tilespmem:s16+$0xFFFFFC00];
	_ =	sdelay $0x4  }
0xf6: {  	s19 =	sadd.s32 $0xFFFFFFEA, s15;
	[tilespmem:v2+s28+$0x0] =	vst.idx.msk $0xffff, v1  }
0xf7: {  	v2 =	vadd.s32 s19, v0;
	v1 =	vld [tilespmem:s16+$0xFFFFFC80];
	_ =	sdelay $0x4  }
0xf8: {  	s19 =	sadd.s32 $0xFFFFFFEB, s15;
	[tilespmem:v2+s28+$0x0] =	vst.idx.msk $0xffff, v1  }
0xf9: {  	v2 =	vadd.s32 s19, v0;
	v1 =	vld [tilespmem:s16+$0xFFFFFD00];
	_ =	sdelay $0x4  }
0xfa: {  	s19 =	sadd.s32 $0xFFFFFFEC, s15;
	[tilespmem:v2+s28+$0x0] =	vst.idx.msk $0xffff, v1  }
0xfb: {  	v2 =	vadd.s32 s19, v0;
	v1 =	vld [tilespmem:s16+$0xFFFFFD80];
	_ =	sdelay $0x4  }
0xfc: {  	s19 =	sadd.s32 $0xFFFFFFED, s15;
	[tilespmem:v2+s28+$0x0] =	vst.idx.msk $0xffff, v1  }
0xfd: {  	v2 =	vadd.s32 s19, v0;
	v1 =	vld [tilespmem:s16+$0xFFFFFE00];
	_ =	sdelay $0x4  }
0xfe: {  	s19 =	sadd.s32 $0xFFFFFFEE, s15;
	[tilespmem:v2+s28+$0x0] =	vst.idx.msk $0xffff, v1  }
0xff: {  	v2 =	vadd.s32 s19, v0;
	v1 =	vld [tilespmem:s16+$0xFFFFFE80];
	_ =	sdelay $0x4  }
0x100: {  	s19 =	sadd.s32 $0xFFFFFFEF, s15;
	[tilespmem:v2+s28+$0x0] =	vst.idx.msk $0xffff, v1  }
0x101: {  	v2 =	vadd.s32 s19, v0;
	v1 =	vld [tilespmem:s16+$0xFFFFFF00];
	_ =	sdelay $0x4  }
0x102: {  	s19 =	sadd.s32 $0xFFFFFFF0, s15;
	[tilespmem:v2+s28+$0x0] =	vst.idx.msk $0xffff, v1  }
0x103: {  	v2 =	vadd.s32 s19, v0;
	v1 =	vld [tilespmem:s16+$0xFFFFFF80];
	_ =	sdelay $0x4  }
0x104: {  	s19 =	sadd.s32 $0xFFFFFFF1, s15;
	[tilespmem:v2+s28+$0x0] =	vst.idx.msk $0xffff, v1  }
0x105: {  	v2 =	vadd.s32 s19, v0;
	v1 =	vld [tilespmem:s16+$0x0];
	_ =	sdelay $0x4  }
0x106: {  	s19 =	sadd.s32 $0xFFFFFFF2, s15;
	[tilespmem:v2+s28+$0x0] =	vst.idx.msk $0xffff, v1  }
0x107: {  	v2 =	vadd.s32 s19, v0;
	v1 =	vld [tilespmem:s16+$0x80];
	_ =	sdelay $0x4  }
0x108: {  	s19 =	sadd.s32 $0xFFFFFFF3, s15;
	[tilespmem:v2+s28+$0x0] =	vst.idx.msk $0xffff, v1  }
0x109: {  	v2 =	vadd.s32 s19, v0;
	v1 =	vld [tilespmem:s16+$0x100];
	_ =	sdelay $0x4  }
0x10a: {  	s19 =	sadd.s32 $0xFFFFFFF4, s15;
	[tilespmem:v2+s28+$0x0] =	vst.idx.msk $0xffff, v1  }
0x10b: {  	v2 =	vadd.s32 s19, v0;
	v1 =	vld [tilespmem:s16+$0x180];
	_ =	sdelay $0x4  }
0x10c: {  	s19 =	sadd.s32 $0xFFFFFFF5, s15;
	[tilespmem:v2+s28+$0x0] =	vst.idx.msk $0xffff, v1  }
0x10d: {  	v2 =	vadd.s32 s19, v0;
	v1 =	vld [tilespmem:s16+$0x200];
	_ =	sdelay $0x4  }
0x10e: {  	s19 =	sadd.s32 $0xFFFFFFF6, s15;
	[tilespmem:v2+s28+$0x0] =	vst.idx.msk $0xffff, v1  }
0x10f: {  	v2 =	vadd.s32 s19, v0;
	v1 =	vld [tilespmem:s16+$0x280];
	_ =	sdelay $0x4  }
0x110: {  	s19 =	sadd.s32 $0xFFFFFFF7, s15;
	[tilespmem:v2+s28+$0x0] =	vst.idx.msk $0xffff, v1  }
0x111: {  	v2 =	vadd.s32 s19, v0;
	v1 =	vld [tilespmem:s16+$0x300];
	_ =	sdelay $0x4  }
0x112: {  	s19 =	sadd.s32 $0xFFFFFFF8, s15;
	[tilespmem:v2+s28+$0x0] =	vst.idx.msk $0xffff, v1  }
0x113: {  	v2 =	vadd.s32 s19, v0;
	v1 =	vld [tilespmem:s16+$0x380];
	_ =	sdelay $0x4  }
0x114: {  	s19 =	sadd.s32 $0xFFFFFFF9, s15;
	[tilespmem:v2+s28+$0x0] =	vst.idx.msk $0xffff, v1  }
0x115: {  	v2 =	vadd.s32 s19, v0;
	v1 =	vld [tilespmem:s16+$0x400];
	_ =	sdelay $0x4  }
0x116: {  	s19 =	sadd.s32 $0xFFFFFFFA, s15;
	[tilespmem:v2+s28+$0x0] =	vst.idx.msk $0xffff, v1  }
0x117: {  	v2 =	vadd.s32 s19, v0;
	v1 =	vld [tilespmem:s16+$0x480];
	_ =	sdelay $0x4  }
0x118: {  	s19 =	sadd.s32 $0xFFFFFFFB, s15;
	[tilespmem:v2+s28+$0x0] =	vst.idx.msk $0xffff, v1  }
0x119: {  	v2 =	vadd.s32 s19, v0;
	v1 =	vld [tilespmem:s16+$0x500];
	_ =	sdelay $0x4  }
0x11a: {  	s19 =	sadd.s32 $0xFFFFFFFC, s15;
	[tilespmem:v2+s28+$0x0] =	vst.idx.msk $0xffff, v1  }
0x11b: {  	v2 =	vadd.s32 s19, v0;
	v1 =	vld [tilespmem:s16+$0x580];
	_ =	sdelay $0x4  }
0x11c: {  	s19 =	sadd.s32 $0xFFFFFFFD, s15;
	[tilespmem:v2+s28+$0x0] =	vst.idx.msk $0xffff, v1  }
0x11d: {  	v2 =	vadd.s32 s19, v0;
	v1 =	vld [tilespmem:s16+$0x600];
	_ =	sdelay $0x4  }
0x11e: {  	s19 =	sadd.s32 $0xFFFFFFFE, s15;
	[tilespmem:v2+s28+$0x0] =	vst.idx.msk $0xffff, v1  }
0x11f: {  	v2 =	vadd.s32 s19, v0;
	v1 =	vld [tilespmem:s16+$0x680];
	_ =	sdelay $0x4  }
0x120: {  	s19 =	sadd.s32 $0xFFFFFFFF, s15;
	[tilespmem:v2+s28+$0x0] =	vst.idx.msk $0xffff, v1  }
0x121: {  	v2 =	vadd.s32 s19, v0;
	v1 =	vld [tilespmem:s16+$0x700];
	_ =	sdelay $0x4  }
0x122: {  	[tilespmem:v2+s28+$0x0] =	vst.idx.msk $0xffff, v1  }
0x123: {  	v2 =	vadd.s32 s15, v0;
	s15 =	smov.u32 s10;
	v1 =	vld [tilespmem:s16+$0x780]  }
.Ltmp4:
0x124: {  	(pc) =	sbr.rel @p2 .LBB2_7-.Ltmp4, $2  }
0x125: {  	_ =	sdelay $0x2  }
0x126: {  	s10 =	sadd.s32 $0x210, s10;
	s19 =	sadd.s32 $0xFFFFFFE1, s15;
	s16 =	sadd.s32 $0x10, s16;
	[tilespmem:v2+s28+$0x0] =	vst.idx.msk $0xffff, v1  }
0x127: {  	v1 =	vld [tilespmem:s16+$0xFFFFF800];
	v2 =	vadd.s32 s19, v0;
	_ =	sdelay $0x4  }
0x128: {  	s10 =	sadd.s32 $0xFFFFFFE2, s15;
	[tilespmem:v2+s28+$0x0] =	vst.idx.msk $0xffff, v1  }
0x129: {  	v2 =	vadd.s32 s10, v0;
	v1 =	vld [tilespmem:s16+$0xFFFFF880];
	_ =	sdelay $0x4  }
0x12a: {  	s19 =	sadd.s32 $0xFFFFFFE3, s15;
	[tilespmem:v2+s28+$0x0] =	vst.idx.msk $0xffff, v1  }
0x12b: {  	v2 =	vadd.s32 s19, v0;
	v1 =	vld [tilespmem:s16+$0xFFFFF900];
	_ =	sdelay $0x4  }
0x12c: {  	s19 =	sadd.s32 $0xFFFFFFE4, s15;
	[tilespmem:v2+s28+$0x0] =	vst.idx.msk $0xffff, v1  }
0x12d: {  	v2 =	vadd.s32 s19, v0;
	v1 =	vld [tilespmem:s16+$0xFFFFF980];
	_ =	sdelay $0x4  }
0x12e: {  	s19 =	sadd.s32 $0xFFFFFFE5, s15;
	[tilespmem:v2+s28+$0x0] =	vst.idx.msk $0xffff, v1  }
0x12f: {  	v2 =	vadd.s32 s19, v0;
	v1 =	vld [tilespmem:s16+$0xFFFFFA00];
	_ =	sdelay $0x4  }
0x130: {  	s19 =	sadd.s32 $0xFFFFFFE6, s15;
	[tilespmem:v2+s28+$0x0] =	vst.idx.msk $0xffff, v1  }
0x131: {  	v2 =	vadd.s32 s19, v0;
	v1 =	vld [tilespmem:s16+$0xFFFFFA80];
	_ =	sdelay $0x4  }
0x132: {  	s19 =	sadd.s32 $0xFFFFFFE7, s15;
	[tilespmem:v2+s28+$0x0] =	vst.idx.msk $0xffff, v1  }
0x133: {  	v2 =	vadd.s32 s19, v0;
	v1 =	vld [tilespmem:s16+$0xFFFFFB00];
	_ =	sdelay $0x4  }
0x134: {  	s19 =	sadd.s32 $0xFFFFFFE8, s15;
	[tilespmem:v2+s28+$0x0] =	vst.idx.msk $0xffff, v1  }
0x135: {  	v2 =	vadd.s32 s19, v0;
	v1 =	vld [tilespmem:s16+$0xFFFFFB80];
	_ =	sdelay $0x4  }
0x136: {  	s19 =	sadd.s32 $0xFFFFFFE9, s15;
	[tilespmem:v2+s28+$0x0] =	vst.idx.msk $0xffff, v1  }
0x137: {  	v2 =	vadd.s32 s19, v0;
	v1 =	vld [tilespmem:s16+$0xFFFFFC00];
	_ =	sdelay $0x4  }
0x138: {  	s19 =	sadd.s32 $0xFFFFFFEA, s15;
	[tilespmem:v2+s28+$0x0] =	vst.idx.msk $0xffff, v1  }
0x139: {  	v2 =	vadd.s32 s19, v0;
	v1 =	vld [tilespmem:s16+$0xFFFFFC80];
	_ =	sdelay $0x4  }
0x13a: {  	s19 =	sadd.s32 $0xFFFFFFEB, s15;
	[tilespmem:v2+s28+$0x0] =	vst.idx.msk $0xffff, v1  }
0x13b: {  	v2 =	vadd.s32 s19, v0;
	v1 =	vld [tilespmem:s16+$0xFFFFFD00];
	_ =	sdelay $0x4  }
0x13c: {  	s19 =	sadd.s32 $0xFFFFFFEC, s15;
	[tilespmem:v2+s28+$0x0] =	vst.idx.msk $0xffff, v1  }
0x13d: {  	v2 =	vadd.s32 s19, v0;
	v1 =	vld [tilespmem:s16+$0xFFFFFD80];
	_ =	sdelay $0x4  }
0x13e: {  	s19 =	sadd.s32 $0xFFFFFFED, s15;
	[tilespmem:v2+s28+$0x0] =	vst.idx.msk $0xffff, v1  }
0x13f: {  	v2 =	vadd.s32 s19, v0;
	v1 =	vld [tilespmem:s16+$0xFFFFFE00];
	_ =	sdelay $0x4  }
0x140: {  	s19 =	sadd.s32 $0xFFFFFFEE, s15;
	[tilespmem:v2+s28+$0x0] =	vst.idx.msk $0xffff, v1  }
0x141: {  	v2 =	vadd.s32 s19, v0;
	v1 =	vld [tilespmem:s16+$0xFFFFFE80];
	_ =	sdelay $0x4  }
0x142: {  	s19 =	sadd.s32 $0xFFFFFFEF, s15;
	[tilespmem:v2+s28+$0x0] =	vst.idx.msk $0xffff, v1  }
0x143: {  	v2 =	vadd.s32 s19, v0;
	v1 =	vld [tilespmem:s16+$0xFFFFFF00];
	_ =	sdelay $0x4  }
0x144: {  	s19 =	sadd.s32 $0xFFFFFFF0, s15;
	[tilespmem:v2+s28+$0x0] =	vst.idx.msk $0xffff, v1  }
0x145: {  	v2 =	vadd.s32 s19, v0;
	v1 =	vld [tilespmem:s16+$0xFFFFFF80];
	_ =	sdelay $0x4  }
0x146: {  	s19 =	sadd.s32 $0xFFFFFFF1, s15;
	[tilespmem:v2+s28+$0x0] =	vst.idx.msk $0xffff, v1  }
0x147: {  	v2 =	vadd.s32 s19, v0;
	v1 =	vld [tilespmem:s16+$0x0];
	_ =	sdelay $0x4  }
0x148: {  	s19 =	sadd.s32 $0xFFFFFFF2, s15;
	[tilespmem:v2+s28+$0x0] =	vst.idx.msk $0xffff, v1  }
0x149: {  	v2 =	vadd.s32 s19, v0;
	v1 =	vld [tilespmem:s16+$0x80];
	_ =	sdelay $0x4  }
0x14a: {  	s19 =	sadd.s32 $0xFFFFFFF3, s15;
	[tilespmem:v2+s28+$0x0] =	vst.idx.msk $0xffff, v1  }
0x14b: {  	v2 =	vadd.s32 s19, v0;
	v1 =	vld [tilespmem:s16+$0x100];
	_ =	sdelay $0x4  }
0x14c: {  	s19 =	sadd.s32 $0xFFFFFFF4, s15;
	[tilespmem:v2+s28+$0x0] =	vst.idx.msk $0xffff, v1  }
0x14d: {  	v2 =	vadd.s32 s19, v0;
	v1 =	vld [tilespmem:s16+$0x180];
	_ =	sdelay $0x4  }
0x14e: {  	s19 =	sadd.s32 $0xFFFFFFF5, s15;
	[tilespmem:v2+s28+$0x0] =	vst.idx.msk $0xffff, v1  }
0x14f: {  	v2 =	vadd.s32 s19, v0;
	v1 =	vld [tilespmem:s16+$0x200];
	_ =	sdelay $0x4  }
0x150: {  	s19 =	sadd.s32 $0xFFFFFFF6, s15;
	[tilespmem:v2+s28+$0x0] =	vst.idx.msk $0xffff, v1  }
0x151: {  	v2 =	vadd.s32 s19, v0;
	v1 =	vld [tilespmem:s16+$0x280];
	_ =	sdelay $0x4  }
0x152: {  	s19 =	sadd.s32 $0xFFFFFFF7, s15;
	[tilespmem:v2+s28+$0x0] =	vst.idx.msk $0xffff, v1  }
0x153: {  	v2 =	vadd.s32 s19, v0;
	v1 =	vld [tilespmem:s16+$0x300];
	_ =	sdelay $0x4  }
0x154: {  	s19 =	sadd.s32 $0xFFFFFFF8, s15;
	[tilespmem:v2+s28+$0x0] =	vst.idx.msk $0xffff, v1  }
0x155: {  	v2 =	vadd.s32 s19, v0;
	v1 =	vld [tilespmem:s16+$0x380];
	_ =	sdelay $0x4  }
0x156: {  	s19 =	sadd.s32 $0xFFFFFFF9, s15;
	[tilespmem:v2+s28+$0x0] =	vst.idx.msk $0xffff, v1  }
0x157: {  	v2 =	vadd.s32 s19, v0;
	v1 =	vld [tilespmem:s16+$0x400];
	_ =	sdelay $0x4  }
0x158: {  	s19 =	sadd.s32 $0xFFFFFFFA, s15;
	[tilespmem:v2+s28+$0x0] =	vst.idx.msk $0xffff, v1  }
0x159: {  	v2 =	vadd.s32 s19, v0;
	v1 =	vld [tilespmem:s16+$0x480];
	_ =	sdelay $0x4  }
0x15a: {  	s19 =	sadd.s32 $0xFFFFFFFB, s15;
	[tilespmem:v2+s28+$0x0] =	vst.idx.msk $0xffff, v1  }
0x15b: {  	v2 =	vadd.s32 s19, v0;
	v1 =	vld [tilespmem:s16+$0x500];
	_ =	sdelay $0x4  }
0x15c: {  	s19 =	sadd.s32 $0xFFFFFFFC, s15;
	[tilespmem:v2+s28+$0x0] =	vst.idx.msk $0xffff, v1  }
0x15d: {  	v2 =	vadd.s32 s19, v0;
	v1 =	vld [tilespmem:s16+$0x580];
	_ =	sdelay $0x4  }
0x15e: {  	s19 =	sadd.s32 $0xFFFFFFFD, s15;
	[tilespmem:v2+s28+$0x0] =	vst.idx.msk $0xffff, v1  }
0x15f: {  	v2 =	vadd.s32 s19, v0;
	v1 =	vld [tilespmem:s16+$0x600];
	_ =	sdelay $0x4  }
0x160: {  	s19 =	sadd.s32 $0xFFFFFFFE, s15;
	[tilespmem:v2+s28+$0x0] =	vst.idx.msk $0xffff, v1  }
0x161: {  	v2 =	vadd.s32 s19, v0;
	v1 =	vld [tilespmem:s16+$0x680];
	_ =	sdelay $0x4  }
0x162: {  	s19 =	sadd.s32 $0xFFFFFFFF, s15;
	[tilespmem:v2+s28+$0x0] =	vst.idx.msk $0xffff, v1  }
0x163: {  	v2 =	vadd.s32 s19, v0;
	v1 =	vld [tilespmem:s16+$0x700];
	_ =	sdelay $0x4  }
0x164: {  	[tilespmem:v2+s28+$0x0] =	vst.idx.msk $0xffff, v1  }
0x165: {  	v2 =	vadd.s32 s15, v0;
	v1 =	vld [tilespmem:s16+$0x780];
	_ =	sdelay $0x4  }
0x166: {  	s19 =	simm.s32 $0x0;
	[tilespmem:v2+s28+$0x0] =	vst.idx.msk $0xffff, v1  }
0x167: {  	v1 =	vld [tilespmem:s19+$0x2000];
	_ =	sdelay $0x3  }
0x168: {  	s10 =	simm.s32 $0x40A0  }
0x169: {  	[tilespmem:s10+$0xFFFFFFE0] =	vst v1  }
0x16a: {  	v1 =	vld [tilespmem:s19+$0x2010];
	_ =	sdelay $0x4  }
0x16b: {  	[tilespmem:s10+$0xFFFFFFF0] =	vst v1  }
0x16c: {  	v1 =	vld [tilespmem:s19+$0x2021];
	_ =	sdelay $0x4  }
0x16d: {  	[tilespmem:s10+$0x0] =	vst v1  }
0x16e: {  	v1 =	vld [tilespmem:s19+$0x2031];
	_ =	sdelay $0x4  }
0x16f: {  	s15 =	simm.s32 $0x42;
	s16 =	simm.s32 $0x210;
	[tilespmem:s10+$0x10] =	vst v1  }
.LBB2_9:
0x170: {  	p2 =	sne.s32 s16, $0x40F8;
	v1 =	vld [tilespmem:s15+$0x2000];
	_ =	sdelay $0x3  }
0x171: {  	s10 =	sadd.s32 $0x40, s10  }
0x172: {  	[tilespmem:s10+$0xFFFFFFE0] =	vst v1  }
0x173: {  	v1 =	vld [tilespmem:s15+$0x2010];
	_ =	sdelay $0x4  }
0x174: {  	[tilespmem:s10+$0xFFFFFFF0] =	vst v1  }
0x175: {  	v1 =	vld [tilespmem:s15+$0x2021];
	_ =	sdelay $0x4  }
0x176: {  	[tilespmem:s10+$0x0] =	vst v1  }
0x177: {  	v1 =	vld [tilespmem:s15+$0x2031]  }
.Ltmp5:
0x178: {  	(pc) =	sbr.rel @p2 .LBB2_9-.Ltmp5, $2  }
0x179: {  	_ =	sdelay $0x2  }
0x17a: {  	s15 =	sshra.s32 s16, $0x2;
	s16 =	sadd.s32 $0x108, s16;
	[tilespmem:s10+$0x10] =	vst v1  }
0x17b: {  	v1 =	vld [tilespmem:s15+$0x2000];
	_ =	sdelay $0x3  }
0x17c: {  	s10 =	sadd.s32 $0x40, s10  }
0x17d: {  	[tilespmem:s10+$0xFFFFFFE0] =	vst v1  }
0x17e: {  	v1 =	vld [tilespmem:s15+$0x2010];
	_ =	sdelay $0x4  }
0x17f: {  	[tilespmem:s10+$0xFFFFFFF0] =	vst v1  }
0x180: {  	v1 =	vld [tilespmem:s15+$0x2021];
	_ =	sdelay $0x4  }
0x181: {  	[tilespmem:s10+$0x0] =	vst v1  }
0x182: {  	s13 =	sadd.s32 $0x1, s13;
	v1 =	vld [tilespmem:s15+$0x2031]  }
0x183: {  	p2 =	sne.s32 s13, $0x7A  }
.Ltmp6:
0x184: {  	_ = 	snop;
	(pc) =	sbr.rel @p2 .LBB2_2-.Ltmp6, $4  }
0x185: {  	_ = 	snop  }
0x186: {  	s14 =	sshll.u32 s14, $0xE  }
0x187: {  	s19 =	sadd.s32 s14, s12;
	[tilespmem:s10+$0x10] =	vst v1  }
0x188: {  	[hbm4b:s19+s4] =	stream.linear.scatter [tilespmem:s31], [sflag:$0x4], $0x1000, $0x38;
	[tilespmem:$0x5080] =	vst v63  }
0x189: {  	_ =	swait.ge [sflag:s0], $0x1000  }
.Ltmp7:
0x18a: {  	[sflag:s0] =	ssyncset.done $0x0;
	(pc) =	sbr.rel @p1 .LBB2_17-.Ltmp7, $4  }
0x18b: {  	[sflag:s0] =	ssyncadd.s32 $0xFFFFF000  }
0x18c: {  	_ =	swait.ge [sflag:s3], $0x1000  }
0x18d: {  	[sflag:s3] =	ssyncset.done $0x0  }
0x18e: {  	[sflag:s3] =	ssyncadd.s32 $0xFFFFF000  }
0x18f: {  	s10 =	rddreg [dreg:$0x4]  }
0x190: {  	[tilespmem:s4], [sflag:$0x1] =	stream.linear.gather [hbm4b:s10+s4], $0x400, $0x38;
	[tilespmem:$0x5080] =	vst v63  }
0x191: {  	s15 =	rddreg [dreg:$0x6];
	s13 =	simm.s32 $0x400  }
0x192: {  	[tilespmem:s13], [sflag:$0x1] =	stream.linear.gather [hbm4b:s15+s4], $0x400, $0x38;
	[tilespmem:$0x5080] =	vst v63  }
0x193: {  	s16 =	rddreg [dreg:$0x5];
	s13 =	simm.s32 $0x800  }
0x194: {  	[tilespmem:s13], [sflag:$0x1] =	stream.linear.gather [hbm4b:s16+s4], $0x400, $0x38;
	[tilespmem:$0x5080] =	vst v63  }
0x195: {  	s19 =	rddreg [dreg:$0x7]  }
0x196: {  	[tilespmem:s21], [sflag:$0x1] =	stream.linear.gather [hbm4b:s19+s4], $0x400, $0x38;
	[tilespmem:$0x5080] =	vst v63  }
0x197: {  	_ =	swait.ge [sflag:s22], $0x1000  }
0x198: {  	s14 =	simm.s32 $0x1F;
	[sflag:s22] =	ssyncset.done $0x0  }
0x199: {  	s10 =	simm.s32 $0x22F;
	s15 =	simm.s32 $0x0;
	[sflag:s22] =	ssyncadd.s32 $0xFFFFF000  }
.LBB2_13:
0x19a: {  	p2 =	sne.s32 s10, $0xE8F;
	v1 =	vld [tilespmem:s13+$0xFFFFF800];
	v2 =	vadd.s32 s15, v0;
	_ =	sdelay $0x4  }
0x19b: {  	s15 =	sadd.s32 $0xFFFFFFE2, s14;
	[tilespmem:v2+s28+$0x0] =	vst.idx.msk $0xffff, v1  }
0x19c: {  	v2 =	vadd.s32 s15, v0;
	v1 =	vld [tilespmem:s13+$0xFFFFF880];
	_ =	sdelay $0x4  }
0x19d: {  	s15 =	sadd.s32 $0xFFFFFFE3, s14;
	[tilespmem:v2+s28+$0x0] =	vst.idx.msk $0xffff, v1  }
0x19e: {  	v2 =	vadd.s32 s15, v0;
	v1 =	vld [tilespmem:s13+$0xFFFFF900];
	_ =	sdelay $0x4  }
0x19f: {  	s15 =	sadd.s32 $0xFFFFFFE4, s14;
	[tilespmem:v2+s28+$0x0] =	vst.idx.msk $0xffff, v1  }
0x1a0: {  	v2 =	vadd.s32 s15, v0;
	v1 =	vld [tilespmem:s13+$0xFFFFF980];
	_ =	sdelay $0x4  }
0x1a1: {  	s15 =	sadd.s32 $0xFFFFFFE5, s14;
	[tilespmem:v2+s28+$0x0] =	vst.idx.msk $0xffff, v1  }
0x1a2: {  	v2 =	vadd.s32 s15, v0;
	v1 =	vld [tilespmem:s13+$0xFFFFFA00];
	_ =	sdelay $0x4  }
0x1a3: {  	s15 =	sadd.s32 $0xFFFFFFE6, s14;
	[tilespmem:v2+s28+$0x0] =	vst.idx.msk $0xffff, v1  }
0x1a4: {  	v2 =	vadd.s32 s15, v0;
	v1 =	vld [tilespmem:s13+$0xFFFFFA80];
	_ =	sdelay $0x4  }
0x1a5: {  	s15 =	sadd.s32 $0xFFFFFFE7, s14;
	[tilespmem:v2+s28+$0x0] =	vst.idx.msk $0xffff, v1  }
0x1a6: {  	v2 =	vadd.s32 s15, v0;
	v1 =	vld [tilespmem:s13+$0xFFFFFB00];
	_ =	sdelay $0x4  }
0x1a7: {  	s15 =	sadd.s32 $0xFFFFFFE8, s14;
	[tilespmem:v2+s28+$0x0] =	vst.idx.msk $0xffff, v1  }
0x1a8: {  	v2 =	vadd.s32 s15, v0;
	v1 =	vld [tilespmem:s13+$0xFFFFFB80];
	_ =	sdelay $0x4  }
0x1a9: {  	s15 =	sadd.s32 $0xFFFFFFE9, s14;
	[tilespmem:v2+s28+$0x0] =	vst.idx.msk $0xffff, v1  }
0x1aa: {  	v2 =	vadd.s32 s15, v0;
	v1 =	vld [tilespmem:s13+$0xFFFFFC00];
	_ =	sdelay $0x4  }
0x1ab: {  	s15 =	sadd.s32 $0xFFFFFFEA, s14;
	[tilespmem:v2+s28+$0x0] =	vst.idx.msk $0xffff, v1  }
0x1ac: {  	v2 =	vadd.s32 s15, v0;
	v1 =	vld [tilespmem:s13+$0xFFFFFC80];
	_ =	sdelay $0x4  }
0x1ad: {  	s15 =	sadd.s32 $0xFFFFFFEB, s14;
	[tilespmem:v2+s28+$0x0] =	vst.idx.msk $0xffff, v1  }
0x1ae: {  	v2 =	vadd.s32 s15, v0;
	v1 =	vld [tilespmem:s13+$0xFFFFFD00];
	_ =	sdelay $0x4  }
0x1af: {  	s15 =	sadd.s32 $0xFFFFFFEC, s14;
	[tilespmem:v2+s28+$0x0] =	vst.idx.msk $0xffff, v1  }
0x1b0: {  	v2 =	vadd.s32 s15, v0;
	v1 =	vld [tilespmem:s13+$0xFFFFFD80];
	_ =	sdelay $0x4  }
0x1b1: {  	s15 =	sadd.s32 $0xFFFFFFED, s14;
	[tilespmem:v2+s28+$0x0] =	vst.idx.msk $0xffff, v1  }
0x1b2: {  	v2 =	vadd.s32 s15, v0;
	v1 =	vld [tilespmem:s13+$0xFFFFFE00];
	_ =	sdelay $0x4  }
0x1b3: {  	s15 =	sadd.s32 $0xFFFFFFEE, s14;
	[tilespmem:v2+s28+$0x0] =	vst.idx.msk $0xffff, v1  }
0x1b4: {  	v2 =	vadd.s32 s15, v0;
	v1 =	vld [tilespmem:s13+$0xFFFFFE80];
	_ =	sdelay $0x4  }
0x1b5: {  	s15 =	sadd.s32 $0xFFFFFFEF, s14;
	[tilespmem:v2+s28+$0x0] =	vst.idx.msk $0xffff, v1  }
0x1b6: {  	v2 =	vadd.s32 s15, v0;
	v1 =	vld [tilespmem:s13+$0xFFFFFF00];
	_ =	sdelay $0x4  }
0x1b7: {  	s15 =	sadd.s32 $0xFFFFFFF0, s14;
	[tilespmem:v2+s28+$0x0] =	vst.idx.msk $0xffff, v1  }
0x1b8: {  	v2 =	vadd.s32 s15, v0;
	v1 =	vld [tilespmem:s13+$0xFFFFFF80];
	_ =	sdelay $0x4  }
0x1b9: {  	s15 =	sadd.s32 $0xFFFFFFF1, s14;
	[tilespmem:v2+s28+$0x0] =	vst.idx.msk $0xffff, v1  }
0x1ba: {  	v2 =	vadd.s32 s15, v0;
	v1 =	vld [tilespmem:s13+$0x0];
	_ =	sdelay $0x4  }
0x1bb: {  	s15 =	sadd.s32 $0xFFFFFFF2, s14;
	[tilespmem:v2+s28+$0x0] =	vst.idx.msk $0xffff, v1  }
0x1bc: {  	v2 =	vadd.s32 s15, v0;
	v1 =	vld [tilespmem:s13+$0x80];
	_ =	sdelay $0x4  }
0x1bd: {  	s15 =	sadd.s32 $0xFFFFFFF3, s14;
	[tilespmem:v2+s28+$0x0] =	vst.idx.msk $0xffff, v1  }
0x1be: {  	v2 =	vadd.s32 s15, v0;
	v1 =	vld [tilespmem:s13+$0x100];
	_ =	sdelay $0x4  }
0x1bf: {  	s15 =	sadd.s32 $0xFFFFFFF4, s14;
	[tilespmem:v2+s28+$0x0] =	vst.idx.msk $0xffff, v1  }
0x1c0: {  	v2 =	vadd.s32 s15, v0;
	v1 =	vld [tilespmem:s13+$0x180];
	_ =	sdelay $0x4  }
0x1c1: {  	s15 =	sadd.s32 $0xFFFFFFF5, s14;
	[tilespmem:v2+s28+$0x0] =	vst.idx.msk $0xffff, v1  }
0x1c2: {  	v2 =	vadd.s32 s15, v0;
	v1 =	vld [tilespmem:s13+$0x200];
	_ =	sdelay $0x4  }
0x1c3: {  	s15 =	sadd.s32 $0xFFFFFFF6, s14;
	[tilespmem:v2+s28+$0x0] =	vst.idx.msk $0xffff, v1  }
0x1c4: {  	v2 =	vadd.s32 s15, v0;
	v1 =	vld [tilespmem:s13+$0x280];
	_ =	sdelay $0x4  }
0x1c5: {  	s15 =	sadd.s32 $0xFFFFFFF7, s14;
	[tilespmem:v2+s28+$0x0] =	vst.idx.msk $0xffff, v1  }
0x1c6: {  	v2 =	vadd.s32 s15, v0;
	v1 =	vld [tilespmem:s13+$0x300];
	_ =	sdelay $0x4  }
0x1c7: {  	s15 =	sadd.s32 $0xFFFFFFF8, s14;
	[tilespmem:v2+s28+$0x0] =	vst.idx.msk $0xffff, v1  }
0x1c8: {  	v2 =	vadd.s32 s15, v0;
	v1 =	vld [tilespmem:s13+$0x380];
	_ =	sdelay $0x4  }
0x1c9: {  	s15 =	sadd.s32 $0xFFFFFFF9, s14;
	[tilespmem:v2+s28+$0x0] =	vst.idx.msk $0xffff, v1  }
0x1ca: {  	v2 =	vadd.s32 s15, v0;
	v1 =	vld [tilespmem:s13+$0x400];
	_ =	sdelay $0x4  }
0x1cb: {  	s15 =	sadd.s32 $0xFFFFFFFA, s14;
	[tilespmem:v2+s28+$0x0] =	vst.idx.msk $0xffff, v1  }
0x1cc: {  	v2 =	vadd.s32 s15, v0;
	v1 =	vld [tilespmem:s13+$0x480];
	_ =	sdelay $0x4  }
0x1cd: {  	s15 =	sadd.s32 $0xFFFFFFFB, s14;
	[tilespmem:v2+s28+$0x0] =	vst.idx.msk $0xffff, v1  }
0x1ce: {  	v2 =	vadd.s32 s15, v0;
	v1 =	vld [tilespmem:s13+$0x500];
	_ =	sdelay $0x4  }
0x1cf: {  	s15 =	sadd.s32 $0xFFFFFFFC, s14;
	[tilespmem:v2+s28+$0x0] =	vst.idx.msk $0xffff, v1  }
0x1d0: {  	v2 =	vadd.s32 s15, v0;
	v1 =	vld [tilespmem:s13+$0x580];
	_ =	sdelay $0x4  }
0x1d1: {  	s15 =	sadd.s32 $0xFFFFFFFD, s14;
	[tilespmem:v2+s28+$0x0] =	vst.idx.msk $0xffff, v1  }
0x1d2: {  	v2 =	vadd.s32 s15, v0;
	v1 =	vld [tilespmem:s13+$0x600];
	_ =	sdelay $0x4  }
0x1d3: {  	s15 =	sadd.s32 $0xFFFFFFFE, s14;
	[tilespmem:v2+s28+$0x0] =	vst.idx.msk $0xffff, v1  }
0x1d4: {  	v2 =	vadd.s32 s15, v0;
	v1 =	vld [tilespmem:s13+$0x680];
	_ =	sdelay $0x4  }
0x1d5: {  	s15 =	sadd.s32 $0xFFFFFFFF, s14;
	[tilespmem:v2+s28+$0x0] =	vst.idx.msk $0xffff, v1  }
0x1d6: {  	v2 =	vadd.s32 s15, v0;
	v1 =	vld [tilespmem:s13+$0x700];
	_ =	sdelay $0x4  }
0x1d7: {  	[tilespmem:v2+s28+$0x0] =	vst.idx.msk $0xffff, v1  }
0x1d8: {  	v2 =	vadd.s32 s14, v0;
	s14 =	smov.u32 s10;
	v1 =	vld [tilespmem:s13+$0x780]  }
.Ltmp8:
0x1d9: {  	(pc) =	sbr.rel @p2 .LBB2_13-.Ltmp8, $2  }
0x1da: {  	_ =	sdelay $0x2  }
0x1db: {  	s10 =	sadd.s32 $0x210, s10;
	s15 =	sadd.s32 $0xFFFFFFE1, s14;
	s13 =	sadd.s32 $0x10, s13;
	[tilespmem:v2+s28+$0x0] =	vst.idx.msk $0xffff, v1  }
0x1dc: {  	v1 =	vld [tilespmem:s13+$0xFFFFF800];
	v2 =	vadd.s32 s15, v0;
	_ =	sdelay $0x4  }
0x1dd: {  	s10 =	sadd.s32 $0xFFFFFFE2, s14;
	[tilespmem:v2+s28+$0x0] =	vst.idx.msk $0xffff, v1  }
0x1de: {  	v2 =	vadd.s32 s10, v0;
	v1 =	vld [tilespmem:s13+$0xFFFFF880];
	_ =	sdelay $0x4  }
0x1df: {  	s15 =	sadd.s32 $0xFFFFFFE3, s14;
	[tilespmem:v2+s28+$0x0] =	vst.idx.msk $0xffff, v1  }
0x1e0: {  	v2 =	vadd.s32 s15, v0;
	v1 =	vld [tilespmem:s13+$0xFFFFF900];
	_ =	sdelay $0x4  }
0x1e1: {  	s16 =	sadd.s32 $0xFFFFFFE4, s14;
	[tilespmem:v2+s28+$0x0] =	vst.idx.msk $0xffff, v1  }
0x1e2: {  	v2 =	vadd.s32 s16, v0;
	v1 =	vld [tilespmem:s13+$0xFFFFF980];
	_ =	sdelay $0x4  }
0x1e3: {  	s19 =	sadd.s32 $0xFFFFFFE5, s14;
	[tilespmem:v2+s28+$0x0] =	vst.idx.msk $0xffff, v1  }
0x1e4: {  	v2 =	vadd.s32 s19, v0;
	v1 =	vld [tilespmem:s13+$0xFFFFFA00];
	_ =	sdelay $0x4  }
0x1e5: {  	s15 =	sadd.s32 $0xFFFFFFE6, s14;
	[tilespmem:v2+s28+$0x0] =	vst.idx.msk $0xffff, v1  }
0x1e6: {  	v2 =	vadd.s32 s15, v0;
	v1 =	vld [tilespmem:s13+$0xFFFFFA80];
	_ =	sdelay $0x4  }
0x1e7: {  	s16 =	sadd.s32 $0xFFFFFFE7, s14;
	[tilespmem:v2+s28+$0x0] =	vst.idx.msk $0xffff, v1  }
0x1e8: {  	v2 =	vadd.s32 s16, v0;
	v1 =	vld [tilespmem:s13+$0xFFFFFB00];
	_ =	sdelay $0x4  }
0x1e9: {  	s19 =	sadd.s32 $0xFFFFFFE8, s14;
	[tilespmem:v2+s28+$0x0] =	vst.idx.msk $0xffff, v1  }
0x1ea: {  	v2 =	vadd.s32 s19, v0;
	v1 =	vld [tilespmem:s13+$0xFFFFFB80];
	_ =	sdelay $0x4  }
0x1eb: {  	s15 =	sadd.s32 $0xFFFFFFE9, s14;
	[tilespmem:v2+s28+$0x0] =	vst.idx.msk $0xffff, v1  }
0x1ec: {  	v2 =	vadd.s32 s15, v0;
	v1 =	vld [tilespmem:s13+$0xFFFFFC00];
	_ =	sdelay $0x4  }
0x1ed: {  	s16 =	sadd.s32 $0xFFFFFFEA, s14;
	[tilespmem:v2+s28+$0x0] =	vst.idx.msk $0xffff, v1  }
0x1ee: {  	v2 =	vadd.s32 s16, v0;
	v1 =	vld [tilespmem:s13+$0xFFFFFC80];
	_ =	sdelay $0x4  }
0x1ef: {  	s19 =	sadd.s32 $0xFFFFFFEB, s14;
	[tilespmem:v2+s28+$0x0] =	vst.idx.msk $0xffff, v1  }
0x1f0: {  	v2 =	vadd.s32 s19, v0;
	v1 =	vld [tilespmem:s13+$0xFFFFFD00];
	_ =	sdelay $0x4  }
0x1f1: {  	s15 =	sadd.s32 $0xFFFFFFEC, s14;
	[tilespmem:v2+s28+$0x0] =	vst.idx.msk $0xffff, v1  }
0x1f2: {  	v2 =	vadd.s32 s15, v0;
	v1 =	vld [tilespmem:s13+$0xFFFFFD80];
	_ =	sdelay $0x4  }
0x1f3: {  	s16 =	sadd.s32 $0xFFFFFFED, s14;
	[tilespmem:v2+s28+$0x0] =	vst.idx.msk $0xffff, v1  }
0x1f4: {  	v2 =	vadd.s32 s16, v0;
	v1 =	vld [tilespmem:s13+$0xFFFFFE00];
	_ =	sdelay $0x4  }
0x1f5: {  	s19 =	sadd.s32 $0xFFFFFFEE, s14;
	[tilespmem:v2+s28+$0x0] =	vst.idx.msk $0xffff, v1  }
0x1f6: {  	v2 =	vadd.s32 s19, v0;
	v1 =	vld [tilespmem:s13+$0xFFFFFE80];
	_ =	sdelay $0x4  }
0x1f7: {  	s15 =	sadd.s32 $0xFFFFFFEF, s14;
	[tilespmem:v2+s28+$0x0] =	vst.idx.msk $0xffff, v1  }
0x1f8: {  	v2 =	vadd.s32 s15, v0;
	v1 =	vld [tilespmem:s13+$0xFFFFFF00];
	_ =	sdelay $0x4  }
0x1f9: {  	s16 =	sadd.s32 $0xFFFFFFF0, s14;
	[tilespmem:v2+s28+$0x0] =	vst.idx.msk $0xffff, v1  }
0x1fa: {  	v2 =	vadd.s32 s16, v0;
	v1 =	vld [tilespmem:s13+$0xFFFFFF80];
	_ =	sdelay $0x4  }
0x1fb: {  	s19 =	sadd.s32 $0xFFFFFFF1, s14;
	[tilespmem:v2+s28+$0x0] =	vst.idx.msk $0xffff, v1  }
0x1fc: {  	v2 =	vadd.s32 s19, v0;
	v1 =	vld [tilespmem:s13+$0x0];
	_ =	sdelay $0x4  }
0x1fd: {  	s15 =	sadd.s32 $0xFFFFFFF2, s14;
	[tilespmem:v2+s28+$0x0] =	vst.idx.msk $0xffff, v1  }
0x1fe: {  	v2 =	vadd.s32 s15, v0;
	v1 =	vld [tilespmem:s13+$0x80];
	_ =	sdelay $0x4  }
0x1ff: {  	s16 =	sadd.s32 $0xFFFFFFF3, s14;
	[tilespmem:v2+s28+$0x0] =	vst.idx.msk $0xffff, v1  }
0x200: {  	v2 =	vadd.s32 s16, v0;
	v1 =	vld [tilespmem:s13+$0x100];
	_ =	sdelay $0x4  }
0x201: {  	s19 =	sadd.s32 $0xFFFFFFF4, s14;
	[tilespmem:v2+s28+$0x0] =	vst.idx.msk $0xffff, v1  }
0x202: {  	v2 =	vadd.s32 s19, v0;
	v1 =	vld [tilespmem:s13+$0x180];
	_ =	sdelay $0x4  }
0x203: {  	s15 =	sadd.s32 $0xFFFFFFF5, s14;
	[tilespmem:v2+s28+$0x0] =	vst.idx.msk $0xffff, v1  }
0x204: {  	v2 =	vadd.s32 s15, v0;
	v1 =	vld [tilespmem:s13+$0x200];
	_ =	sdelay $0x4  }
0x205: {  	s16 =	sadd.s32 $0xFFFFFFF6, s14;
	[tilespmem:v2+s28+$0x0] =	vst.idx.msk $0xffff, v1  }
0x206: {  	v2 =	vadd.s32 s16, v0;
	v1 =	vld [tilespmem:s13+$0x280];
	_ =	sdelay $0x4  }
0x207: {  	s19 =	sadd.s32 $0xFFFFFFF7, s14;
	[tilespmem:v2+s28+$0x0] =	vst.idx.msk $0xffff, v1  }
0x208: {  	v2 =	vadd.s32 s19, v0;
	v1 =	vld [tilespmem:s13+$0x300];
	_ =	sdelay $0x4  }
0x209: {  	s15 =	sadd.s32 $0xFFFFFFF8, s14;
	[tilespmem:v2+s28+$0x0] =	vst.idx.msk $0xffff, v1  }
0x20a: {  	v2 =	vadd.s32 s15, v0;
	v1 =	vld [tilespmem:s13+$0x380];
	_ =	sdelay $0x4  }
0x20b: {  	s16 =	sadd.s32 $0xFFFFFFF9, s14;
	[tilespmem:v2+s28+$0x0] =	vst.idx.msk $0xffff, v1  }
0x20c: {  	v2 =	vadd.s32 s16, v0;
	v1 =	vld [tilespmem:s13+$0x400];
	_ =	sdelay $0x4  }
0x20d: {  	s19 =	sadd.s32 $0xFFFFFFFA, s14;
	[tilespmem:v2+s28+$0x0] =	vst.idx.msk $0xffff, v1  }
0x20e: {  	v2 =	vadd.s32 s19, v0;
	v1 =	vld [tilespmem:s13+$0x480];
	_ =	sdelay $0x4  }
0x20f: {  	s15 =	sadd.s32 $0xFFFFFFFB, s14;
	[tilespmem:v2+s28+$0x0] =	vst.idx.msk $0xffff, v1  }
0x210: {  	v2 =	vadd.s32 s15, v0;
	v1 =	vld [tilespmem:s13+$0x500];
	_ =	sdelay $0x4  }
0x211: {  	s16 =	sadd.s32 $0xFFFFFFFC, s14;
	[tilespmem:v2+s28+$0x0] =	vst.idx.msk $0xffff, v1  }
0x212: {  	v2 =	vadd.s32 s16, v0;
	v1 =	vld [tilespmem:s13+$0x580];
	_ =	sdelay $0x4  }
0x213: {  	s19 =	sadd.s32 $0xFFFFFFFD, s14;
	[tilespmem:v2+s28+$0x0] =	vst.idx.msk $0xffff, v1  }
0x214: {  	v2 =	vadd.s32 s19, v0;
	v1 =	vld [tilespmem:s13+$0x600];
	_ =	sdelay $0x4  }
0x215: {  	s15 =	sadd.s32 $0xFFFFFFFE, s14;
	[tilespmem:v2+s28+$0x0] =	vst.idx.msk $0xffff, v1  }
0x216: {  	v2 =	vadd.s32 s15, v0;
	v1 =	vld [tilespmem:s13+$0x680];
	_ =	sdelay $0x4  }
0x217: {  	s16 =	sadd.s32 $0xFFFFFFFF, s14;
	[tilespmem:v2+s28+$0x0] =	vst.idx.msk $0xffff, v1  }
0x218: {  	v2 =	vadd.s32 s16, v0;
	v1 =	vld [tilespmem:s13+$0x700];
	_ =	sdelay $0x4  }
0x219: {  	[tilespmem:v2+s28+$0x0] =	vst.idx.msk $0xffff, v1  }
0x21a: {  	v2 =	vadd.s32 s14, v0;
	v1 =	vld [tilespmem:s13+$0x780];
	_ =	sdelay $0x4  }
0x21b: {  	s19 =	simm.s32 $0x0;
	[tilespmem:v2+s28+$0x0] =	vst.idx.msk $0xffff, v1  }
0x21c: {  	v1 =	vld [tilespmem:s19+$0x2000];
	_ =	sdelay $0x3  }
0x21d: {  	s10 =	simm.s32 $0x30A0  }
0x21e: {  	[tilespmem:s10+$0xFFFFFFE0] =	vst v1  }
0x21f: {  	v1 =	vld [tilespmem:s19+$0x2010];
	_ =	sdelay $0x4  }
0x220: {  	[tilespmem:s10+$0xFFFFFFF0] =	vst v1  }
0x221: {  	v1 =	vld [tilespmem:s19+$0x2021];
	_ =	sdelay $0x4  }
0x222: {  	[tilespmem:s10+$0x0] =	vst v1  }
0x223: {  	v1 =	vld [tilespmem:s19+$0x2031];
	_ =	sdelay $0x4  }
0x224: {  	s14 =	simm.s32 $0x210;
	s13 =	simm.s32 $0x42;
	[tilespmem:s10+$0x10] =	vst v1  }
.LBB2_15:
0x225: {  	p2 =	sne.s32 s14, $0x40F8;
	v1 =	vld [tilespmem:s13+$0x2000];
	_ =	sdelay $0x3  }
0x226: {  	s10 =	sadd.s32 $0x40, s10  }
0x227: {  	[tilespmem:s10+$0xFFFFFFE0] =	vst v1  }
0x228: {  	v1 =	vld [tilespmem:s13+$0x2010];
	_ =	sdelay $0x4  }
0x229: {  	[tilespmem:s10+$0xFFFFFFF0] =	vst v1  }
0x22a: {  	v1 =	vld [tilespmem:s13+$0x2021];
	_ =	sdelay $0x4  }
0x22b: {  	[tilespmem:s10+$0x0] =	vst v1  }
0x22c: {  	v1 =	vld [tilespmem:s13+$0x2031]  }
.Ltmp9:
0x22d: {  	(pc) =	sbr.rel @p2 .LBB2_15-.Ltmp9, $2  }
0x22e: {  	_ =	sdelay $0x2  }
0x22f: {  	s13 =	sshra.s32 s14, $0x2;
	s14 =	sadd.s32 $0x108, s14;
	[tilespmem:s10+$0x10] =	vst v1  }
0x230: {  	v1 =	vld [tilespmem:s13+$0x2000];
	_ =	sdelay $0x3  }
0x231: {  	s10 =	sadd.s32 $0x40, s10  }
0x232: {  	[tilespmem:s10+$0xFFFFFFE0] =	vst v1  }
0x233: {  	v1 =	vld [tilespmem:s13+$0x2010];
	_ =	sdelay $0x4  }
0x234: {  	[tilespmem:s10+$0xFFFFFFF0] =	vst v1  }
0x235: {  	v1 =	vld [tilespmem:s13+$0x2021];
	_ =	sdelay $0x4  }
0x236: {  	[tilespmem:s10+$0x0] =	vst v1  }
0x237: {  	v1 =	vld [tilespmem:s13+$0x2031];
	_ =	sdelay $0x4  }
.Ltmp10:
0x238: {  	s19 =	rddreg [dreg:$0x8];
	[tilespmem:s10+$0x10] =	vst v1;
	(pc) =	sbr.rel .LBB2_17-.Ltmp10, $4  }
0x239: {  	[hbm4b:s19+s4] =	stream.linear.scatter [tilespmem:s29], [sflag:$0x5], $0x1000, $0x38;
	[tilespmem:$0x5080] =	vst v63  }
0x23a: {  	_ =	swait.ge [sflag:s2], $0x1000  }
0x23b: {  	[sflag:s2] =	ssyncset.done $0x0  }
0x23c: {  	[sflag:s2] =	ssyncadd.s32 $0xFFFFF000  }
.LBB2_18:
0x23d: {  	_ =	sfence.sel $0x180000  }
0x23e: {  	[bflag:$0x0] =	sbarrier.arrive $0xFFFF  }
0x23f: {  	_ =	strace $0x90000047  }
0x240: {  	s0 =	stileid.u32;
	[bflag:$0x2] =	sbarrier.arrive $0xFFFF  }
0x241: {  	p0 =	sne.s32 s0, $0x0;
	s0 =	rddreg [dreg:$0x3]  }
0x242: {  	s0 =	sadd.s32 @!p0 $0x100000, s0  }
0x243: {  	[sflag:s0] =	ssyncadd.tile.s32 @!p0 $0x1;
	_ =	shalt  }
.Lfunc_end2:
_tile_overlayer_lowered:
.L_overlay_start_2:
0x244: {  	(tag) =	ssettag $0x2  }
0x245: {  	s0 =	rddreg [dreg:$0x0];
	s2 =	stileid.u32  }
0x246: {  	s1 =	rddreg [dreg:$0x1];
	p0 =	sne.s32 s2, $0x0  }
0x247: {  	s3 =	rddreg [dreg:$0x2];
	[bflag:$0x3] =	sbarrier.arrive $0xFFFF;
	s2 =	simm.s32 @!p0 $0x1C05  }
0x248: {  	[timem:s3], [sflag:s2] =	dma.local @!p0 [hbm:s0], s1  }
0x249: {  	s0 =	simm.s32 @!p0 $0x5  }
0x24a: {  	_ =	swait.ge @!p0 [sflag:s0], s1  }
0x24b: {  	s1 =	ssub.s32 @!p0 $0x0, s1;
	[sflag:s0] =	ssyncset.done @!p0 $0x0  }
0x24c: {  	[sflag:s0] =	ssyncadd.s32 @!p0 s1  }
0x24d: {  	[bflag:$0x3] =	sbarrier.arrive $0xFFFF  }
0x24e: {  	_ =	shalt  }

// kernel: kernel.7.cloned.1.call-start
scs
__scs_entry_jumppad:
0x0: {  	(pc) =	sbr.rel $0x88, $3  }
0x1: {  	(tag) =	ssettag $0x0;
	lr =	simm.s32 $0x1  }
0x2: {  	[smem:$0x3F9F] =	sst lr;
	_ =	strace $0xD0000000  }
0x3: {  	_ = 	snop  }
0x4: {  	_ = 	snop  }
0x5: {  	_ = 	snop  }
0x6: {  	_ = 	snop  }
0x7: {  	_ = 	snop  }
__scs_overlays_trampoline_lowered:
0x8: {  	[smem:$0x3FAE] =	sst s0  }
0x9: {  	[smem:$0x3FAF] =	sst s1  }
0xa: {  	[smem:$0x3FB0] =	sst s2  }
0xb: {  	[smem:$0x3FB1] =	sst s3  }
0xc: {  	[smem:$0x3FB2] =	sst s4  }
0xd: {  	[smem:$0x3FB3] =	sst s5  }
0xe: {  	[smem:$0x3FB4] =	sst s6  }
0xf: {  	[smem:$0x3FB5] =	sst s7  }
0x10: {  	[smem:$0x3FB6] =	sst s8  }
0x11: {  	[smem:$0x3FB7] =	sst s9;
	s0 =	simm.s32 @!p0 $0x0  }
0x12: {  	s1 =	sld [smem:$0x3F9D];
	s0 =	simm.s32 @p0 $0x1  }
0x13: {  	[smem:$0x3FB8] =	sst s0;
	s0 =	simm.s32 @!p1 $0x0  }
0x14: {  	s2 =	sld [smem:$0x3F9C];
	s0 =	simm.s32 @p1 $0x1  }
0x15: {  	[smem:$0x3FB9] =	sst s0;
	s0 =	simm.s32 @!p2 $0x0  }
0x16: {  	s3 =	sld [smem:$0x3FDB];
	s0 =	simm.s32 @p2 $0x1  }
0x17: {  	s4 =	simm.s32 $0x1BF5;
	[smem:$0x3FBB] =	sst s0  }
0x18: {  	s0 =	sld [smem:$0x3F9E];
	_ =	swait.ge [sflag:s4], $0x0  }
0x19: {  	s7 =	sld [smem:$0x3F9F]  }
0x1a: {  	s8 =	sadd.s32 $0xFFFFE003, lr  }
0x1b: {  	s9 =	sadd.s32 $0xFFFFFEF7, lr;
	s5 =	simm.s32 $0xFFFFFFFF;
	p2 =	slt.u32 s8, $0xFFFFF086  }
0x1c: {  	p1 =	slt.u32 s9, $0xF7A;
	s5 =	simm.s32 @!p2 $0x0  }
0x1d: {  	s5 =	simm.s32 @p1 $0x1;
	p0 =	seq.s32 s7, s2  }
0x1e: {  	s7 =	smul.u32 @!p0 $0xF7A, s2;
	p2 =	seq.s32 @!p0 s5, $0x0  }
0x1f: {  	s9 =	smul.u32 $0xF7A, s1;
	s8 =	simm.s32 @!p0 $0x1BF5;
	p2 =	por !p2, p0  }
0x20: {  	[sflag:s8] =	ssyncset.s32 @!p0 $0xFFFFF086;
	s6 =	sadd.s32 @!p0 s3, s7;
	s7 =	simm.s32 @!p0 $0x108  }
0x21: {  	s3 =	sadd.s32 s3, s9;
	s6 =	sadd.s32 @!p0 $0x88, s6;
	s7 =	simm.s32 @p2 $0x1082  }
0x22: {  	[simem:s7], [sflag:s8] =	dma.local @!p0 [hbm:s6], $0xF7A  }
0x23: {  	s9 =	sor.u32 $0xD0000000, s2;
	s6 =	simm.s32 $0x108;
	_ =	swait.ge @!p0 [sflag:s8], $0x0  }
0x24: {  	s3 =	sadd.s32 $0x88, s3;
	s6 =	simm.s32 @!p1 $0x1082;
	[sflag:s4] =	ssyncset.s32 $0xFFFFF086  }
0x25: {  	[simem:s6], [sflag:s4] =	dma.local [hbm:s3], $0xF7A  }
0x26: {  	[smem:$0x3F9F] =	sst s1;
	(tag) =	ssettag s2;
	_ =	strace s9  }
0x27: {  	s1 =	sld [smem:$0x3FAF]  }
0x28: {  	s2 =	sld [smem:$0x3FB0]  }
0x29: {  	s4 =	sld [smem:$0x3FB2]  }
0x2a: {  	p0 =	seq.s32 s5, $0x0;
	s5 =	sld [smem:$0x3FB3]  }
0x2b: {  	s6 =	sld [smem:$0x3FB4]  }
0x2c: {  	s7 =	sld [smem:$0x3FB5]  }
0x2d: {  	s3 =	simm.s32 $0x108;
	s8 =	sld [smem:$0x3FB6]  }
0x2e: {  	s3 =	simm.s32 @!p0 $0x1082;
	s9 =	sld [smem:$0x3FB7]  }
0x2f: {  	lr =	sadd.s32 s0, s3;
	s0 =	sld [smem:$0x3FAE]  }
0x30: {  	s3 =	sld [smem:$0x3FB1]  }
0x31: {  	[smem:$0x3FBA] =	sst s10  }
0x32: {  	s10 =	sld [smem:$0x3FB8];
	_ =	sdelay $0x3  }
0x33: {  	p0 =	seq.s32 s10, $0x1;
	s10 =	sld [smem:$0x3FBA];
	_ =	sdelay $0x3  }
0x34: {  	[smem:$0x3FBA] =	sst s10  }
0x35: {  	s10 =	sld [smem:$0x3FB9];
	_ =	sdelay $0x3  }
0x36: {  	p1 =	seq.s32 s10, $0x1;
	s10 =	sld [smem:$0x3FBA];
	_ =	sdelay $0x3  }
0x37: {  	[smem:$0x3FBA] =	sst s10  }
0x38: {  	s10 =	sld [smem:$0x3FBB]  }
0x39: {  	_ = 	snop;
	(pc) =	sbr.ind lr, $3  }
0x3a: {  	_ = 	snop  }
0x3b: {  	_ = 	snop  }
0x3c: {  	p2 =	seq.s32 s10, $0x1;
	s10 =	sld [smem:$0x3FBA]  }
0x3d: {  	_ =	shalt  }
0x3e: {  	_ =	shalt  }
0x3f: {  	_ =	shalt  }
0x40: {  	_ =	shalt  }
0x41: {  	_ =	shalt  }
0x42: {  	_ =	shalt  }
0x43: {  	_ =	shalt  }
0x44: {  	_ =	shalt  }
0x45: {  	_ =	shalt  }
0x46: {  	_ =	shalt  }
0x47: {  	_ =	shalt  }
0x48: {  	_ =	shalt  }
0x49: {  	_ =	shalt  }
0x4a: {  	_ =	shalt  }
0x4b: {  	_ =	shalt  }
0x4c: {  	_ =	shalt  }
0x4d: {  	_ =	shalt  }
0x4e: {  	_ =	shalt  }
0x4f: {  	_ =	shalt  }
0x50: {  	_ =	shalt  }
0x51: {  	_ =	shalt  }
0x52: {  	_ =	shalt  }
0x53: {  	_ =	shalt  }
0x54: {  	_ =	shalt  }
0x55: {  	_ =	shalt  }
0x56: {  	_ =	shalt  }
0x57: {  	_ =	shalt  }
0x58: {  	_ =	shalt  }
0x59: {  	_ =	shalt  }
0x5a: {  	_ =	shalt  }
0x5b: {  	_ =	shalt  }
0x5c: {  	_ =	shalt  }
0x5d: {  	_ =	shalt  }
0x5e: {  	_ =	shalt  }
0x5f: {  	_ =	shalt  }
0x60: {  	_ =	shalt  }
0x61: {  	_ =	shalt  }
0x62: {  	_ =	shalt  }
0x63: {  	_ =	shalt  }
0x64: {  	_ =	shalt  }
0x65: {  	_ =	shalt  }
0x66: {  	_ =	shalt  }
0x67: {  	_ =	shalt  }
0x68: {  	_ =	shalt  }
0x69: {  	_ =	shalt  }
0x6a: {  	_ =	shalt  }
0x6b: {  	_ =	shalt  }
0x6c: {  	_ =	shalt  }
0x6d: {  	_ =	shalt  }
0x6e: {  	_ =	shalt  }
0x6f: {  	_ =	shalt  }
0x70: {  	_ =	shalt  }
0x71: {  	_ =	shalt  }
0x72: {  	_ =	shalt  }
0x73: {  	_ =	shalt  }
0x74: {  	_ =	shalt  }
0x75: {  	_ =	shalt  }
0x76: {  	_ =	shalt  }
0x77: {  	_ =	shalt  }
0x78: {  	_ =	shalt  }
0x79: {  	_ =	shalt  }
0x7a: {  	_ =	shalt  }
0x7b: {  	_ =	shalt  }
0x7c: {  	_ =	shalt  }
0x7d: {  	_ =	shalt  }
0x7e: {  	_ =	shalt  }
0x7f: {  	_ =	shalt  }
0x80: {  	_ =	shalt  }
0x81: {  	_ =	shalt  }
0x82: {  	_ =	shalt  }
0x83: {  	_ =	shalt  }
0x84: {  	_ =	shalt  }
0x85: {  	_ =	shalt  }
0x86: {  	_ =	shalt  }
0x87: {  	_ =	shalt  }
.Lfunc_end0:
.L_simem_size_0:
called_computation.2_lowered:
.L_overlay_start_0:
0x88: {  	s2 =	sld [smem:$0x3FD9]  }
0x89: {  	s3 =	sld [smem:$0x3FFE];
	_ =	sdelay $0x1  }
0x8a: {  	s1 =	srdreg.scid  }
0x8b: {  	s0 =	sand.u32 $0x1, s1  }
0x8c: {  	s17 =	sshll.u32 s0, $0xA;
	s2 =	sadd.s32 s3, s2  }
0x8d: {  	s2 =	sadd.s32 s2, s17  }
0x8e: {  	[smem:$0x3FC6] =	sst s2  }
0x8f: {  	_ = 	snop  }
0x90: {  	s2 =	sld [smem:$0x3FD0];
	(tm) =	ssettm $0x1  }
0x91: {  	s18 =	sld [smem:$0x3FFB];
	_ =	sdelay $0x3  }
0x92: {  	_ =	strace s18  }
0x93: {  	s3 =	sld [smem:$0x3FFC];
	_ =	sdelay $0x3  }
0x94: {  	_ =	strace s3  }
0x95: {  	s3 =	sld [smem:$0x3FFD];
	_ =	sdelay $0x3  }
0x96: {  	_ =	strace s3  }
0x97: {  	_ =	strace $0x8FFFFFFF  }
0x98: {  	s19 =	sld [smem:$0x3FDB];
	_ =	sdelay $0x1  }
0x99: {  	s4 =	simm.s32 $_scs_section_size  }
0x9a: {  	s5 =	simm.s32 $_size__tile_overlayer_lowered;
	s6 =	simm.s32 $_tile_overlayer_lowered  }
0x9b: {  	s22 =	simm.s32 $0x1BFF;
	s21 =	sshll.u32 s6, $0x1;
	s3 =	sadd.s32 s4, s19  }
0x9c: {  	s7 =	simm.s32 $0x0;
	s20 =	sshll.u32 s5, $0x1;
	s5 =	sadd.s32 s21, s3  }
0x9d: {  	[timem:s7], [sflag:s22] =	dma.local [hbm:s5], s20  }
0x9e: {  	_ =	swait.ge [sflag:s22], s20  }
0x9f: {  	s4 =	ssub.s32 $0x0, s20;
	[sflag:s22] =	ssyncset.done $0x0  }
0xa0: {  	[sflag:s22] =	ssyncadd.s32 s4;
	_ =	sdelay $0x1  }
0xa1: {  	s23 =	simm.s32 $0x1B8B  }
0xa2: {  	_ =	swait.ge [sflag:s23], $0x1  }
0xa3: {  	[sflag:s23] =	ssyncset.done $0x0  }
0xa4: {  	s25 =	simm.s32 $0x1B8E;
	s24 =	sld [smem:$0x3FFE];
	[sflag:s23] =	ssyncadd.s32 $0xFFFFFFFF  }
0xa5: {  	s26 =	simm.s32 $execute0_lowered;
	[smem:$0x3FD2] =	sst s25  }
0xa6: {  	s5 =	sshll.u32 s26, $0x1;
	_ =	strace $0x80000049;
	[dreg:$0x1] =	wrdreg $0xFFFFFFFF  }
0xa7: {  	s28 =	simm.s32 $_size_execute0_lowered;
	s3 =	sadd.s32 s3, s5;
	[dreg:$0x0] =	wrdreg $0x0  }
0xa8: {  	s5 =	sshll.u32 s28, $0x1;
	[dreg:$0x2] =	wrdreg s3  }
0xa9: {  	[dreg:$0x3] =	wrdreg s5  }
0xaa: {  	[dreg:$0x4] =	wrdreg $0xC0  }
0xab: {  	_ =	task [dreg:s7], $0x5FFFF  }
0xac: {  	[dreg:$0x1] =	wrdreg $0xFFFFFFFF  }
0xad: {  	[dreg:$0x0] =	wrdreg $0x60  }
0xae: {  	[dreg:$0x2] =	wrdreg s24  }
0xaf: {  	[dreg:$0x3] =	wrdreg s2  }
0xb0: {  	[dreg:$0x4] =	wrdreg $0x9  }
0xb1: {  	_ =	task.clear_ibuf [dreg:s7], $0x5FFFF;
	_ =	strace $0x90000049  }
0xb2: {  	s29 =	simm.s32 $0x9;
	_ =	strace $0x8000004B  }
0xb3: {  	_ =	swait.ge [sflag:s29], $0x1  }
0xb4: {  	[sflag:s29] =	ssyncadd.s32 $0xFFFFFFFF  }
0xb5: {  	_ =	strace $0x9000004B  }
0xb6: {  	_ =	sfence  }
0xb7: {  	s30 =	sld [smem:$0x0];
	_ =	sdelay $0x2  }
0xb8: {  	s31 =	sshll.u32 s1, $0xD;
	s1 =	sshrl.u32 s1, $0x2  }
0xb9: {  	s3 =	sand.u32 $0x4000, s31;
	s1 =	sadd.s32 s1, s30  }
0xba: {  	s0 =	sor.u32 s3, s0;
	s1 =	sshll.u32 s1, $0x11  }
0xbb: {  	s0 =	sor.u32 s1, s0  }
0xbc: {  	s0 =	sadd.s32 $0x8F2B, s0  }
0xbd: {  	[sflag:s0] =	ssyncadd.remote.s32 $0x1  }
0xbe: {  	_ =	sfence.sel $0xFFFF  }
0xbf: {  	[dreg:$0x0] =	wrdreg $0xFFFFFFFF;
	(pc) =	sbr.abs _section_cstart, $3  }
0xc0: {  	[dreg:$0x1] =	wrdreg $0xFFFFFFFF  }
0xc1: {  	_ =	task.clear_ibuf [dreg:s7], $0x2FFFF;
	_ =	strace $0x9FFFFFFF  }
0xc2: {  	(tm) =	ssettm $0x7FFFFFFF  }
0xc3: {  	_ =	shalt  }
tec
execute0_lowered:
.L_overlay_start_1:
0x0: {  	(tag) =	ssettag $0x1  }
0x1: {  	s0 =	rddreg [dreg:$0x0]  }
0x2: {  	s1 =	rddreg [dreg:$0x1];
	s3 =	srdreg.scid  }
0x3: {  	s10 =	stileid.u32;
	s2 =	simm.s32 $0x0;
	s28 =	simm.s32 $0x3  }
0x4: {  	s29 =	simm.s32 $0x4;
	s30 =	simm.s32 $0x5;
	s7 =	smul.u32 $0x640000, s10  }
0x5: {  	s4 =	sand.u32 $0x1, s3;
	s14 =	sshll.u32 s10, $0x1;
	s10 =	smul.u32 $0x32000, s10  }
0x6: {  	s31 =	simm.s32 $0x6;
	[smem:$0x7FF] =	sst s2;
	s8 =	smul.u32 $0x320000, s4  }
0x7: {  	s3 =	sor.u32 s4, s14;
	s15 =	ssub.s32 $0x2, s4;
	s4 =	smul.u32 $0x19000, s4  }
0x8: {  	s6 =	sadd.s32 $0x3D1800, s0;
	s5 =	smul.u32 $0x19000, s3;
	s9 =	sshrl.u32 s15, $0x1  }
0x9: {  	_ =	strace $0x8000004A;
	s3 =	sadd.s32 $0xE00, s0;
	s0 =	ssub.s32 s15, s9  }
0xa: {  	s18 =	sadd.s32 s8, s7;
	s4 =	sadd.s32 s4, s10;
	s5 =	sshrl.u32 s5, $0x3  }
0xb: {  	s0 =	smax.u32 s0, $0x1;
	s19 =	sor.u32 $0xE00, s4;
	s20 =	sor.u32 $0xC00, s4  }
0xc: {  	s24 =	sor.u32 $0xA00, s4;
	s25 =	sor.u32 $0x800, s4;
	s4 =	sshll.u32 s4, $0x2  }
0xd: {  	s5 =	sadd.s32 s6, s5;
	[dreg:$0x7] =	wrdreg s0;
	s0 =	sshrl.u32 s18, $0x3  }
0xe: {  	s21 =	sshrl.u32 s19, $0x3;
	s22 =	sshrl.u32 s20, $0x3;
	s26 =	sshrl.u32 s25, $0x3  }
0xf: {  	s18 =	simm.s32 $0x200;
	s19 =	simm.s32 $0x800;
	s20 =	simm.s32 $0x4800  }
0x10: {  	s25 =	simm.s32 $0x1;
	s16 =	sadd.s32 $0x40, s5;
	[dreg:$0x3] =	wrdreg s5  }
0x11: {  	s17 =	sadd.s32 $0x80, s5;
	s5 =	sadd.s32 $0xC0, s5;
	[dreg:$0x4] =	wrdreg s16  }
0x12: {  	s9 =	sadd.s32 s0, s1;
	s0 =	sadd.s32 s21, s6;
	[dreg:$0x5] =	wrdreg s17  }
0x13: {  	s23 =	sadd.s32 s22, s6;
	s1 =	sadd.s32 s4, s1;
	[dreg:$0x6] =	wrdreg s5  }
0x14: {  	s21 =	simm.s32 $0x400;
	s22 =	simm.s32 $0x8800;
	[dreg:$0x8] =	wrdreg s0  }
.Ltmp0:
0x15: {  	[dreg:$0x9] =	wrdreg s23;
	s0 =	sshrl.u32 s24, $0x3;
	(pc) =	sbr.rel .LBB2_1-.Ltmp0, $4  }
0x16: {  	s14 =	sadd.s32 $0x1800, s1;
	s15 =	sadd.s32 $0x1000, s1;
	s16 =	sadd.s32 $0x800, s1  }
0x17: {  	s17 =	simm.s32 $0x9;
	s23 =	simm.s32 $0x600;
	s24 =	simm.s32 $0xC800  }
0x18: {  	s1 =	simm.s32 $0x8;
	s5 =	simm.s32 $0x0;
	s7 =	sadd.s32 s0, s6  }
0x19: {  	s6 =	sadd.s32 s26, s6;
	s26 =	simm.s32 $0x2;
	s0 =	simm.s32 $0x7  }
.LBB2_4:
0x1a: {  	_ =	swait.ge [sflag:s31], $0x4000  }
0x1b: {  	[sflag:s31] =	ssyncset.done $0x0  }
0x1c: {  	[sflag:s31] =	ssyncadd.s32 $0xFFFFC000  }
0x1d: {  	_ =	swait.ge [sflag:s0], $0x4000  }
0x1e: {  	[sflag:s0] =	ssyncset.done $0x0  }
0x1f: {  	[sflag:s0] =	ssyncadd.s32 $0xFFFFC000  }
0x20: {  	_ =	swait.ge [sflag:s1], $0x4000  }
0x21: {  	s5 =	sadd.s32 $0x1, s5;
	s4 =	rddreg [dreg:$0x7]  }
0x22: {  	p0 =	sne.s32 s5, s4  }
.Ltmp1:
0x23: {  	_ = 	snop;
	(pc) =	sbr.rel @!p0 .LBB2_5-.Ltmp1, $3  }
0x24: {  	_ =	sdelay $0x1  }
0x25: {  	[sflag:s1] =	ssyncset.done $0x0  }
0x26: {  	[sflag:s1] =	ssyncadd.s32 $0xFFFFC000  }
.LBB2_1:
0x27: {  	s4 =	rddreg [dreg:$0x3]  }
0x28: {  	[tilespmem:s2], [sflag:$0x9] =	stream.linear.gather [hbm4b:s4+s2], $0x200, $0x38;
	[tilespmem:$0x10800] =	vst v63  }
0x29: {  	_ =	swait.ge [sflag:s17], $0x200  }
0x2a: {  	[sflag:s17] =	ssyncset.done $0x0  }
0x2b: {  	[sflag:s17] =	ssyncadd.s32 $0xFFFFFE00  }
0x2c: {  	[tilespmem:s19], [sflag:$0x1] =	stream.indirect.gather [hbm4b:s3+s18], $0x20, s2, s18, $0xb8;
	[tilespmem:$0x10800] =	vst v63  }
0x2d: {  	s11 =	rddreg [dreg:$0x4]  }
0x2e: {  	[tilespmem:s18], [sflag:$0x9] =	stream.linear.gather [hbm4b:s11+s2], $0x200, $0x38;
	[tilespmem:$0x10800] =	vst v63  }
0x2f: {  	_ =	swait.ge [sflag:s17], $0x200  }
0x30: {  	[sflag:s17] =	ssyncset.done $0x0  }
0x31: {  	[sflag:s17] =	ssyncadd.s32 $0xFFFFFE00  }
0x32: {  	[tilespmem:s20], [sflag:$0x2] =	stream.indirect.gather [hbm4b:s3+s18], $0x20, s18, s18, $0xb8;
	[tilespmem:$0x10800] =	vst v63  }
0x33: {  	s12 =	rddreg [dreg:$0x5]  }
0x34: {  	[tilespmem:s21], [sflag:$0x9] =	stream.linear.gather [hbm4b:s12+s2], $0x200, $0x38;
	[tilespmem:$0x10800] =	vst v63  }
0x35: {  	_ =	swait.ge [sflag:s17], $0x200  }
0x36: {  	[sflag:s17] =	ssyncset.done $0x0  }
0x37: {  	[sflag:s17] =	ssyncadd.s32 $0xFFFFFE00  }
0x38: {  	[tilespmem:s22], [sflag:$0x3] =	stream.indirect.gather [hbm4b:s3+s18], $0x20, s21, s18, $0xb8;
	[tilespmem:$0x10800] =	vst v63  }
0x39: {  	s13 =	rddreg [dreg:$0x6]  }
0x3a: {  	[tilespmem:s23], [sflag:$0x9] =	stream.linear.gather [hbm4b:s13+s2], $0x200, $0x38;
	[tilespmem:$0x10800] =	vst v63  }
0x3b: {  	s4 =	simm.s32 $0x0;
	_ =	swait.ge [sflag:s17], $0x200  }
0x3c: {  	s12 =	smov.u32 s7;
	[sflag:s17] =	ssyncset.done $0x0;
	s11 =	rddreg [dreg:$0x9]  }
0x3d: {  	s13 =	smov.u32 s6;
	s10 =	rddreg [dreg:$0x8];
	[sflag:s17] =	ssyncadd.s32 $0xFFFFFE00  }
0x3e: {  	[tilespmem:s24], [sflag:$0x4] =	stream.indirect.gather [hbm4b:s3+s18], $0x20, s23, s18, $0xb8;
	[tilespmem:$0x10800] =	vst v63  }
.LBB2_2:
0x3f: {  	_ =	swait.ge [sflag:s25], $0x4000  }
0x40: {  	[sflag:s25] =	ssyncset.done $0x0  }
0x41: {  	s8 =	sadd.s32 s4, s9;
	[sflag:s25] =	ssyncadd.s32 $0xFFFFC000  }
0x42: {  	[hbm4b:s8+s2] =	stream.linear.scatter [tilespmem:s19], [sflag:$0x5], $0x4000, $0x38;
	[tilespmem:$0x10800] =	vst v63  }
0x43: {  	_ =	swait.ge [sflag:s26], $0x4000  }
0x44: {  	[sflag:s26] =	ssyncset.done $0x0  }
0x45: {  	s8 =	sadd.s32 s4, s16;
	[sflag:s26] =	ssyncadd.s32 $0xFFFFC000  }
0x46: {  	[hbm4b:s8+s2] =	stream.linear.scatter [tilespmem:s20], [sflag:$0x6], $0x4000, $0x38;
	[tilespmem:$0x10800] =	vst v63  }
0x47: {  	_ =	swait.ge [sflag:s28], $0x4000  }
0x48: {  	[sflag:s28] =	ssyncset.done $0x0  }
0x49: {  	s8 =	sadd.s32 s4, s15;
	[sflag:s28] =	ssyncadd.s32 $0xFFFFC000  }
0x4a: {  	[hbm4b:s8+s2] =	stream.linear.scatter [tilespmem:s22], [sflag:$0x7], $0x4000, $0x38;
	[tilespmem:$0x10800] =	vst v63  }
0x4b: {  	_ =	swait.ge [sflag:s29], $0x4000  }
0x4c: {  	p0 =	seq.s32 s4, $0x62000;
	[sflag:s29] =	ssyncset.done $0x0  }
.Ltmp2:
0x4d: {  	s8 =	sadd.s32 s4, s14;
	[sflag:s29] =	ssyncadd.s32 $0xFFFFC000;
	(pc) =	sbr.rel @p0 .LBB2_4-.Ltmp2, $4  }
0x4e: {  	[hbm4b:s8+s2] =	stream.linear.scatter [tilespmem:s24], [sflag:$0x8], $0x4000, $0x38;
	[tilespmem:$0x10800] =	vst v63  }
0x4f: {  	_ =	swait.ge [sflag:s30], $0x4000  }
0x50: {  	[sflag:s30] =	ssyncset.done $0x0  }
0x51: {  	[sflag:s30] =	ssyncadd.s32 $0xFFFFC000  }
0x52: {  	[tilespmem:s2], [sflag:$0x9] =	stream.linear.gather [hbm4b:s13+s2], $0x200, $0x38;
	[tilespmem:$0x10800] =	vst v63  }
0x53: {  	_ =	swait.ge [sflag:s17], $0x200  }
0x54: {  	[sflag:s17] =	ssyncset.done $0x0  }
0x55: {  	[sflag:s17] =	ssyncadd.s32 $0xFFFFFE00  }
0x56: {  	[tilespmem:s19], [sflag:$0x1] =	stream.indirect.gather [hbm4b:s3+s18], $0x20, s2, s18, $0xb8;
	[tilespmem:$0x10800] =	vst v63  }
0x57: {  	_ =	swait.ge [sflag:s31], $0x4000  }
0x58: {  	[sflag:s31] =	ssyncset.done $0x0  }
0x59: {  	[sflag:s31] =	ssyncadd.s32 $0xFFFFC000  }
0x5a: {  	[tilespmem:s18], [sflag:$0x9] =	stream.linear.gather [hbm4b:s12+s2], $0x200, $0x38;
	[tilespmem:$0x10800] =	vst v63  }
0x5b: {  	_ =	swait.ge [sflag:s17], $0x200  }
0x5c: {  	[sflag:s17] =	ssyncset.done $0x0  }
0x5d: {  	[sflag:s17] =	ssyncadd.s32 $0xFFFFFE00  }
0x5e: {  	[tilespmem:s20], [sflag:$0x2] =	stream.indirect.gather [hbm4b:s3+s18], $0x20, s18, s18, $0xb8;
	[tilespmem:$0x10800] =	vst v63  }
0x5f: {  	_ =	swait.ge [sflag:s0], $0x4000  }
0x60: {  	[sflag:s0] =	ssyncset.done $0x0  }
0x61: {  	[sflag:s0] =	ssyncadd.s32 $0xFFFFC000  }
0x62: {  	[tilespmem:s21], [sflag:$0x9] =	stream.linear.gather [hbm4b:s11+s2], $0x200, $0x38;
	[tilespmem:$0x10800] =	vst v63  }
0x63: {  	_ =	swait.ge [sflag:s17], $0x200  }
0x64: {  	[sflag:s17] =	ssyncset.done $0x0  }
0x65: {  	[sflag:s17] =	ssyncadd.s32 $0xFFFFFE00  }
0x66: {  	[tilespmem:s22], [sflag:$0x3] =	stream.indirect.gather [hbm4b:s3+s18], $0x20, s21, s18, $0xb8;
	[tilespmem:$0x10800] =	vst v63  }
0x67: {  	_ =	swait.ge [sflag:s1], $0x4000  }
0x68: {  	[sflag:s1] =	ssyncset.done $0x0  }
0x69: {  	[sflag:s1] =	ssyncadd.s32 $0xFFFFC000  }
0x6a: {  	[tilespmem:s23], [sflag:$0x9] =	stream.linear.gather [hbm4b:s10+s2], $0x200, $0x38;
	[tilespmem:$0x10800] =	vst v63  }
.Ltmp3:
0x6b: {  	_ = 	snop;
	(pc) =	sbr.rel .LBB2_2-.Ltmp3, $4  }
0x6c: {  	s4 =	sadd.s32 $0x2000, s4;
	_ =	swait.ge [sflag:s17], $0x200  }
0x6d: {  	s13 =	sadd.s32 $0x100, s13;
	s12 =	sadd.s32 $0x100, s12;
	[sflag:s17] =	ssyncset.done $0x0  }
0x6e: {  	s11 =	sadd.s32 $0x100, s11;
	s10 =	sadd.s32 $0x100, s10;
	[sflag:s17] =	ssyncadd.s32 $0xFFFFFE00  }
0x6f: {  	[tilespmem:s24], [sflag:$0x4] =	stream.indirect.gather [hbm4b:s3+s18], $0x20, s23, s18, $0xb8;
	[tilespmem:$0x10800] =	vst v63  }
.LBB2_5:
0x70: {  	_ =	sfence.sel $0x180000  }
0x71: {  	[bflag:$0x0] =	sbarrier.arrive $0xFFFF  }
0x72: {  	_ =	strace $0x9000004A  }
0x73: {  	s0 =	stileid.u32;
	[bflag:$0x2] =	sbarrier.arrive $0xFFFF  }
0x74: {  	p0 =	sne.s32 s0, $0x0;
	s0 =	rddreg [dreg:$0x2]  }
0x75: {  	s0 =	sadd.s32 @!p0 $0x100000, s0  }
0x76: {  	[sflag:s0] =	ssyncadd.tile.s32 @!p0 $0x1;
	_ =	shalt  }
.Lfunc_end2:
_tile_overlayer_lowered:
.L_overlay_start_2:
0x77: {  	(tag) =	ssettag $0x2  }
0x78: {  	s0 =	rddreg [dreg:$0x0];
	s2 =	stileid.u32  }
0x79: {  	s1 =	rddreg [dreg:$0x1];
	p0 =	sne.s32 s2, $0x0  }
0x7a: {  	s3 =	rddreg [dreg:$0x2];
	[bflag:$0x3] =	sbarrier.arrive $0xFFFF;
	s2 =	simm.s32 @!p0 $0x1C09  }
0x7b: {  	[timem:s3], [sflag:s2] =	dma.local @!p0 [hbm:s0], s1  }
0x7c: {  	s0 =	simm.s32 @!p0 $0x9  }
0x7d: {  	_ =	swait.ge @!p0 [sflag:s0], s1  }
0x7e: {  	s1 =	ssub.s32 @!p0 $0x0, s1;
	[sflag:s0] =	ssyncset.done @!p0 $0x0  }
0x7f: {  	[sflag:s0] =	ssyncadd.s32 @!p0 s1  }
0x80: {  	[bflag:$0x3] =	sbarrier.arrive $0xFFFF  }
0x81: {  	_ =	shalt  }

// kernel: sparse-core-data-format-call.cloned.1.call-start
scs
called_computation_lowered:
.L_overlay_start_0:
0x0: {  	s2 =	sld [smem:$0x3FD9]  }
0x1: {  	s3 =	sld [smem:$0x3FFE];
	_ =	sdelay $0x1  }
0x2: {  	s1 =	srdreg.scid  }
0x3: {  	s0 =	sand.u32 $0x1, s1  }
0x4: {  	s18 =	sshll.u32 s0, $0xA;
	s2 =	sadd.s32 s3, s2  }
0x5: {  	s2 =	sadd.s32 s2, s18  }
0x6: {  	[smem:$0x3FC6] =	sst s2  }
0x7: {  	_ = 	snop  }
0x8: {  	s2 =	sld [smem:$0x3FD0];
	(tm) =	ssettm $0x1  }
0x9: {  	s19 =	sld [smem:$0x3FFB];
	_ =	sdelay $0x3  }
0xa: {  	_ =	strace s19  }
0xb: {  	s3 =	sld [smem:$0x3FFC];
	_ =	sdelay $0x3  }
0xc: {  	_ =	strace s3  }
0xd: {  	s3 =	sld [smem:$0x3FFD];
	_ =	sdelay $0x3  }
0xe: {  	_ =	strace s3  }
0xf: {  	_ =	strace $0x8FFFFFFF  }
0x10: {  	s20 =	sld [smem:$0x3FDB];
	_ =	sdelay $0x1  }
0x11: {  	s4 =	simm.s32 $_scs_section_size  }
0x12: {  	s5 =	simm.s32 $_size__tile_overlayer_lowered;
	s6 =	simm.s32 $_tile_overlayer_lowered  }
0x13: {  	s23 =	simm.s32 $0x1BFF;
	s22 =	sshll.u32 s6, $0x1;
	s3 =	sadd.s32 s4, s20  }
0x14: {  	s7 =	simm.s32 $0x0;
	s21 =	sshll.u32 s5, $0x1;
	s5 =	sadd.s32 s22, s3  }
0x15: {  	[timem:s7], [sflag:s23] =	dma.local [hbm:s5], s21  }
0x16: {  	_ =	swait.ge [sflag:s23], s21  }
0x17: {  	s4 =	ssub.s32 $0x0, s21;
	[sflag:s23] =	ssyncset.done $0x0  }
0x18: {  	[sflag:s23] =	ssyncadd.s32 s4;
	_ =	sdelay $0x1  }
0x19: {  	s24 =	simm.s32 $0x1B8B  }
0x1a: {  	_ =	swait.ge [sflag:s24], $0x1  }
0x1b: {  	[sflag:s24] =	ssyncset.done $0x0  }
0x1c: {  	s26 =	simm.s32 $0x1B8E;
	s25 =	sld [smem:$0x3FFE];
	[sflag:s24] =	ssyncadd.s32 $0xFFFFFFFF  }
0x1d: {  	s27 =	simm.s32 $execute0_lowered;
	[smem:$0x3FD2] =	sst s26  }
0x1e: {  	s5 =	sshll.u32 s27, $0x1;
	_ =	strace $0x8000004C;
	[dreg:$0x1] =	wrdreg $0xFFFFFFFF  }
0x1f: {  	s28 =	simm.s32 $_size_execute0_lowered;
	s3 =	sadd.s32 s3, s5;
	[dreg:$0x0] =	wrdreg $0x0  }
0x20: {  	s5 =	sshll.u32 s28, $0x1;
	[dreg:$0x2] =	wrdreg s3  }
0x21: {  	[dreg:$0x3] =	wrdreg s5  }
0x22: {  	[dreg:$0x4] =	wrdreg $0xC0  }
0x23: {  	_ =	task [dreg:s7], $0x5FFFF  }
0x24: {  	[dreg:$0x1] =	wrdreg $0xFFFFFFFF  }
0x25: {  	[dreg:$0x0] =	wrdreg $0x60  }
0x26: {  	[dreg:$0x2] =	wrdreg s25  }
0x27: {  	[dreg:$0x3] =	wrdreg s2  }
0x28: {  	[dreg:$0x4] =	wrdreg $0x9  }
0x29: {  	_ =	task.clear_ibuf [dreg:s7], $0x5FFFF;
	_ =	strace $0x9000004C  }
0x2a: {  	s29 =	simm.s32 $0x9;
	_ =	strace $0x8000004E  }
0x2b: {  	_ =	swait.ge [sflag:s29], $0x1  }
0x2c: {  	[sflag:s29] =	ssyncadd.s32 $0xFFFFFFFF  }
0x2d: {  	_ =	strace $0x9000004E  }
0x2e: {  	_ =	sfence  }
0x2f: {  	s30 =	sld [smem:$0x0];
	_ =	sdelay $0x2  }
0x30: {  	s31 =	sshll.u32 s1, $0xD;
	s1 =	sshrl.u32 s1, $0x2  }
0x31: {  	s3 =	sand.u32 $0x4000, s31;
	s1 =	sadd.s32 s1, s30  }
0x32: {  	s0 =	sor.u32 s3, s0;
	s1 =	sshll.u32 s1, $0x11  }
0x33: {  	s0 =	sor.u32 s1, s0  }
0x34: {  	s0 =	sadd.s32 $0x8F2B, s0  }
0x35: {  	[sflag:s0] =	ssyncadd.remote.s32 $0x1  }
0x36: {  	_ =	sfence.sel $0xFFFF  }
0x37: {  	[dreg:$0x0] =	wrdreg $0xFFFFFFFF;
	(pc) =	sbr.abs _section_cstart, $3  }
0x38: {  	[dreg:$0x1] =	wrdreg $0xFFFFFFFF  }
0x39: {  	_ =	task.clear_ibuf [dreg:s7], $0x2FFFF;
	_ =	strace $0x9FFFFFFF  }
0x3a: {  	(tm) =	ssettm $0x7FFFFFFF  }
0x3b: {  	_ =	shalt  }
tec
execute0_lowered:
.L_overlay_start_1:
0x0: {  	(tag) =	ssettag $0x1  }
0x1: {  	s0 =	srdreg.scid  }
0x2: {  	s1 =	sshll.u32 s0, $0x4  }
0x3: {  	s9 =	rddreg [dreg:$0x0];
	s0 =	stileid.u32;
	s1 =	sand.u32 $0x10, s1  }
0x4: {  	s3 =	rddreg [dreg:$0x1];
	s5 =	simm.s32 $0x1;
	s1 =	sor.u32 s0, s1  }
0x5: {  	s7 =	simm.s32 $0x2;
	s15 =	simm.s32 $0x0;
	s2 =	sshll.u32 s1, $0x7  }
0x6: {  	s11 =	simm.s32 $0x20000;
	s16 =	simm.s32 $0x0;
	s4 =	ssub.s32 $0x4000, s2  }
0x7: {  	s13 =	simm.s32 $0x0;
	s14 =	simm.s32 $0x0;
	s31 =	sand.u32 $0xF80, s4  }
0x8: {  	s8 =	sadd.s32 $0x80E00, s9;
	s1 =	rddreg [dreg:$0x2];
	p0 =	sne.s32 s31, $0x0  }
.Ltmp0:
0x9: {  	s6 =	sshrl.u32 s4, $0xC;
	s5 =	simm.s32 @!p0 $0x0;
	(pc) =	sbr.rel .LBB1_1-.Ltmp0, $4  }
0xa: {  	_ =	strace $0x8000004D;
	s4 =	simm.s32 $0x1;
	s5 =	sadd.s32 s5, s6  }
0xb: {  	s12 =	smov.u32 s2;
	[sflag:s4] =	ssyncpa.u1 $0x0;
	s5 =	smul.u32 $0x32, s5  }
0xc: {  	[sflag:s7] =	ssyncpa.u1 $0x0;
	s7 =	sadd.s32 $0x40E00, s9;
	p0 =	por $0x0, $0x0  }
0xd: {  	s6 =	sadd.s32 $0xE00, s9;
	s9 =	sadd.s32 $0xC0E00, s9;
	s10 =	sor.u32 $0x1, s5  }
.LBB1_7:
0xe: {  	s17 =	sadd.s32 $0x1000, s12  }
0xf: {  	s15 =	sadd.s32 $0x4, s13;
	s19 =	smov.u32 s13;
	p2 =	sgt.s32 s17, $0x3FFF  }
0x10: {  	s19 =	smov.u32 @p2 s15  }
0x11: {  	s17 =	smov.u32 @p2 s2;
	p2 =	sgt.s32 s19, $0xC7  }
0x12: {  	s19 =	simm.s32 @p2 $0x0;
	p2 =	sne.s32 s14, s10  }
.Ltmp1:
0x13: {  	p1 =	slt.u32 s14, $0x2;
	(pc) =	sbr.rel @!p2 .LBB1_8-.Ltmp1, $4  }
0x14: {  	s18 =	simm.s32 @!p1 $0x2  }
0x15: {  	s16 =	smov.u32 s13;
	p0 =	por !p0, !p0;
	_ =	swait.ge @!p1 [sflag:s18], $0x4000  }
0x16: {  	s15 =	smov.u32 s12;
	[sflag:s18] =	ssyncset.done @!p1 $0x0;
	s12 =	smov.u32 s17  }
0x17: {  	s14 =	sadd.s32 $0x1, s14;
	[sflag:s18] =	ssyncadd.s32 @!p1 $0xFFFFC000;
	s13 =	smov.u32 s19  }
.LBB1_1:
0x18: {  	p1 =	sge.u32 s14, s5  }
0x19: {  	s17 =	sxor.u32 @!p1 $0xFFFFFFFF, s14  }
0x1a: {  	s18 =	sshll.u32 @!p1 s13, $0x12;
	s19 =	sshll.u32 @!p1 s12, $0x4;
	s21 =	simm.s32 @!p1 $0x20  }
0x1b: {  	s17 =	sshll.u32 @!p1 s17, $0xE;
	s19 =	sand.u32 @!p1 $0x3FFF0, s19;
	s20 =	sadd.s32 @!p1 s6, s18  }
0x1c: {  	s22 =	simm.s32 @!p1 $0x80;
	s17 =	sand.u32 @!p1 $0x4000, s17;
	s20 =	sadd.s32 @!p1 s19, s20  }
0x1d: {  	[tilespmem:s17], [sflag:$0x1] =	stream.strided.gather @!p1 [hbm4b:s20+s21], $0x1000, s22, s21, $0x38;
	[tilespmem:$0x10100] =	vst v63  }
0x1e: {  	s20 =	sadd.s32 @!p1 s18, s7  }
0x1f: {  	s23 =	sor.u32 @!p1 $0x1000, s17;
	s20 =	sadd.s32 @!p1 s19, s20  }
0x20: {  	[tilespmem:s23], [sflag:$0x1] =	stream.strided.gather @!p1 [hbm4b:s20+s21], $0x1000, s22, s21, $0x38;
	[tilespmem:$0x10100] =	vst v63  }
0x21: {  	s20 =	sadd.s32 @!p1 s18, s8  }
0x22: {  	s23 =	sor.u32 @!p1 $0x2000, s17;
	s18 =	sadd.s32 @!p1 s18, s9;
	s20 =	sadd.s32 @!p1 s19, s20  }
0x23: {  	[tilespmem:s23], [sflag:$0x1] =	stream.strided.gather @!p1 [hbm4b:s20+s21], $0x1000, s22, s21, $0x38;
	[tilespmem:$0x10100] =	vst v63  }
0x24: {  	s31 =	sadd.s32 $0xFFFFFFFF, s14;
	s17 =	sor.u32 @!p1 $0x3000, s17;
	s18 =	sadd.s32 @!p1 s19, s18  }
0x25: {  	[tilespmem:s17], [sflag:$0x1] =	stream.strided.gather @!p1 [hbm4b:s18+s21], $0x1000, s22, s21, $0x38;
	[tilespmem:$0x10100] =	vst v63  }
0x26: {  	p1 =	sge.u32 s31, s5  }
.Ltmp2:
0x27: {  	_ = 	snop;
	(pc) =	sbr.rel @p1 .LBB1_7-.Ltmp2, $1  }
0x28: {  	_ =	sdelay $0x3  }
0x29: {  	s17 =	simm.s32 $0x1;
	s19 =	sand.u32 $0x1, s14  }
0x2a: {  	_ =	swait.ge [sflag:s4], $0x4000;
	s17 =	simm.s32 @!p0 $0x0;
	s20 =	smul.u32 $0x10200, s19  }
0x2b: {  	[sflag:s4] =	ssyncset.done $0x0;
	s18 =	smul.u32 $0x10200, s17  }
0x2c: {  	s17 =	sshll.u32 s17, $0xE;
	[sflag:s4] =	ssyncadd.s32 $0xFFFFC000  }
0x2d: {  	s19 =	sor.u32 $0x10, s17;
	s31 =	sshrl.u32 s20, $0x2;
	s18 =	sshrl.u32 s18, $0x2  }
0x2e: {  	s20 =	simm.s32 $0x0;
	s17 =	sor.u32 $0x8000, s31;
	s18 =	sor.u32 $0x8000, s18  }
.LBB1_3:
0x2f: {  	v1 =	vld [tilespmem:s19+$0x0]  }
0x30: {  	v0 =	vld [tilespmem:s19+$0xFFFFFFF0];
	_ =	sdelay $0x2  }
0x31: {  	s23 =	sadd.s32 $0x0, s18  }
0x32: {  	s21 =	simm.s32 $0x4;
	s22 =	sadd.s32 $0x20, s19;
	[tilespmem:s23+$0x810 ss:$0x81] =	vst.msk $0xffff, v1  }
.LBB1_4:
0x33: {  	v1 =	vld [tilespmem:s22+$0x0];
	p1 =	sne.s32 s21, $0x1FC;
	[tilespmem:s23+$0x0 ss:$0x81] =	vst.msk $0xffff, v0;
	s23 =	smov.u32 s21;
	s21 =	sadd.s32 $0x4, s21  }
.Ltmp3:
0x34: {  	v0 =	vld [tilespmem:s22+$0xFFFFFFF0];
	(pc) =	sbr.rel @p1 .LBB1_4-.Ltmp3, $4  }
0x35: {  	_ = 	snop  }
0x36: {  	s23 =	sshra.s32 s23, $0x2  }
0x37: {  	s23 =	sadd.s32 s23, s18  }
0x38: {  	s22 =	sadd.s32 $0x20, s22;
	[tilespmem:s23+$0x810 ss:$0x81] =	vst.msk $0xffff, v1  }
0x39: {  	s20 =	sadd.s32 $0x1, s20  }
0x3a: {  	p1 =	sne.s32 s20, $0x4  }
.Ltmp4:
0x3b: {  	_ = 	snop;
	(pc) =	sbr.rel @p1 .LBB1_3-.Ltmp4, $2  }
0x3c: {  	_ =	sdelay $0x2  }
0x3d: {  	[tilespmem:s23+$0x0 ss:$0x81] =	vst.msk $0xffff, v0;
	s18 =	sadd.s32 $0x1020, s18;
	s19 =	sadd.s32 $0x1000, s19  }
0x3e: {  	s18 =	sshll.u32 s15, $0x3;
	s19 =	sand.u32 $0x78, s15;
	s16 =	sshll.u32 s16, $0x10  }
.Ltmp5:
0x3f: {  	s30 =	sand.u32 $0xF800, s15;
	s18 =	sand.u32 $0x3C00, s18;
	(pc) =	sbr.rel .LBB1_7-.Ltmp5, $4  }
0x40: {  	s31 =	sand.u32 $0x7, s15;
	s16 =	sadd.s32 s3, s16;
	s18 =	sor.u32 s19, s18  }
0x41: {  	s15 =	sshll.u32 s31, $0x12;
	s16 =	sadd.s32 s30, s16;
	s18 =	sshrl.u32 s18, $0x3  }
0x42: {  	s15 =	sor.u32 $0x400, s15;
	s16 =	sadd.s32 s18, s16  }
0x43: {  	[hbm4b:s16+s15] =	stream.strided.scatter [tilespmem:s17], [sflag:$0x2], $0x4000, s11, s15, $0x20;
	[tilespmem:$0x10100] =	vst v63  }
.LBB1_8:
0x44: {  	_ =	sfence.sel $0x180000  }
0x45: {  	s2 =	simm.s32 $0x1;
	[bflag:$0x0] =	sbarrier.arrive $0xFFFF  }
0x46: {  	s31 =	simm.s32 $0x2;
	[sflag:s2] =	ssyncpa.u1 $0x1  }
0x47: {  	[sflag:s31] =	ssyncpa.u1 $0x1  }
0x48: {  	p0 =	sne.s32 s0, $0x0;
	_ =	strace $0x9000004D  }
0x49: {  	s0 =	sadd.s32 @!p0 $0x100000, s1;
	[bflag:$0x2] =	sbarrier.arrive $0xFFFF  }
0x4a: {  	[sflag:s0] =	ssyncadd.tile.s32 @!p0 $0x1;
	_ =	shalt  }
.Lfunc_end1:
_tile_overlayer_lowered:
.L_overlay_start_2:
0x4b: {  	(tag) =	ssettag $0x2  }
0x4c: {  	s0 =	rddreg [dreg:$0x0];
	s2 =	stileid.u32  }
0x4d: {  	s1 =	rddreg [dreg:$0x1];
	p0 =	sne.s32 s2, $0x0  }
0x4e: {  	s3 =	rddreg [dreg:$0x2];
	[bflag:$0x3] =	sbarrier.arrive $0xFFFF;
	s2 =	simm.s32 @!p0 $0x1C01  }
0x4f: {  	[timem:s3], [sflag:s2] =	dma.local @!p0 [hbm:s0], s1  }
0x50: {  	s0 =	simm.s32 @!p0 $0x1  }
0x51: {  	_ =	swait.ge @!p0 [sflag:s0], s1  }
0x52: {  	s1 =	ssub.s32 @!p0 $0x0, s1;
	[sflag:s0] =	ssyncset.done @!p0 $0x0  }
0x53: {  	[sflag:s0] =	ssyncadd.s32 @!p0 s1  }
0x54: {  	[bflag:$0x3] =	sbarrier.arrive $0xFFFF  }
0x55: {  	_ =	shalt  }

</sc_bundles>
